<compile_context>
chip_gen: v7x
topology: tpu7x:2x2x1
jax: 0.10.2.dev20260603
libtpu: 0.0.44.dev20260713+nightly
codegen_flags: <defaults>
</compile_context>

<pallas_src>
import functools

import jax
import jax.numpy as jnp
from jax import lax
from jax.experimental import pallas as pl
from jax.experimental.pallas import tpu as pltpu
from jax.experimental.pallas import tpu_sc as plsc

B, P, V, D = 16384, 12, 28, 24
N = B * P
NC, NS, L = 2, 16, 16
NW = NC * NS
BT = 128
NBT = B // BT
BT_W = NBT // NW
ROWS_W = BT_W * BT * P
CT = D // 8
SLAB = CT * BT_W * 8 * BT
PCT_BLK = BT_W * 8 * BT
P_STRIDE = CT * 8 * B
CT_STRIDE = NBT * 8 * BT
VB = 32


_mesh = plsc.VectorSubcoreMesh(core_axis_name="c", subcore_axis_name="s")


@functools.partial(
    pl.kernel,
    mesh=_mesh,
    out_type=jax.ShapeDtypeStruct((N * D,), jnp.float32),
    compiler_params=pltpu.CompilerParams(needs_layout_passes=False),
    scratch_types=[
        pltpu.VMEM((ROWS_W,), jnp.int32),
        pltpu.VMEM((768,), jnp.float32),
        pltpu.VMEM((P * D,), jnp.float32),
        pltpu.VMEM((P * D * VB,), jnp.float32),
        pltpu.VMEM((2 * SLAB,), jnp.float32),
        pltpu.SemaphoreType.DMA,
        pltpu.SemaphoreType.DMA,
        pltpu.SemaphoreType.DMA,
    ],
)
def _lookup(x_hbm, tab_hbm, out_hbm,
            x_v, emb_v, pos_v, comb_v, buf_v, sem0, sem1, semx):
    wid = lax.axis_index("s") * NC + lax.axis_index("c")
    col0 = wid * (BT_W * BT)
    xcps = [
        pltpu.make_async_copy(
            x_hbm.at[p, pl.ds(col0, BT_W * BT)],
            x_v.at[pl.ds(p * (BT_W * BT), BT_W * BT)],
            semx,
        )
        for p in range(P)
    ]
    for cp in xcps:
        cp.start()
    pltpu.sync_copy(tab_hbm.at[pl.ds(0, V * D)], emb_v.at[pl.ds(0, V * D)])
    pltpu.sync_copy(tab_hbm.at[pl.ds(V * D, P * D)], pos_v)

    lanes = lax.iota(jnp.int32, L)
    iota24 = lanes * D
    zeros = lanes * 0
    sems = (sem0, sem1)

    @plsc.parallel_loop(0, P * D, unroll=4)
    def _(pc):
        c = lax.rem(pc, D)
        g1 = plsc.load_gather(emb_v, [iota24 + c])
        g2 = plsc.load_gather(emb_v, [iota24 + (c + L * D)])
        pv = plsc.load_gather(pos_v, [zeros + pc])
        comb_v[pl.ds(pc * VB, L)] = g1 + pv
        comb_v[pl.ds(pc * VB + L, L)] = g2 + pv

    for cp in xcps:
        cp.wait()

    out_base = wid * PCT_BLK

    def slab_copies(p, h):
        return [
            pltpu.make_async_copy(
                buf_v.at[pl.ds(h * SLAB + ct * PCT_BLK, PCT_BLK)],
                out_hbm.at[pl.ds(p * P_STRIDE + ct * CT_STRIDE + out_base,
                                 PCT_BLK)],
                sems[h],
            )
            for ct in range(CT)
        ]

    def fill(p, h):
        pb = p * (D * VB)

        @plsc.parallel_loop(0, BT_W * (BT // L), unroll=2)
        def _(u):
            bt = lax.shift_right_logical(u, 3)
            bv = lax.bitwise_and(u, 7)
            xg = x_v[pl.ds(p * (BT_W * BT) + u * L, L)]
            o0 = h * SLAB + bt * 1024 + bv * L
            for ct in range(CT):
                for ci in range(8):
                    blk = comb_v.at[pl.ds(pb + (ct * 8 + ci) * VB, VB)]
                    val = plsc.load_gather(blk, [xg])
                    buf_v[pl.ds(o0 + ct * PCT_BLK + ci * BT, L)] = val

    def outer(p2, carry):
        for h in range(2):
            p = p2 * 2 + h

            @pl.when(p2 > 0)
            def _():
                for cp in slab_copies(p - 2, h):
                    cp.wait()

            fill(p, h)
            for cp in slab_copies(p, h):
                cp.start()
        return carry

    lax.fori_loop(0, P // 2, outer, 0)
    for h in range(2):
        for cp in slab_copies(P - 2 + h, h):
            cp.wait()


def kernel(x, emb_table, pos_table):
    xf = x.T.astype(jnp.int32)
    tab = jnp.concatenate([emb_table.reshape(-1), pos_table.reshape(-1)])
    out = _lookup(xf, tab)
    return (out.reshape(P, CT, NBT, 8, BT)
            .transpose(2, 4, 0, 1, 3)
            .reshape(B, P, D))

# --- scband reference (transcript-rebuilt; emitter-appended) ---
"""Pipeline reference for scband-ebd-1589137899768 (READ-ONLY COPY).

The authoritative reference and input builder live on the scoring server;
editing this copy changes nothing except your own understanding.
"""

import jax, jax.numpy as jnp
import numpy as np


def setup_inputs(seed: int = 0) -> dict:
    key = jax.random.key(seed)
    k1, k2, k3 = jax.random.split(key, 3)
    x = jax.random.randint(k1, (16384, 12), 0, 28, dtype=jnp.int64 if jax.config.jax_enable_x64 else jnp.int32)
    emb_table = jax.random.normal(k2, (28, 24), dtype=jnp.float32)
    pos_table = jax.random.normal(k3, (12, 24), dtype=jnp.float32)
    return {"x": x, "emb_table": emb_table, "pos_table": pos_table}


def reference(x, emb_table, pos_table):
    # embedding(x): gather rows of emb_table -> [B, 12, 24]
    tok = jnp.take(emb_table, x, axis=0)
    # pos_embedding(pos_t) where pos_t = arange(12).reshape(1, 12) -> [1, 12, 24]
    pos_t = jnp.arange(12).reshape(1, 12)
    pos = jnp.take(pos_table, pos_t, axis=0)
    return tok + pos

if __name__ == "__main__":
    import jax
    _d = setup_inputs()
    print(jax.jit(kernel)(*tuple(_d.values())))

</pallas_src>

<mosaic_0001>
#map = affine_map<(d0, d1) -> (0, 0)>
#map1 = affine_map<(d0, d1) -> (0)>
module attributes {stable_mosaic.version = 14 : i64} {
  func.func @_lookup(%arg0: i32, %arg1: i32, %arg2: memref<12x16384xi32, #tpu.memory_space<hbm>>, %arg3: memref<960xf32, #tpu.memory_space<hbm>>, %arg4: memref<4718592xf32, #tpu.memory_space<hbm>>, %arg5: memref<6144xi32, #tpu.memory_space<vmem>>, %arg6: memref<768xf32, #tpu.memory_space<vmem>>, %arg7: memref<288xf32, #tpu.memory_space<vmem>>, %arg8: memref<9216xf32, #tpu.memory_space<vmem>>, %arg9: memref<24576xf32, #tpu.memory_space<vmem>>, %arg10: memref<!tpu.dma_semaphore, #tpu.memory_space<semaphore_mem>>, %arg11: memref<!tpu.dma_semaphore, #tpu.memory_space<semaphore_mem>>, %arg12: memref<!tpu.dma_semaphore, #tpu.memory_space<semaphore_mem>>) attributes {dimension_semantics = [#tpu.dimension_semantics<core_parallel>, #tpu.dimension_semantics<subcore_parallel>], iteration_bounds = array<i64: 2, 16>, scalar_prefetch = 0 : i64, scratch_operands = 8 : i64, tpu.core_type = #tpu.core_type<sc_vector_subcore>, window_params = [{transform_indices = #map}, {transform_indices = #map1}, {transform_indices = #map1}]} {
    %mul3A = arith.constant 2 : i32
    %mul3A_0 = arith.muli %arg1, %mul3A : i32
    %add3A = arith.addi %mul3A_0, %arg0 : i32
    %mul3A_1 = arith.constant 512 : i32
    %mul3A_2 = arith.muli %add3A, %mul3A_1 : i32
    %dma_start3A = arith.constant 0 : i32
    %dma_start3A_3 = arith.constant 0 : i32
    %dma_start3A_4 = tpu.memref_slice %arg5[%dma_start3A_3] : memref<6144xi32, #tpu.memory_space<vmem>> -> memref<512xi32, #tpu.memory_space<vmem>>
    %dma_start3A_5 = tpu.memref_slice %arg2[%dma_start3A, %mul3A_2] : memref<12x16384xi32, #tpu.memory_space<hbm>> -> memref<1x512xi32, #tpu.memory_space<hbm>>
    %dma_start3A_6 = tpu.memref_squeeze %dma_start3A_5 : memref<1x512xi32, #tpu.memory_space<hbm>> -> memref<512xi32, #tpu.memory_space<hbm>>
    %dma_start3A_7 = arith.constant 0 : i32
    %dma_start3A_8 = tpu.memref_slice %arg5[%dma_start3A_7] : memref<6144xi32, #tpu.memory_space<vmem>> -> memref<512xi32, #tpu.memory_space<vmem>>
    %dma_start3A_9 = tpu.memref_slice %arg2[%dma_start3A, %mul3A_2] : memref<12x16384xi32, #tpu.memory_space<hbm>> -> memref<1x512xi32, #tpu.memory_space<hbm>>
    %dma_start3A_10 = tpu.memref_squeeze %dma_start3A_9 : memref<1x512xi32, #tpu.memory_space<hbm>> -> memref<512xi32, #tpu.memory_space<hbm>>
    tpu.enqueue_dma source(%dma_start3A_10 : memref<512xi32, #tpu.memory_space<hbm>>) target(%dma_start3A_8 : memref<512xi32, #tpu.memory_space<vmem>>) target_semaphore(%arg12 : memref<!tpu.dma_semaphore, #tpu.memory_space<semaphore_mem>>)
    %dma_start3A_11 = arith.constant 1 : i32
    %dma_start3A_12 = arith.constant 512 : i32
    %dma_start3A_13 = tpu.memref_slice %arg5[%dma_start3A_12] : memref<6144xi32, #tpu.memory_space<vmem>> -> memref<512xi32, #tpu.memory_space<vmem>>
    %dma_start3A_14 = tpu.memref_slice %arg2[%dma_start3A_11, %mul3A_2] : memref<12x16384xi32, #tpu.memory_space<hbm>> -> memref<1x512xi32, #tpu.memory_space<hbm>>
    %dma_start3A_15 = tpu.memref_squeeze %dma_start3A_14 : memref<1x512xi32, #tpu.memory_space<hbm>> -> memref<512xi32, #tpu.memory_space<hbm>>
    %dma_start3A_16 = arith.constant 512 : i32
    %dma_start3A_17 = tpu.memref_slice %arg5[%dma_start3A_16] : memref<6144xi32, #tpu.memory_space<vmem>> -> memref<512xi32, #tpu.memory_space<vmem>>
    %dma_start3A_18 = tpu.memref_slice %arg2[%dma_start3A_11, %mul3A_2] : memref<12x16384xi32, #tpu.memory_space<hbm>> -> memref<1x512xi32, #tpu.memory_space<hbm>>
    %dma_start3A_19 = tpu.memref_squeeze %dma_start3A_18 : memref<1x512xi32, #tpu.memory_space<hbm>> -> memref<512xi32, #tpu.memory_space<hbm>>
    tpu.enqueue_dma source(%dma_start3A_19 : memref<512xi32, #tpu.memory_space<hbm>>) target(%dma_start3A_17 : memref<512xi32, #tpu.memory_space<vmem>>) target_semaphore(%arg12 : memref<!tpu.dma_semaphore, #tpu.memory_space<semaphore_mem>>)
    %dma_start3A_20 = arith.constant 2 : i32
    %dma_start3A_21 = arith.constant 1024 : i32
    %dma_start3A_22 = tpu.memref_slice %arg5[%dma_start3A_21] : memref<6144xi32, #tpu.memory_space<vmem>> -> memref<512xi32, #tpu.memory_space<vmem>>
    %dma_start3A_23 = tpu.memref_slice %arg2[%dma_start3A_20, %mul3A_2] : memref<12x16384xi32, #tpu.memory_space<hbm>> -> memref<1x512xi32, #tpu.memory_space<hbm>>
    %dma_start3A_24 = tpu.memref_squeeze %dma_start3A_23 : memref<1x512xi32, #tpu.memory_space<hbm>> -> memref<512xi32, #tpu.memory_space<hbm>>
    %dma_start3A_25 = arith.constant 1024 : i32
    %dma_start3A_26 = tpu.memref_slice %arg5[%dma_start3A_25] : memref<6144xi32, #tpu.memory_space<vmem>> -> memref<512xi32, #tpu.memory_space<vmem>>
    %dma_start3A_27 = tpu.memref_slice %arg2[%dma_start3A_20, %mul3A_2] : memref<12x16384xi32, #tpu.memory_space<hbm>> -> memref<1x512xi32, #tpu.memory_space<hbm>>
    %dma_start3A_28 = tpu.memref_squeeze %dma_start3A_27 : memref<1x512xi32, #tpu.memory_space<hbm>> -> memref<512xi32, #tpu.memory_space<hbm>>
    tpu.enqueue_dma source(%dma_start3A_28 : memref<512xi32, #tpu.memory_space<hbm>>) target(%dma_start3A_26 : memref<512xi32, #tpu.memory_space<vmem>>) target_semaphore(%arg12 : memref<!tpu.dma_semaphore, #tpu.memory_space<semaphore_mem>>)
    %dma_start3A_29 = arith.constant 3 : i32
    %dma_start3A_30 = arith.constant 1536 : i32
    %dma_start3A_31 = tpu.memref_slice %arg5[%dma_start3A_30] : memref<6144xi32, #tpu.memory_space<vmem>> -> memref<512xi32, #tpu.memory_space<vmem>>
    %dma_start3A_32 = tpu.memref_slice %arg2[%dma_start3A_29, %mul3A_2] : memref<12x16384xi32, #tpu.memory_space<hbm>> -> memref<1x512xi32, #tpu.memory_space<hbm>>
    %dma_start3A_33 = tpu.memref_squeeze %dma_start3A_32 : memref<1x512xi32, #tpu.memory_space<hbm>> -> memref<512xi32, #tpu.memory_space<hbm>>
    %dma_start3A_34 = arith.constant 1536 : i32
    %dma_start3A_35 = tpu.memref_slice %arg5[%dma_start3A_34] : memref<6144xi32, #tpu.memory_space<vmem>> -> memref<512xi32, #tpu.memory_space<vmem>>
    %dma_start3A_36 = tpu.memref_slice %arg2[%dma_start3A_29, %mul3A_2] : memref<12x16384xi32, #tpu.memory_space<hbm>> -> memref<1x512xi32, #tpu.memory_space<hbm>>
    %dma_start3A_37 = tpu.memref_squeeze %dma_start3A_36 : memref<1x512xi32, #tpu.memory_space<hbm>> -> memref<512xi32, #tpu.memory_space<hbm>>
    tpu.enqueue_dma source(%dma_start3A_37 : memref<512xi32, #tpu.memory_space<hbm>>) target(%dma_start3A_35 : memref<512xi32, #tpu.memory_space<vmem>>) target_semaphore(%arg12 : memref<!tpu.dma_semaphore, #tpu.memory_space<semaphore_mem>>)
    %dma_start3A_38 = arith.constant 4 : i32
    %dma_start3A_39 = arith.constant 2048 : i32
    %dma_start3A_40 = tpu.memref_slice %arg5[%dma_start3A_39] : memref<6144xi32, #tpu.memory_space<vmem>> -> memref<512xi32, #tpu.memory_space<vmem>>
    %dma_start3A_41 = tpu.memref_slice %arg2[%dma_start3A_38, %mul3A_2] : memref<12x16384xi32, #tpu.memory_space<hbm>> -> memref<1x512xi32, #tpu.memory_space<hbm>>
    %dma_start3A_42 = tpu.memref_squeeze %dma_start3A_41 : memref<1x512xi32, #tpu.memory_space<hbm>> -> memref<512xi32, #tpu.memory_space<hbm>>
    %dma_start3A_43 = arith.constant 2048 : i32
    %dma_start3A_44 = tpu.memref_slice %arg5[%dma_start3A_43] : memref<6144xi32, #tpu.memory_space<vmem>> -> memref<512xi32, #tpu.memory_space<vmem>>
    %dma_start3A_45 = tpu.memref_slice %arg2[%dma_start3A_38, %mul3A_2] : memref<12x16384xi32, #tpu.memory_space<hbm>> -> memref<1x512xi32, #tpu.memory_space<hbm>>
    %dma_start3A_46 = tpu.memref_squeeze %dma_start3A_45 : memref<1x512xi32, #tpu.memory_space<hbm>> -> memref<512xi32, #tpu.memory_space<hbm>>
    tpu.enqueue_dma source(%dma_start3A_46 : memref<512xi32, #tpu.memory_space<hbm>>) target(%dma_start3A_44 : memref<512xi32, #tpu.memory_space<vmem>>) target_semaphore(%arg12 : memref<!tpu.dma_semaphore, #tpu.memory_space<semaphore_mem>>)
    %dma_start3A_47 = arith.constant 5 : i32
    %dma_start3A_48 = arith.constant 2560 : i32
    %dma_start3A_49 = tpu.memref_slice %arg5[%dma_start3A_48] : memref<6144xi32, #tpu.memory_space<vmem>> -> memref<512xi32, #tpu.memory_space<vmem>>
    %dma_start3A_50 = tpu.memref_slice %arg2[%dma_start3A_47, %mul3A_2] : memref<12x16384xi32, #tpu.memory_space<hbm>> -> memref<1x512xi32, #tpu.memory_space<hbm>>
    %dma_start3A_51 = tpu.memref_squeeze %dma_start3A_50 : memref<1x512xi32, #tpu.memory_space<hbm>> -> memref<512xi32, #tpu.memory_space<hbm>>
    %dma_start3A_52 = arith.constant 2560 : i32
    %dma_start3A_53 = tpu.memref_slice %arg5[%dma_start3A_52] : memref<6144xi32, #tpu.memory_space<vmem>> -> memref<512xi32, #tpu.memory_space<vmem>>
    %dma_start3A_54 = tpu.memref_slice %arg2[%dma_start3A_47, %mul3A_2] : memref<12x16384xi32, #tpu.memory_space<hbm>> -> memref<1x512xi32, #tpu.memory_space<hbm>>
    %dma_start3A_55 = tpu.memref_squeeze %dma_start3A_54 : memref<1x512xi32, #tpu.memory_space<hbm>> -> memref<512xi32, #tpu.memory_space<hbm>>
    tpu.enqueue_dma source(%dma_start3A_55 : memref<512xi32, #tpu.memory_space<hbm>>) target(%dma_start3A_53 : memref<512xi32, #tpu.memory_space<vmem>>) target_semaphore(%arg12 : memref<!tpu.dma_semaphore, #tpu.memory_space<semaphore_mem>>)
    %dma_start3A_56 = arith.constant 6 : i32
    %dma_start3A_57 = arith.constant 3072 : i32
    %dma_start3A_58 = tpu.memref_slice %arg5[%dma_start3A_57] : memref<6144xi32, #tpu.memory_space<vmem>> -> memref<512xi32, #tpu.memory_space<vmem>>
    %dma_start3A_59 = tpu.memref_slice %arg2[%dma_start3A_56, %mul3A_2] : memref<12x16384xi32, #tpu.memory_space<hbm>> -> memref<1x512xi32, #tpu.memory_space<hbm>>
    %dma_start3A_60 = tpu.memref_squeeze %dma_start3A_59 : memref<1x512xi32, #tpu.memory_space<hbm>> -> memref<512xi32, #tpu.memory_space<hbm>>
    %dma_start3A_61 = arith.constant 3072 : i32
    %dma_start3A_62 = tpu.memref_slice %arg5[%dma_start3A_61] : memref<6144xi32, #tpu.memory_space<vmem>> -> memref<512xi32, #tpu.memory_space<vmem>>
    %dma_start3A_63 = tpu.memref_slice %arg2[%dma_start3A_56, %mul3A_2] : memref<12x16384xi32, #tpu.memory_space<hbm>> -> memref<1x512xi32, #tpu.memory_space<hbm>>
    %dma_start3A_64 = tpu.memref_squeeze %dma_start3A_63 : memref<1x512xi32, #tpu.memory_space<hbm>> -> memref<512xi32, #tpu.memory_space<hbm>>
    tpu.enqueue_dma source(%dma_start3A_64 : memref<512xi32, #tpu.memory_space<hbm>>) target(%dma_start3A_62 : memref<512xi32, #tpu.memory_space<vmem>>) target_semaphore(%arg12 : memref<!tpu.dma_semaphore, #tpu.memory_space<semaphore_mem>>)
    %dma_start3A_65 = arith.constant 7 : i32
    %dma_start3A_66 = arith.constant 3584 : i32
    %dma_start3A_67 = tpu.memref_slice %arg5[%dma_start3A_66] : memref<6144xi32, #tpu.memory_space<vmem>> -> memref<512xi32, #tpu.memory_space<vmem>>
    %dma_start3A_68 = tpu.memref_slice %arg2[%dma_start3A_65, %mul3A_2] : memref<12x16384xi32, #tpu.memory_space<hbm>> -> memref<1x512xi32, #tpu.memory_space<hbm>>
    %dma_start3A_69 = tpu.memref_squeeze %dma_start3A_68 : memref<1x512xi32, #tpu.memory_space<hbm>> -> memref<512xi32, #tpu.memory_space<hbm>>
    %dma_start3A_70 = arith.constant 3584 : i32
    %dma_start3A_71 = tpu.memref_slice %arg5[%dma_start3A_70] : memref<6144xi32, #tpu.memory_space<vmem>> -> memref<512xi32, #tpu.memory_space<vmem>>
    %dma_start3A_72 = tpu.memref_slice %arg2[%dma_start3A_65, %mul3A_2] : memref<12x16384xi32, #tpu.memory_space<hbm>> -> memref<1x512xi32, #tpu.memory_space<hbm>>
    %dma_start3A_73 = tpu.memref_squeeze %dma_start3A_72 : memref<1x512xi32, #tpu.memory_space<hbm>> -> memref<512xi32, #tpu.memory_space<hbm>>
    tpu.enqueue_dma source(%dma_start3A_73 : memref<512xi32, #tpu.memory_space<hbm>>) target(%dma_start3A_71 : memref<512xi32, #tpu.memory_space<vmem>>) target_semaphore(%arg12 : memref<!tpu.dma_semaphore, #tpu.memory_space<semaphore_mem>>)
    %dma_start3A_74 = arith.constant 8 : i32
    %dma_start3A_75 = arith.constant 4096 : i32
    %dma_start3A_76 = tpu.memref_slice %arg5[%dma_start3A_75] : memref<6144xi32, #tpu.memory_space<vmem>> -> memref<512xi32, #tpu.memory_space<vmem>>
    %dma_start3A_77 = tpu.memref_slice %arg2[%dma_start3A_74, %mul3A_2] : memref<12x16384xi32, #tpu.memory_space<hbm>> -> memref<1x512xi32, #tpu.memory_space<hbm>>
    %dma_start3A_78 = tpu.memref_squeeze %dma_start3A_77 : memref<1x512xi32, #tpu.memory_space<hbm>> -> memref<512xi32, #tpu.memory_space<hbm>>
    %dma_start3A_79 = arith.constant 4096 : i32
    %dma_start3A_80 = tpu.memref_slice %arg5[%dma_start3A_79] : memref<6144xi32, #tpu.memory_space<vmem>> -> memref<512xi32, #tpu.memory_space<vmem>>
    %dma_start3A_81 = tpu.memref_slice %arg2[%dma_start3A_74, %mul3A_2] : memref<12x16384xi32, #tpu.memory_space<hbm>> -> memref<1x512xi32, #tpu.memory_space<hbm>>
    %dma_start3A_82 = tpu.memref_squeeze %dma_start3A_81 : memref<1x512xi32, #tpu.memory_space<hbm>> -> memref<512xi32, #tpu.memory_space<hbm>>
    tpu.enqueue_dma source(%dma_start3A_82 : memref<512xi32, #tpu.memory_space<hbm>>) target(%dma_start3A_80 : memref<512xi32, #tpu.memory_space<vmem>>) target_semaphore(%arg12 : memref<!tpu.dma_semaphore, #tpu.memory_space<semaphore_mem>>)
    %dma_start3A_83 = arith.constant 9 : i32
    %dma_start3A_84 = arith.constant 4608 : i32
    %dma_start3A_85 = tpu.memref_slice %arg5[%dma_start3A_84] : memref<6144xi32, #tpu.memory_space<vmem>> -> memref<512xi32, #tpu.memory_space<vmem>>
    %dma_start3A_86 = tpu.memref_slice %arg2[%dma_start3A_83, %mul3A_2] : memref<12x16384xi32, #tpu.memory_space<hbm>> -> memref<1x512xi32, #tpu.memory_space<hbm>>
    %dma_start3A_87 = tpu.memref_squeeze %dma_start3A_86 : memref<1x512xi32, #tpu.memory_space<hbm>> -> memref<512xi32, #tpu.memory_space<hbm>>
    %dma_start3A_88 = arith.constant 4608 : i32
    %dma_start3A_89 = tpu.memref_slice %arg5[%dma_start3A_88] : memref<6144xi32, #tpu.memory_space<vmem>> -> memref<512xi32, #tpu.memory_space<vmem>>
    %dma_start3A_90 = tpu.memref_slice %arg2[%dma_start3A_83, %mul3A_2] : memref<12x16384xi32, #tpu.memory_space<hbm>> -> memref<1x512xi32, #tpu.memory_space<hbm>>
    %dma_start3A_91 = tpu.memref_squeeze %dma_start3A_90 : memref<1x512xi32, #tpu.memory_space<hbm>> -> memref<512xi32, #tpu.memory_space<hbm>>
    tpu.enqueue_dma source(%dma_start3A_91 : memref<512xi32, #tpu.memory_space<hbm>>) target(%dma_start3A_89 : memref<512xi32, #tpu.memory_space<vmem>>) target_semaphore(%arg12 : memref<!tpu.dma_semaphore, #tpu.memory_space<semaphore_mem>>)
    %dma_start3A_92 = arith.constant 10 : i32
    %dma_start3A_93 = arith.constant 5120 : i32
    %dma_start3A_94 = tpu.memref_slice %arg5[%dma_start3A_93] : memref<6144xi32, #tpu.memory_space<vmem>> -> memref<512xi32, #tpu.memory_space<vmem>>
    %dma_start3A_95 = tpu.memref_slice %arg2[%dma_start3A_92, %mul3A_2] : memref<12x16384xi32, #tpu.memory_space<hbm>> -> memref<1x512xi32, #tpu.memory_space<hbm>>
    %dma_start3A_96 = tpu.memref_squeeze %dma_start3A_95 : memref<1x512xi32, #tpu.memory_space<hbm>> -> memref<512xi32, #tpu.memory_space<hbm>>
    %dma_start3A_97 = arith.constant 5120 : i32
    %dma_start3A_98 = tpu.memref_slice %arg5[%dma_start3A_97] : memref<6144xi32, #tpu.memory_space<vmem>> -> memref<512xi32, #tpu.memory_space<vmem>>
    %dma_start3A_99 = tpu.memref_slice %arg2[%dma_start3A_92, %mul3A_2] : memref<12x16384xi32, #tpu.memory_space<hbm>> -> memref<1x512xi32, #tpu.memory_space<hbm>>
    %dma_start3A_100 = tpu.memref_squeeze %dma_start3A_99 : memref<1x512xi32, #tpu.memory_space<hbm>> -> memref<512xi32, #tpu.memory_space<hbm>>
    tpu.enqueue_dma source(%dma_start3A_100 : memref<512xi32, #tpu.memory_space<hbm>>) target(%dma_start3A_98 : memref<512xi32, #tpu.memory_space<vmem>>) target_semaphore(%arg12 : memref<!tpu.dma_semaphore, #tpu.memory_space<semaphore_mem>>)
    %dma_start3A_101 = arith.constant 11 : i32
    %dma_start3A_102 = arith.constant 5632 : i32
    %dma_start3A_103 = tpu.memref_slice %arg5[%dma_start3A_102] : memref<6144xi32, #tpu.memory_space<vmem>> -> memref<512xi32, #tpu.memory_space<vmem>>
    %dma_start3A_104 = tpu.memref_slice %arg2[%dma_start3A_101, %mul3A_2] : memref<12x16384xi32, #tpu.memory_space<hbm>> -> memref<1x512xi32, #tpu.memory_space<hbm>>
    %dma_start3A_105 = tpu.memref_squeeze %dma_start3A_104 : memref<1x512xi32, #tpu.memory_space<hbm>> -> memref<512xi32, #tpu.memory_space<hbm>>
    %dma_start3A_106 = arith.constant 5632 : i32
    %dma_start3A_107 = tpu.memref_slice %arg5[%dma_start3A_106] : memref<6144xi32, #tpu.memory_space<vmem>> -> memref<512xi32, #tpu.memory_space<vmem>>
    %dma_start3A_108 = tpu.memref_slice %arg2[%dma_start3A_101, %mul3A_2] : memref<12x16384xi32, #tpu.memory_space<hbm>> -> memref<1x512xi32, #tpu.memory_space<hbm>>
    %dma_start3A_109 = tpu.memref_squeeze %dma_start3A_108 : memref<1x512xi32, #tpu.memory_space<hbm>> -> memref<512xi32, #tpu.memory_space<hbm>>
    tpu.enqueue_dma source(%dma_start3A_109 : memref<512xi32, #tpu.memory_space<hbm>>) target(%dma_start3A_107 : memref<512xi32, #tpu.memory_space<vmem>>) target_semaphore(%arg12 : memref<!tpu.dma_semaphore, #tpu.memory_space<semaphore_mem>>)
    "tpu.region"() ({
      %run_scoped3A = tpu.sem_alloc : memref<!tpu.dma_semaphore, #tpu.memory_space<semaphore_mem>>
      %dma_start3A_280 = arith.constant 0 : i32
      %dma_start3A_281 = tpu.memref_slice %arg6[%dma_start3A_280] : memref<768xf32, #tpu.memory_space<vmem>> -> memref<672xf32, #tpu.memory_space<vmem>>
      %dma_start3A_282 = arith.constant 0 : i32
      %dma_start3A_283 = tpu.memref_slice %arg3[%dma_start3A_282] : memref<960xf32, #tpu.memory_space<hbm>> -> memref<672xf32, #tpu.memory_space<hbm>>
      %dma_start3A_284 = arith.constant 0 : i32
      %dma_start3A_285 = tpu.memref_slice %arg6[%dma_start3A_284] : memref<768xf32, #tpu.memory_space<vmem>> -> memref<672xf32, #tpu.memory_space<vmem>>
      %dma_start3A_286 = arith.constant 0 : i32
      %dma_start3A_287 = tpu.memref_slice %arg3[%dma_start3A_286] : memref<960xf32, #tpu.memory_space<hbm>> -> memref<672xf32, #tpu.memory_space<hbm>>
      tpu.enqueue_dma source(%dma_start3A_287 : memref<672xf32, #tpu.memory_space<hbm>>) target(%dma_start3A_285 : memref<672xf32, #tpu.memory_space<vmem>>) target_semaphore(%run_scoped3A : memref<!tpu.dma_semaphore, #tpu.memory_space<semaphore_mem>>)
      %dma_wait3A_288 = arith.constant 0 : i32
      %dma_wait3A_289 = tpu.memref_slice %arg6[%dma_wait3A_288] : memref<768xf32, #tpu.memory_space<vmem>> -> memref<672xf32, #tpu.memory_space<vmem>>
      %dma_wait3A_290 = arith.constant 0 : i32
      %dma_wait3A_291 = tpu.memref_slice %arg3[%dma_wait3A_290] : memref<960xf32, #tpu.memory_space<hbm>> -> memref<672xf32, #tpu.memory_space<hbm>>
      %dma_wait3A_292 = arith.constant 0 : i32
      %dma_wait3A_293 = tpu.memref_slice %arg6[%dma_wait3A_292] : memref<768xf32, #tpu.memory_space<vmem>> -> memref<672xf32, #tpu.memory_space<vmem>>
      %dma_wait3A_294 = arith.constant 0 : i32
      %dma_wait3A_295 = tpu.memref_slice %arg3[%dma_wait3A_294] : memref<960xf32, #tpu.memory_space<hbm>> -> memref<672xf32, #tpu.memory_space<hbm>>
      tpu.wait_dma2 semaphore(%run_scoped3A : memref<!tpu.dma_semaphore, #tpu.memory_space<semaphore_mem>>) src(%dma_wait3A_295 : memref<672xf32, #tpu.memory_space<hbm>>) dst(%dma_wait3A_293 : memref<672xf32, #tpu.memory_space<vmem>>)
      tpu.yield
    }) : () -> ()
    "tpu.region"() ({
      %run_scoped3A = tpu.sem_alloc : memref<!tpu.dma_semaphore, #tpu.memory_space<semaphore_mem>>
      %dma_start3A_280 = arith.constant 672 : i32
      %dma_start3A_281 = tpu.memref_slice %arg3[%dma_start3A_280] : memref<960xf32, #tpu.memory_space<hbm>> -> memref<288xf32, #tpu.memory_space<hbm>>
      %dma_start3A_282 = arith.constant 672 : i32
      %dma_start3A_283 = tpu.memref_slice %arg3[%dma_start3A_282] : memref<960xf32, #tpu.memory_space<hbm>> -> memref<288xf32, #tpu.memory_space<hbm>>
      tpu.enqueue_dma source(%dma_start3A_283 : memref<288xf32, #tpu.memory_space<hbm>>) target(%arg7 : memref<288xf32, #tpu.memory_space<vmem>>) target_semaphore(%run_scoped3A : memref<!tpu.dma_semaphore, #tpu.memory_space<semaphore_mem>>)
      %dma_wait3A_284 = arith.constant 672 : i32
      %dma_wait3A_285 = tpu.memref_slice %arg3[%dma_wait3A_284] : memref<960xf32, #tpu.memory_space<hbm>> -> memref<288xf32, #tpu.memory_space<hbm>>
      %dma_wait3A_286 = arith.constant 672 : i32
      %dma_wait3A_287 = tpu.memref_slice %arg3[%dma_wait3A_286] : memref<960xf32, #tpu.memory_space<hbm>> -> memref<288xf32, #tpu.memory_space<hbm>>
      tpu.wait_dma2 semaphore(%run_scoped3A : memref<!tpu.dma_semaphore, #tpu.memory_space<semaphore_mem>>) src(%dma_wait3A_287 : memref<288xf32, #tpu.memory_space<hbm>>) dst(%arg7 : memref<288xf32, #tpu.memory_space<vmem>>)
      tpu.yield
    }) : () -> ()
    %iota3A = tpu.iota {dimensions = array<i32: 0>} : vector<16xi32>
    %mul3A_110 = arith.constant 24 : i32
    %mul3A_111 = vector.broadcast %mul3A_110 : i32 to vector<16xi32>
    %mul3A_112 = arith.muli %iota3A, %mul3A_111 : vector<16xi32>
    %mul3A_113 = arith.constant 0 : i32
    %mul3A_114 = vector.broadcast %mul3A_113 : i32 to vector<16xi32>
    %mul3A_115 = arith.muli %iota3A, %mul3A_114 : vector<16xi32>
    %parallel_loop3A = arith.constant 0 : i32
    %parallel_loop3A_116 = arith.constant 288 : i32
    %parallel_loop3A_117 = arith.constant 1 : i32
    scf.for %parallel_loop3A_280 = %parallel_loop3A to %parallel_loop3A_116 step %parallel_loop3A_117  : i32 {
      %parallel_loop3A_281 = arith.constant 24 : i32
      %parallel_loop3A_282 = arith.remsi %parallel_loop3A_280, %parallel_loop3A_281 : i32
      %parallel_loop3A_283 = vector.broadcast %parallel_loop3A_282 : i32 to vector<16xi32>
      %parallel_loop3A_284 = arith.addi %mul3A_112, %parallel_loop3A_283 : vector<16xi32>
      %parallel_loop3A_285 = tpu.vector_load_idx %arg6[%parallel_loop3A_284] : memref<768xf32, #tpu.memory_space<vmem>>[vector<16xi32>], vector<16xf32>,
      %parallel_loop3A_286 = arith.constant 384 : i32
      %parallel_loop3A_287 = arith.addi %parallel_loop3A_282, %parallel_loop3A_286 : i32
      %parallel_loop3A_288 = vector.broadcast %parallel_loop3A_287 : i32 to vector<16xi32>
      %parallel_loop3A_289 = arith.addi %mul3A_112, %parallel_loop3A_288 : vector<16xi32>
      %parallel_loop3A_290 = tpu.vector_load_idx %arg6[%parallel_loop3A_289] : memref<768xf32, #tpu.memory_space<vmem>>[vector<16xi32>], vector<16xf32>,
      %parallel_loop3A_291 = vector.broadcast %parallel_loop3A_280 : i32 to vector<16xi32>
      %parallel_loop3A_292 = arith.addi %mul3A_115, %parallel_loop3A_291 : vector<16xi32>
      %parallel_loop3A_293 = tpu.vector_load_idx %arg7[%parallel_loop3A_292] : memref<288xf32, #tpu.memory_space<vmem>>[vector<16xi32>], vector<16xf32>,
      %parallel_loop3A_294 = arith.addf %parallel_loop3A_285, %parallel_loop3A_293 : vector<16xf32>
      %parallel_loop3A_295 = arith.constant 32 : i32
      %parallel_loop3A_296 = arith.muli %parallel_loop3A_280, %parallel_loop3A_295 : i32
      %parallel_loop3A_297 = arith.index_cast %parallel_loop3A_296 : i32 to index
      %parallel_loop3A_298 = tpu.vector_load %arg8[%parallel_loop3A_297] {strides = array<i32>} : memref<9216xf32, #tpu.memory_space<vmem>>, vector<16xf32>,
      tpu.vector_store %arg8[%parallel_loop3A_297], %parallel_loop3A_294 {strides = array<i32>} : memref<9216xf32, #tpu.memory_space<vmem>>, vector<16xf32>,
      %parallel_loop3A_299 = arith.addf %parallel_loop3A_290, %parallel_loop3A_293 : vector<16xf32>
      %parallel_loop3A_300 = arith.constant 32 : i32
      %parallel_loop3A_301 = arith.muli %parallel_loop3A_280, %parallel_loop3A_300 : i32
      %parallel_loop3A_302 = arith.constant 16 : i32
      %parallel_loop3A_303 = arith.addi %parallel_loop3A_301, %parallel_loop3A_302 : i32
      %parallel_loop3A_304 = arith.index_cast %parallel_loop3A_303 : i32 to index
      %parallel_loop3A_305 = tpu.vector_load %arg8[%parallel_loop3A_304] {strides = array<i32>} : memref<9216xf32, #tpu.memory_space<vmem>>, vector<16xf32>,
      tpu.vector_store %arg8[%parallel_loop3A_304], %parallel_loop3A_299 {strides = array<i32>} : memref<9216xf32, #tpu.memory_space<vmem>>, vector<16xf32>,
    } {sc.loop_unroll_factor = 4 : i64, sc.parallel_access}
    %dma_wait3A = arith.constant 0 : i32
    %dma_wait3A_118 = arith.constant 0 : i32
    %dma_wait3A_119 = tpu.memref_slice %arg5[%dma_wait3A_118] : memref<6144xi32, #tpu.memory_space<vmem>> -> memref<512xi32, #tpu.memory_space<vmem>>
    %dma_wait3A_120 = tpu.memref_slice %arg2[%dma_wait3A, %mul3A_2] : memref<12x16384xi32, #tpu.memory_space<hbm>> -> memref<1x512xi32, #tpu.memory_space<hbm>>
    %dma_wait3A_121 = tpu.memref_squeeze %dma_wait3A_120 : memref<1x512xi32, #tpu.memory_space<hbm>> -> memref<512xi32, #tpu.memory_space<hbm>>
    %dma_wait3A_122 = arith.constant 0 : i32
    %dma_wait3A_123 = tpu.memref_slice %arg5[%dma_wait3A_122] : memref<6144xi32, #tpu.memory_space<vmem>> -> memref<512xi32, #tpu.memory_space<vmem>>
    %dma_wait3A_124 = tpu.memref_slice %arg2[%dma_wait3A, %mul3A_2] : memref<12x16384xi32, #tpu.memory_space<hbm>> -> memref<1x512xi32, #tpu.memory_space<hbm>>
    %dma_wait3A_125 = tpu.memref_squeeze %dma_wait3A_124 : memref<1x512xi32, #tpu.memory_space<hbm>> -> memref<512xi32, #tpu.memory_space<hbm>>
    tpu.wait_dma2 semaphore(%arg12 : memref<!tpu.dma_semaphore, #tpu.memory_space<semaphore_mem>>) src(%dma_wait3A_125 : memref<512xi32, #tpu.memory_space<hbm>>) dst(%dma_wait3A_123 : memref<512xi32, #tpu.memory_space<vmem>>)
    %dma_wait3A_126 = arith.constant 1 : i32
    %dma_wait3A_127 = arith.constant 512 : i32
    %dma_wait3A_128 = tpu.memref_slice %arg5[%dma_wait3A_127] : memref<6144xi32, #tpu.memory_space<vmem>> -> memref<512xi32, #tpu.memory_space<vmem>>
    %dma_wait3A_129 = tpu.memref_slice %arg2[%dma_wait3A_126, %mul3A_2] : memref<12x16384xi32, #tpu.memory_space<hbm>> -> memref<1x512xi32, #tpu.memory_space<hbm>>
    %dma_wait3A_130 = tpu.memref_squeeze %dma_wait3A_129 : memref<1x512xi32, #tpu.memory_space<hbm>> -> memref<512xi32, #tpu.memory_space<hbm>>
    %dma_wait3A_131 = arith.constant 512 : i32
    %dma_wait3A_132 = tpu.memref_slice %arg5[%dma_wait3A_131] : memref<6144xi32, #tpu.memory_space<vmem>> -> memref<512xi32, #tpu.memory_space<vmem>>
    %dma_wait3A_133 = tpu.memref_slice %arg2[%dma_wait3A_126, %mul3A_2] : memref<12x16384xi32, #tpu.memory_space<hbm>> -> memref<1x512xi32, #tpu.memory_space<hbm>>
    %dma_wait3A_134 = tpu.memref_squeeze %dma_wait3A_133 : memref<1x512xi32, #tpu.memory_space<hbm>> -> memref<512xi32, #tpu.memory_space<hbm>>
    tpu.wait_dma2 semaphore(%arg12 : memref<!tpu.dma_semaphore, #tpu.memory_space<semaphore_mem>>) src(%dma_wait3A_134 : memref<512xi32, #tpu.memory_space<hbm>>) dst(%dma_wait3A_132 : memref<512xi32, #tpu.memory_space<vmem>>)
    %dma_wait3A_135 = arith.constant 2 : i32
    %dma_wait3A_136 = arith.constant 1024 : i32
    %dma_wait3A_137 = tpu.memref_slice %arg5[%dma_wait3A_136] : memref<6144xi32, #tpu.memory_space<vmem>> -> memref<512xi32, #tpu.memory_space<vmem>>
    %dma_wait3A_138 = tpu.memref_slice %arg2[%dma_wait3A_135, %mul3A_2] : memref<12x16384xi32, #tpu.memory_space<hbm>> -> memref<1x512xi32, #tpu.memory_space<hbm>>
    %dma_wait3A_139 = tpu.memref_squeeze %dma_wait3A_138 : memref<1x512xi32, #tpu.memory_space<hbm>> -> memref<512xi32, #tpu.memory_space<hbm>>
    %dma_wait3A_140 = arith.constant 1024 : i32
    %dma_wait3A_141 = tpu.memref_slice %arg5[%dma_wait3A_140] : memref<6144xi32, #tpu.memory_space<vmem>> -> memref<512xi32, #tpu.memory_space<vmem>>
    %dma_wait3A_142 = tpu.memref_slice %arg2[%dma_wait3A_135, %mul3A_2] : memref<12x16384xi32, #tpu.memory_space<hbm>> -> memref<1x512xi32, #tpu.memory_space<hbm>>
    %dma_wait3A_143 = tpu.memref_squeeze %dma_wait3A_142 : memref<1x512xi32, #tpu.memory_space<hbm>> -> memref<512xi32, #tpu.memory_space<hbm>>
    tpu.wait_dma2 semaphore(%arg12 : memref<!tpu.dma_semaphore, #tpu.memory_space<semaphore_mem>>) src(%dma_wait3A_143 : memref<512xi32, #tpu.memory_space<hbm>>) dst(%dma_wait3A_141 : memref<512xi32, #tpu.memory_space<vmem>>)
    %dma_wait3A_144 = arith.constant 3 : i32
    %dma_wait3A_145 = arith.constant 1536 : i32
    %dma_wait3A_146 = tpu.memref_slice %arg5[%dma_wait3A_145] : memref<6144xi32, #tpu.memory_space<vmem>> -> memref<512xi32, #tpu.memory_space<vmem>>
    %dma_wait3A_147 = tpu.memref_slice %arg2[%dma_wait3A_144, %mul3A_2] : memref<12x16384xi32, #tpu.memory_space<hbm>> -> memref<1x512xi32, #tpu.memory_space<hbm>>
    %dma_wait3A_148 = tpu.memref_squeeze %dma_wait3A_147 : memref<1x512xi32, #tpu.memory_space<hbm>> -> memref<512xi32, #tpu.memory_space<hbm>>
    %dma_wait3A_149 = arith.constant 1536 : i32
    %dma_wait3A_150 = tpu.memref_slice %arg5[%dma_wait3A_149] : memref<6144xi32, #tpu.memory_space<vmem>> -> memref<512xi32, #tpu.memory_space<vmem>>
    %dma_wait3A_151 = tpu.memref_slice %arg2[%dma_wait3A_144, %mul3A_2] : memref<12x16384xi32, #tpu.memory_space<hbm>> -> memref<1x512xi32, #tpu.memory_space<hbm>>
    %dma_wait3A_152 = tpu.memref_squeeze %dma_wait3A_151 : memref<1x512xi32, #tpu.memory_space<hbm>> -> memref<512xi32, #tpu.memory_space<hbm>>
    tpu.wait_dma2 semaphore(%arg12 : memref<!tpu.dma_semaphore, #tpu.memory_space<semaphore_mem>>) src(%dma_wait3A_152 : memref<512xi32, #tpu.memory_space<hbm>>) dst(%dma_wait3A_150 : memref<512xi32, #tpu.memory_space<vmem>>)
    %dma_wait3A_153 = arith.constant 4 : i32
    %dma_wait3A_154 = arith.constant 2048 : i32
    %dma_wait3A_155 = tpu.memref_slice %arg5[%dma_wait3A_154] : memref<6144xi32, #tpu.memory_space<vmem>> -> memref<512xi32, #tpu.memory_space<vmem>>
    %dma_wait3A_156 = tpu.memref_slice %arg2[%dma_wait3A_153, %mul3A_2] : memref<12x16384xi32, #tpu.memory_space<hbm>> -> memref<1x512xi32, #tpu.memory_space<hbm>>
    %dma_wait3A_157 = tpu.memref_squeeze %dma_wait3A_156 : memref<1x512xi32, #tpu.memory_space<hbm>> -> memref<512xi32, #tpu.memory_space<hbm>>
    %dma_wait3A_158 = arith.constant 2048 : i32
    %dma_wait3A_159 = tpu.memref_slice %arg5[%dma_wait3A_158] : memref<6144xi32, #tpu.memory_space<vmem>> -> memref<512xi32, #tpu.memory_space<vmem>>
    %dma_wait3A_160 = tpu.memref_slice %arg2[%dma_wait3A_153, %mul3A_2] : memref<12x16384xi32, #tpu.memory_space<hbm>> -> memref<1x512xi32, #tpu.memory_space<hbm>>
    %dma_wait3A_161 = tpu.memref_squeeze %dma_wait3A_160 : memref<1x512xi32, #tpu.memory_space<hbm>> -> memref<512xi32, #tpu.memory_space<hbm>>
    tpu.wait_dma2 semaphore(%arg12 : memref<!tpu.dma_semaphore, #tpu.memory_space<semaphore_mem>>) src(%dma_wait3A_161 : memref<512xi32, #tpu.memory_space<hbm>>) dst(%dma_wait3A_159 : memref<512xi32, #tpu.memory_space<vmem>>)
    %dma_wait3A_162 = arith.constant 5 : i32
    %dma_wait3A_163 = arith.constant 2560 : i32
    %dma_wait3A_164 = tpu.memref_slice %arg5[%dma_wait3A_163] : memref<6144xi32, #tpu.memory_space<vmem>> -> memref<512xi32, #tpu.memory_space<vmem>>
    %dma_wait3A_165 = tpu.memref_slice %arg2[%dma_wait3A_162, %mul3A_2] : memref<12x16384xi32, #tpu.memory_space<hbm>> -> memref<1x512xi32, #tpu.memory_space<hbm>>
    %dma_wait3A_166 = tpu.memref_squeeze %dma_wait3A_165 : memref<1x512xi32, #tpu.memory_space<hbm>> -> memref<512xi32, #tpu.memory_space<hbm>>
    %dma_wait3A_167 = arith.constant 2560 : i32
    %dma_wait3A_168 = tpu.memref_slice %arg5[%dma_wait3A_167] : memref<6144xi32, #tpu.memory_space<vmem>> -> memref<512xi32, #tpu.memory_space<vmem>>
    %dma_wait3A_169 = tpu.memref_slice %arg2[%dma_wait3A_162, %mul3A_2] : memref<12x16384xi32, #tpu.memory_space<hbm>> -> memref<1x512xi32, #tpu.memory_space<hbm>>
    %dma_wait3A_170 = tpu.memref_squeeze %dma_wait3A_169 : memref<1x512xi32, #tpu.memory_space<hbm>> -> memref<512xi32, #tpu.memory_space<hbm>>
    tpu.wait_dma2 semaphore(%arg12 : memref<!tpu.dma_semaphore, #tpu.memory_space<semaphore_mem>>) src(%dma_wait3A_170 : memref<512xi32, #tpu.memory_space<hbm>>) dst(%dma_wait3A_168 : memref<512xi32, #tpu.memory_space<vmem>>)
    %dma_wait3A_171 = arith.constant 6 : i32
    %dma_wait3A_172 = arith.constant 3072 : i32
    %dma_wait3A_173 = tpu.memref_slice %arg5[%dma_wait3A_172] : memref<6144xi32, #tpu.memory_space<vmem>> -> memref<512xi32, #tpu.memory_space<vmem>>
    %dma_wait3A_174 = tpu.memref_slice %arg2[%dma_wait3A_171, %mul3A_2] : memref<12x16384xi32, #tpu.memory_space<hbm>> -> memref<1x512xi32, #tpu.memory_space<hbm>>
    %dma_wait3A_175 = tpu.memref_squeeze %dma_wait3A_174 : memref<1x512xi32, #tpu.memory_space<hbm>> -> memref<512xi32, #tpu.memory_space<hbm>>
    %dma_wait3A_176 = arith.constant 3072 : i32
    %dma_wait3A_177 = tpu.memref_slice %arg5[%dma_wait3A_176] : memref<6144xi32, #tpu.memory_space<vmem>> -> memref<512xi32, #tpu.memory_space<vmem>>
    %dma_wait3A_178 = tpu.memref_slice %arg2[%dma_wait3A_171, %mul3A_2] : memref<12x16384xi32, #tpu.memory_space<hbm>> -> memref<1x512xi32, #tpu.memory_space<hbm>>
    %dma_wait3A_179 = tpu.memref_squeeze %dma_wait3A_178 : memref<1x512xi32, #tpu.memory_space<hbm>> -> memref<512xi32, #tpu.memory_space<hbm>>
    tpu.wait_dma2 semaphore(%arg12 : memref<!tpu.dma_semaphore, #tpu.memory_space<semaphore_mem>>) src(%dma_wait3A_179 : memref<512xi32, #tpu.memory_space<hbm>>) dst(%dma_wait3A_177 : memref<512xi32, #tpu.memory_space<vmem>>)
    %dma_wait3A_180 = arith.constant 7 : i32
    %dma_wait3A_181 = arith.constant 3584 : i32
    %dma_wait3A_182 = tpu.memref_slice %arg5[%dma_wait3A_181] : memref<6144xi32, #tpu.memory_space<vmem>> -> memref<512xi32, #tpu.memory_space<vmem>>
    %dma_wait3A_183 = tpu.memref_slice %arg2[%dma_wait3A_180, %mul3A_2] : memref<12x16384xi32, #tpu.memory_space<hbm>> -> memref<1x512xi32, #tpu.memory_space<hbm>>
    %dma_wait3A_184 = tpu.memref_squeeze %dma_wait3A_183 : memref<1x512xi32, #tpu.memory_space<hbm>> -> memref<512xi32, #tpu.memory_space<hbm>>
    %dma_wait3A_185 = arith.constant 3584 : i32
    %dma_wait3A_186 = tpu.memref_slice %arg5[%dma_wait3A_185] : memref<6144xi32, #tpu.memory_space<vmem>> -> memref<512xi32, #tpu.memory_space<vmem>>
    %dma_wait3A_187 = tpu.memref_slice %arg2[%dma_wait3A_180, %mul3A_2] : memref<12x16384xi32, #tpu.memory_space<hbm>> -> memref<1x512xi32, #tpu.memory_space<hbm>>
    %dma_wait3A_188 = tpu.memref_squeeze %dma_wait3A_187 : memref<1x512xi32, #tpu.memory_space<hbm>> -> memref<512xi32, #tpu.memory_space<hbm>>
    tpu.wait_dma2 semaphore(%arg12 : memref<!tpu.dma_semaphore, #tpu.memory_space<semaphore_mem>>) src(%dma_wait3A_188 : memref<512xi32, #tpu.memory_space<hbm>>) dst(%dma_wait3A_186 : memref<512xi32, #tpu.memory_space<vmem>>)
    %dma_wait3A_189 = arith.constant 8 : i32
    %dma_wait3A_190 = arith.constant 4096 : i32
    %dma_wait3A_191 = tpu.memref_slice %arg5[%dma_wait3A_190] : memref<6144xi32, #tpu.memory_space<vmem>> -> memref<512xi32, #tpu.memory_space<vmem>>
    %dma_wait3A_192 = tpu.memref_slice %arg2[%dma_wait3A_189, %mul3A_2] : memref<12x16384xi32, #tpu.memory_space<hbm>> -> memref<1x512xi32, #tpu.memory_space<hbm>>
    %dma_wait3A_193 = tpu.memref_squeeze %dma_wait3A_192 : memref<1x512xi32, #tpu.memory_space<hbm>> -> memref<512xi32, #tpu.memory_space<hbm>>
    %dma_wait3A_194 = arith.constant 4096 : i32
    %dma_wait3A_195 = tpu.memref_slice %arg5[%dma_wait3A_194] : memref<6144xi32, #tpu.memory_space<vmem>> -> memref<512xi32, #tpu.memory_space<vmem>>
    %dma_wait3A_196 = tpu.memref_slice %arg2[%dma_wait3A_189, %mul3A_2] : memref<12x16384xi32, #tpu.memory_space<hbm>> -> memref<1x512xi32, #tpu.memory_space<hbm>>
    %dma_wait3A_197 = tpu.memref_squeeze %dma_wait3A_196 : memref<1x512xi32, #tpu.memory_space<hbm>> -> memref<512xi32, #tpu.memory_space<hbm>>
    tpu.wait_dma2 semaphore(%arg12 : memref<!tpu.dma_semaphore, #tpu.memory_space<semaphore_mem>>) src(%dma_wait3A_197 : memref<512xi32, #tpu.memory_space<hbm>>) dst(%dma_wait3A_195 : memref<512xi32, #tpu.memory_space<vmem>>)
    %dma_wait3A_198 = arith.constant 9 : i32
    %dma_wait3A_199 = arith.constant 4608 : i32
    %dma_wait3A_200 = tpu.memref_slice %arg5[%dma_wait3A_199] : memref<6144xi32, #tpu.memory_space<vmem>> -> memref<512xi32, #tpu.memory_space<vmem>>
    %dma_wait3A_201 = tpu.memref_slice %arg2[%dma_wait3A_198, %mul3A_2] : memref<12x16384xi32, #tpu.memory_space<hbm>> -> memref<1x512xi32, #tpu.memory_space<hbm>>
    %dma_wait3A_202 = tpu.memref_squeeze %dma_wait3A_201 : memref<1x512xi32, #tpu.memory_space<hbm>> -> memref<512xi32, #tpu.memory_space<hbm>>
    %dma_wait3A_203 = arith.constant 4608 : i32
    %dma_wait3A_204 = tpu.memref_slice %arg5[%dma_wait3A_203] : memref<6144xi32, #tpu.memory_space<vmem>> -> memref<512xi32, #tpu.memory_space<vmem>>
    %dma_wait3A_205 = tpu.memref_slice %arg2[%dma_wait3A_198, %mul3A_2] : memref<12x16384xi32, #tpu.memory_space<hbm>> -> memref<1x512xi32, #tpu.memory_space<hbm>>
    %dma_wait3A_206 = tpu.memref_squeeze %dma_wait3A_205 : memref<1x512xi32, #tpu.memory_space<hbm>> -> memref<512xi32, #tpu.memory_space<hbm>>
    tpu.wait_dma2 semaphore(%arg12 : memref<!tpu.dma_semaphore, #tpu.memory_space<semaphore_mem>>) src(%dma_wait3A_206 : memref<512xi32, #tpu.memory_space<hbm>>) dst(%dma_wait3A_204 : memref<512xi32, #tpu.memory_space<vmem>>)
    %dma_wait3A_207 = arith.constant 10 : i32
    %dma_wait3A_208 = arith.constant 5120 : i32
    %dma_wait3A_209 = tpu.memref_slice %arg5[%dma_wait3A_208] : memref<6144xi32, #tpu.memory_space<vmem>> -> memref<512xi32, #tpu.memory_space<vmem>>
    %dma_wait3A_210 = tpu.memref_slice %arg2[%dma_wait3A_207, %mul3A_2] : memref<12x16384xi32, #tpu.memory_space<hbm>> -> memref<1x512xi32, #tpu.memory_space<hbm>>
    %dma_wait3A_211 = tpu.memref_squeeze %dma_wait3A_210 : memref<1x512xi32, #tpu.memory_space<hbm>> -> memref<512xi32, #tpu.memory_space<hbm>>
    %dma_wait3A_212 = arith.constant 5120 : i32
    %dma_wait3A_213 = tpu.memref_slice %arg5[%dma_wait3A_212] : memref<6144xi32, #tpu.memory_space<vmem>> -> memref<512xi32, #tpu.memory_space<vmem>>
    %dma_wait3A_214 = tpu.memref_slice %arg2[%dma_wait3A_207, %mul3A_2] : memref<12x16384xi32, #tpu.memory_space<hbm>> -> memref<1x512xi32, #tpu.memory_space<hbm>>
    %dma_wait3A_215 = tpu.memref_squeeze %dma_wait3A_214 : memref<1x512xi32, #tpu.memory_space<hbm>> -> memref<512xi32, #tpu.memory_space<hbm>>
    tpu.wait_dma2 semaphore(%arg12 : memref<!tpu.dma_semaphore, #tpu.memory_space<semaphore_mem>>) src(%dma_wait3A_215 : memref<512xi32, #tpu.memory_space<hbm>>) dst(%dma_wait3A_213 : memref<512xi32, #tpu.memory_space<vmem>>)
    %dma_wait3A_216 = arith.constant 11 : i32
    %dma_wait3A_217 = arith.constant 5632 : i32
    %dma_wait3A_218 = tpu.memref_slice %arg5[%dma_wait3A_217] : memref<6144xi32, #tpu.memory_space<vmem>> -> memref<512xi32, #tpu.memory_space<vmem>>
    %dma_wait3A_219 = tpu.memref_slice %arg2[%dma_wait3A_216, %mul3A_2] : memref<12x16384xi32, #tpu.memory_space<hbm>> -> memref<1x512xi32, #tpu.memory_space<hbm>>
    %dma_wait3A_220 = tpu.memref_squeeze %dma_wait3A_219 : memref<1x512xi32, #tpu.memory_space<hbm>> -> memref<512xi32, #tpu.memory_space<hbm>>
    %dma_wait3A_221 = arith.constant 5632 : i32
    %dma_wait3A_222 = tpu.memref_slice %arg5[%dma_wait3A_221] : memref<6144xi32, #tpu.memory_space<vmem>> -> memref<512xi32, #tpu.memory_space<vmem>>
    %dma_wait3A_223 = tpu.memref_slice %arg2[%dma_wait3A_216, %mul3A_2] : memref<12x16384xi32, #tpu.memory_space<hbm>> -> memref<1x512xi32, #tpu.memory_space<hbm>>
    %dma_wait3A_224 = tpu.memref_squeeze %dma_wait3A_223 : memref<1x512xi32, #tpu.memory_space<hbm>> -> memref<512xi32, #tpu.memory_space<hbm>>
    tpu.wait_dma2 semaphore(%arg12 : memref<!tpu.dma_semaphore, #tpu.memory_space<semaphore_mem>>) src(%dma_wait3A_224 : memref<512xi32, #tpu.memory_space<hbm>>) dst(%dma_wait3A_222 : memref<512xi32, #tpu.memory_space<vmem>>)
    %mul3A_225 = arith.constant 4096 : i32
    %mul3A_226 = arith.muli %add3A, %mul3A_225 : i32
    %scan3A = arith.constant 0 : i32
    %scan3A_227 = arith.constant 0 : i32
    %scan3A_228 = arith.constant 6 : i32
    %scan3A_229 = arith.addi %scan3A_227, %scan3A_228 : i32
    %scan3A_230 = arith.constant 1 : i32
    scf.for %scan3A_280 = %scan3A_227 to %scan3A_229 step %scan3A_230  : i32 {
      %mul3A_281 = arith.constant 2 : i32
      %mul3A_282 = arith.muli %scan3A_280, %mul3A_281 : i32
      %add3A_283 = arith.constant 0 : i32
      %add3A_284 = arith.addi %mul3A_282, %add3A_283 : i32
      %gt3A = arith.constant 0 : i32
      %gt3A_285 = arith.cmpi sgt, %scan3A_280, %gt3A : i32
      %convert_element_type3A = arith.extui %gt3A_285 : i1 to i32
      %cond3A = arith.constant 0 : i32
      %cond3A_286 = arith.cmpi ne, %convert_element_type3A, %cond3A : i32
      scf.if %cond3A_286 {
        %sub3A = arith.constant 2 : i32
        %sub3A_372 = arith.subi %add3A_284, %sub3A : i32
        %mul3A_373 = arith.constant 393216 : i32
        %mul3A_374 = arith.muli %sub3A_372, %mul3A_373 : i32
        %add3A_375 = arith.constant 0 : i32
        %add3A_376 = arith.addi %mul3A_374, %add3A_375 : i32
        %add3A_377 = arith.addi %add3A_376, %mul3A_226 : i32
        %mul3A_378 = arith.constant 393216 : i32
        %mul3A_379 = arith.muli %sub3A_372, %mul3A_378 : i32
        %add3A_380 = arith.constant 131072 : i32
        %add3A_381 = arith.addi %mul3A_379, %add3A_380 : i32
        %add3A_382 = arith.addi %add3A_381, %mul3A_226 : i32
        %mul3A_383 = arith.constant 393216 : i32
        %mul3A_384 = arith.muli %sub3A_372, %mul3A_383 : i32
        %add3A_385 = arith.constant 262144 : i32
        %add3A_386 = arith.addi %mul3A_384, %add3A_385 : i32
        %add3A_387 = arith.addi %add3A_386, %mul3A_226 : i32
        %dma_wait3A_388 = arith.constant 0 : i32
        %dma_wait3A_389 = tpu.memref_slice %arg9[%dma_wait3A_388] : memref<24576xf32, #tpu.memory_space<vmem>> -> memref<4096xf32, #tpu.memory_space<vmem>>
        %dma_wait3A_390 = tpu.memref_slice %arg4[%add3A_377] : memref<4718592xf32, #tpu.memory_space<hbm>> -> memref<4096xf32, #tpu.memory_space<hbm>>
        %dma_wait3A_391 = tpu.memref_slice %arg4[%add3A_377] : memref<4718592xf32, #tpu.memory_space<hbm>> -> memref<4096xf32, #tpu.memory_space<hbm>>
        %dma_wait3A_392 = arith.constant 0 : i32
        %dma_wait3A_393 = tpu.memref_slice %arg9[%dma_wait3A_392] : memref<24576xf32, #tpu.memory_space<vmem>> -> memref<4096xf32, #tpu.memory_space<vmem>>
        tpu.wait_dma2 semaphore(%arg10 : memref<!tpu.dma_semaphore, #tpu.memory_space<semaphore_mem>>) src(%dma_wait3A_393 : memref<4096xf32, #tpu.memory_space<vmem>>) dst(%dma_wait3A_391 : memref<4096xf32, #tpu.memory_space<hbm>>)
        %dma_wait3A_394 = arith.constant 4096 : i32
        %dma_wait3A_395 = tpu.memref_slice %arg9[%dma_wait3A_394] : memref<24576xf32, #tpu.memory_space<vmem>> -> memref<4096xf32, #tpu.memory_space<vmem>>
        %dma_wait3A_396 = tpu.memref_slice %arg4[%add3A_382] : memref<4718592xf32, #tpu.memory_space<hbm>> -> memref<4096xf32, #tpu.memory_space<hbm>>
        %dma_wait3A_397 = tpu.memref_slice %arg4[%add3A_382] : memref<4718592xf32, #tpu.memory_space<hbm>> -> memref<4096xf32, #tpu.memory_space<hbm>>
        %dma_wait3A_398 = arith.constant 4096 : i32
        %dma_wait3A_399 = tpu.memref_slice %arg9[%dma_wait3A_398] : memref<24576xf32, #tpu.memory_space<vmem>> -> memref<4096xf32, #tpu.memory_space<vmem>>
        tpu.wait_dma2 semaphore(%arg10 : memref<!tpu.dma_semaphore, #tpu.memory_space<semaphore_mem>>) src(%dma_wait3A_399 : memref<4096xf32, #tpu.memory_space<vmem>>) dst(%dma_wait3A_397 : memref<4096xf32, #tpu.memory_space<hbm>>)
        %dma_wait3A_400 = arith.constant 8192 : i32
        %dma_wait3A_401 = tpu.memref_slice %arg9[%dma_wait3A_400] : memref<24576xf32, #tpu.memory_space<vmem>> -> memref<4096xf32, #tpu.memory_space<vmem>>
        %dma_wait3A_402 = tpu.memref_slice %arg4[%add3A_387] : memref<4718592xf32, #tpu.memory_space<hbm>> -> memref<4096xf32, #tpu.memory_space<hbm>>
        %dma_wait3A_403 = tpu.memref_slice %arg4[%add3A_387] : memref<4718592xf32, #tpu.memory_space<hbm>> -> memref<4096xf32, #tpu.memory_space<hbm>>
        %dma_wait3A_404 = arith.constant 8192 : i32
        %dma_wait3A_405 = tpu.memref_slice %arg9[%dma_wait3A_404] : memref<24576xf32, #tpu.memory_space<vmem>> -> memref<4096xf32, #tpu.memory_space<vmem>>
        tpu.wait_dma2 semaphore(%arg10 : memref<!tpu.dma_semaphore, #tpu.memory_space<semaphore_mem>>) src(%dma_wait3A_405 : memref<4096xf32, #tpu.memory_space<vmem>>) dst(%dma_wait3A_403 : memref<4096xf32, #tpu.memory_space<hbm>>)
      } else {
      }
      %mul3A_287 = arith.constant 768 : i32
      %mul3A_288 = arith.muli %add3A_284, %mul3A_287 : i32
      %parallel_loop3A_289 = arith.constant 0 : i32
      %parallel_loop3A_290 = arith.constant 32 : i32
      %parallel_loop3A_291 = arith.constant 1 : i32
      scf.for %parallel_loop3A_372 = %parallel_loop3A_289 to %parallel_loop3A_290 step %parallel_loop3A_291  : i32 {
        %parallel_loop3A_373 = arith.constant 3 : i32
        %parallel_loop3A_374 = arith.shrui %parallel_loop3A_372, %parallel_loop3A_373 : i32
        %parallel_loop3A_375 = arith.constant 7 : i32
        %parallel_loop3A_376 = arith.andi %parallel_loop3A_372, %parallel_loop3A_375 : i32
        %parallel_loop3A_377 = arith.constant 512 : i32
        %parallel_loop3A_378 = arith.muli %add3A_284, %parallel_loop3A_377 : i32
        %parallel_loop3A_379 = arith.constant 16 : i32
        %parallel_loop3A_380 = arith.muli %parallel_loop3A_372, %parallel_loop3A_379 : i32
        %parallel_loop3A_381 = arith.addi %parallel_loop3A_378, %parallel_loop3A_380 : i32
        %parallel_loop3A_382 = arith.index_cast %parallel_loop3A_381 : i32 to index
        %parallel_loop3A_383 = tpu.vector_load %arg5[%parallel_loop3A_382] {strides = array<i32>} : memref<6144xi32, #tpu.memory_space<vmem>>, vector<16xi32>,
        %parallel_loop3A_384 = arith.constant 1024 : i32
        %parallel_loop3A_385 = arith.muli %parallel_loop3A_374, %parallel_loop3A_384 : i32
        %parallel_loop3A_386 = arith.constant 0 : i32
        %parallel_loop3A_387 = arith.addi %parallel_loop3A_386, %parallel_loop3A_385 : i32
        %parallel_loop3A_388 = arith.constant 16 : i32
        %parallel_loop3A_389 = arith.muli %parallel_loop3A_376, %parallel_loop3A_388 : i32
        %parallel_loop3A_390 = arith.addi %parallel_loop3A_387, %parallel_loop3A_389 : i32
        %parallel_loop3A_391 = arith.constant 0 : i32
        %parallel_loop3A_392 = arith.addi %mul3A_288, %parallel_loop3A_391 : i32
        %parallel_loop3A_393 = tpu.memref_slice %arg8[%parallel_loop3A_392] : memref<9216xf32, #tpu.memory_space<vmem>> -> memref<32xf32, #tpu.memory_space<vmem>>
        %parallel_loop3A_394 = tpu.vector_load_idx %parallel_loop3A_393[%parallel_loop3A_383] : memref<32xf32, #tpu.memory_space<vmem>>[vector<16xi32>], vector<16xf32>,
        %parallel_loop3A_395 = arith.constant 0 : i32
        %parallel_loop3A_396 = arith.addi %parallel_loop3A_390, %parallel_loop3A_395 : i32
        %parallel_loop3A_397 = arith.constant 0 : i32
        %parallel_loop3A_398 = arith.addi %parallel_loop3A_396, %parallel_loop3A_397 : i32
        %parallel_loop3A_399 = arith.index_cast %parallel_loop3A_398 : i32 to index
        %parallel_loop3A_400 = tpu.vector_load %arg9[%parallel_loop3A_399] {strides = array<i32>} : memref<24576xf32, #tpu.memory_space<vmem>>, vector<16xf32>,
        tpu.vector_store %arg9[%parallel_loop3A_399], %parallel_loop3A_394 {strides = array<i32>} : memref<24576xf32, #tpu.memory_space<vmem>>, vector<16xf32>,
        %parallel_loop3A_401 = arith.constant 32 : i32
        %parallel_loop3A_402 = arith.addi %mul3A_288, %parallel_loop3A_401 : i32
        %parallel_loop3A_403 = tpu.memref_slice %arg8[%parallel_loop3A_402] : memref<9216xf32, #tpu.memory_space<vmem>> -> memref<32xf32, #tpu.memory_space<vmem>>
        %parallel_loop3A_404 = tpu.vector_load_idx %parallel_loop3A_403[%parallel_loop3A_383] : memref<32xf32, #tpu.memory_space<vmem>>[vector<16xi32>], vector<16xf32>,
        %parallel_loop3A_405 = arith.constant 0 : i32
        %parallel_loop3A_406 = arith.addi %parallel_loop3A_390, %parallel_loop3A_405 : i32
        %parallel_loop3A_407 = arith.constant 128 : i32
        %parallel_loop3A_408 = arith.addi %parallel_loop3A_406, %parallel_loop3A_407 : i32
        %parallel_loop3A_409 = arith.index_cast %parallel_loop3A_408 : i32 to index
        %parallel_loop3A_410 = tpu.vector_load %arg9[%parallel_loop3A_409] {strides = array<i32>} : memref<24576xf32, #tpu.memory_space<vmem>>, vector<16xf32>,
        tpu.vector_store %arg9[%parallel_loop3A_409], %parallel_loop3A_404 {strides = array<i32>} : memref<24576xf32, #tpu.memory_space<vmem>>, vector<16xf32>,
        %parallel_loop3A_411 = arith.constant 64 : i32
        %parallel_loop3A_412 = arith.addi %mul3A_288, %parallel_loop3A_411 : i32
        %parallel_loop3A_413 = tpu.memref_slice %arg8[%parallel_loop3A_412] : memref<9216xf32, #tpu.memory_space<vmem>> -> memref<32xf32, #tpu.memory_space<vmem>>
        %parallel_loop3A_414 = tpu.vector_load_idx %parallel_loop3A_413[%parallel_loop3A_383] : memref<32xf32, #tpu.memory_space<vmem>>[vector<16xi32>], vector<16xf32>,
        %parallel_loop3A_415 = arith.constant 0 : i32
        %parallel_loop3A_416 = arith.addi %parallel_loop3A_390, %parallel_loop3A_415 : i32
        %parallel_loop3A_417 = arith.constant 256 : i32
        %parallel_loop3A_418 = arith.addi %parallel_loop3A_416, %parallel_loop3A_417 : i32
        %parallel_loop3A_419 = arith.index_cast %parallel_loop3A_418 : i32 to index
        %parallel_loop3A_420 = tpu.vector_load %arg9[%parallel_loop3A_419] {strides = array<i32>} : memref<24576xf32, #tpu.memory_space<vmem>>, vector<16xf32>,
        tpu.vector_store %arg9[%parallel_loop3A_419], %parallel_loop3A_414 {strides = array<i32>} : memref<24576xf32, #tpu.memory_space<vmem>>, vector<16xf32>,
        %parallel_loop3A_421 = arith.constant 96 : i32
        %parallel_loop3A_422 = arith.addi %mul3A_288, %parallel_loop3A_421 : i32
        %parallel_loop3A_423 = tpu.memref_slice %arg8[%parallel_loop3A_422] : memref<9216xf32, #tpu.memory_space<vmem>> -> memref<32xf32, #tpu.memory_space<vmem>>
        %parallel_loop3A_424 = tpu.vector_load_idx %parallel_loop3A_423[%parallel_loop3A_383] : memref<32xf32, #tpu.memory_space<vmem>>[vector<16xi32>], vector<16xf32>,
        %parallel_loop3A_425 = arith.constant 0 : i32
        %parallel_loop3A_426 = arith.addi %parallel_loop3A_390, %parallel_loop3A_425 : i32
        %parallel_loop3A_427 = arith.constant 384 : i32
        %parallel_loop3A_428 = arith.addi %parallel_loop3A_426, %parallel_loop3A_427 : i32
        %parallel_loop3A_429 = arith.index_cast %parallel_loop3A_428 : i32 to index
        %parallel_loop3A_430 = tpu.vector_load %arg9[%parallel_loop3A_429] {strides = array<i32>} : memref<24576xf32, #tpu.memory_space<vmem>>, vector<16xf32>,
        tpu.vector_store %arg9[%parallel_loop3A_429], %parallel_loop3A_424 {strides = array<i32>} : memref<24576xf32, #tpu.memory_space<vmem>>, vector<16xf32>,
        %parallel_loop3A_431 = arith.constant 128 : i32
        %parallel_loop3A_432 = arith.addi %mul3A_288, %parallel_loop3A_431 : i32
        %parallel_loop3A_433 = tpu.memref_slice %arg8[%parallel_loop3A_432] : memref<9216xf32, #tpu.memory_space<vmem>> -> memref<32xf32, #tpu.memory_space<vmem>>
        %parallel_loop3A_434 = tpu.vector_load_idx %parallel_loop3A_433[%parallel_loop3A_383] : memref<32xf32, #tpu.memory_space<vmem>>[vector<16xi32>], vector<16xf32>,
        %parallel_loop3A_435 = arith.constant 0 : i32
        %parallel_loop3A_436 = arith.addi %parallel_loop3A_390, %parallel_loop3A_435 : i32
        %parallel_loop3A_437 = arith.constant 512 : i32
        %parallel_loop3A_438 = arith.addi %parallel_loop3A_436, %parallel_loop3A_437 : i32
        %parallel_loop3A_439 = arith.index_cast %parallel_loop3A_438 : i32 to index
        %parallel_loop3A_440 = tpu.vector_load %arg9[%parallel_loop3A_439] {strides = array<i32>} : memref<24576xf32, #tpu.memory_space<vmem>>, vector<16xf32>,
        tpu.vector_store %arg9[%parallel_loop3A_439], %parallel_loop3A_434 {strides = array<i32>} : memref<24576xf32, #tpu.memory_space<vmem>>, vector<16xf32>,
        %parallel_loop3A_441 = arith.constant 160 : i32
        %parallel_loop3A_442 = arith.addi %mul3A_288, %parallel_loop3A_441 : i32
        %parallel_loop3A_443 = tpu.memref_slice %arg8[%parallel_loop3A_442] : memref<9216xf32, #tpu.memory_space<vmem>> -> memref<32xf32, #tpu.memory_space<vmem>>
        %parallel_loop3A_444 = tpu.vector_load_idx %parallel_loop3A_443[%parallel_loop3A_383] : memref<32xf32, #tpu.memory_space<vmem>>[vector<16xi32>], vector<16xf32>,
        %parallel_loop3A_445 = arith.constant 0 : i32
        %parallel_loop3A_446 = arith.addi %parallel_loop3A_390, %parallel_loop3A_445 : i32
        %parallel_loop3A_447 = arith.constant 640 : i32
        %parallel_loop3A_448 = arith.addi %parallel_loop3A_446, %parallel_loop3A_447 : i32
        %parallel_loop3A_449 = arith.index_cast %parallel_loop3A_448 : i32 to index
        %parallel_loop3A_450 = tpu.vector_load %arg9[%parallel_loop3A_449] {strides = array<i32>} : memref<24576xf32, #tpu.memory_space<vmem>>, vector<16xf32>,
        tpu.vector_store %arg9[%parallel_loop3A_449], %parallel_loop3A_444 {strides = array<i32>} : memref<24576xf32, #tpu.memory_space<vmem>>, vector<16xf32>,
        %parallel_loop3A_451 = arith.constant 192 : i32
        %parallel_loop3A_452 = arith.addi %mul3A_288, %parallel_loop3A_451 : i32
        %parallel_loop3A_453 = tpu.memref_slice %arg8[%parallel_loop3A_452] : memref<9216xf32, #tpu.memory_space<vmem>> -> memref<32xf32, #tpu.memory_space<vmem>>
        %parallel_loop3A_454 = tpu.vector_load_idx %parallel_loop3A_453[%parallel_loop3A_383] : memref<32xf32, #tpu.memory_space<vmem>>[vector<16xi32>], vector<16xf32>,
        %parallel_loop3A_455 = arith.constant 0 : i32
        %parallel_loop3A_456 = arith.addi %parallel_loop3A_390, %parallel_loop3A_455 : i32
        %parallel_loop3A_457 = arith.constant 768 : i32
        %parallel_loop3A_458 = arith.addi %parallel_loop3A_456, %parallel_loop3A_457 : i32
        %parallel_loop3A_459 = arith.index_cast %parallel_loop3A_458 : i32 to index
        %parallel_loop3A_460 = tpu.vector_load %arg9[%parallel_loop3A_459] {strides = array<i32>} : memref<24576xf32, #tpu.memory_space<vmem>>, vector<16xf32>,
        tpu.vector_store %arg9[%parallel_loop3A_459], %parallel_loop3A_454 {strides = array<i32>} : memref<24576xf32, #tpu.memory_space<vmem>>, vector<16xf32>,
        %parallel_loop3A_461 = arith.constant 224 : i32
        %parallel_loop3A_462 = arith.addi %mul3A_288, %parallel_loop3A_461 : i32
        %parallel_loop3A_463 = tpu.memref_slice %arg8[%parallel_loop3A_462] : memref<9216xf32, #tpu.memory_space<vmem>> -> memref<32xf32, #tpu.memory_space<vmem>>
        %parallel_loop3A_464 = tpu.vector_load_idx %parallel_loop3A_463[%parallel_loop3A_383] : memref<32xf32, #tpu.memory_space<vmem>>[vector<16xi32>], vector<16xf32>,
        %parallel_loop3A_465 = arith.constant 0 : i32
        %parallel_loop3A_466 = arith.addi %parallel_loop3A_390, %parallel_loop3A_465 : i32
        %parallel_loop3A_467 = arith.constant 896 : i32
        %parallel_loop3A_468 = arith.addi %parallel_loop3A_466, %parallel_loop3A_467 : i32
        %parallel_loop3A_469 = arith.index_cast %parallel_loop3A_468 : i32 to index
        %parallel_loop3A_470 = tpu.vector_load %arg9[%parallel_loop3A_469] {strides = array<i32>} : memref<24576xf32, #tpu.memory_space<vmem>>, vector<16xf32>,
        tpu.vector_store %arg9[%parallel_loop3A_469], %parallel_loop3A_464 {strides = array<i32>} : memref<24576xf32, #tpu.memory_space<vmem>>, vector<16xf32>,
        %parallel_loop3A_471 = arith.constant 256 : i32
        %parallel_loop3A_472 = arith.addi %mul3A_288, %parallel_loop3A_471 : i32
        %parallel_loop3A_473 = tpu.memref_slice %arg8[%parallel_loop3A_472] : memref<9216xf32, #tpu.memory_space<vmem>> -> memref<32xf32, #tpu.memory_space<vmem>>
        %parallel_loop3A_474 = tpu.vector_load_idx %parallel_loop3A_473[%parallel_loop3A_383] : memref<32xf32, #tpu.memory_space<vmem>>[vector<16xi32>], vector<16xf32>,
        %parallel_loop3A_475 = arith.constant 4096 : i32
        %parallel_loop3A_476 = arith.addi %parallel_loop3A_390, %parallel_loop3A_475 : i32
        %parallel_loop3A_477 = arith.constant 0 : i32
        %parallel_loop3A_478 = arith.addi %parallel_loop3A_476, %parallel_loop3A_477 : i32
        %parallel_loop3A_479 = arith.index_cast %parallel_loop3A_478 : i32 to index
        %parallel_loop3A_480 = tpu.vector_load %arg9[%parallel_loop3A_479] {strides = array<i32>} : memref<24576xf32, #tpu.memory_space<vmem>>, vector<16xf32>,
        tpu.vector_store %arg9[%parallel_loop3A_479], %parallel_loop3A_474 {strides = array<i32>} : memref<24576xf32, #tpu.memory_space<vmem>>, vector<16xf32>,
        %parallel_loop3A_481 = arith.constant 288 : i32
        %parallel_loop3A_482 = arith.addi %mul3A_288, %parallel_loop3A_481 : i32
        %parallel_loop3A_483 = tpu.memref_slice %arg8[%parallel_loop3A_482] : memref<9216xf32, #tpu.memory_space<vmem>> -> memref<32xf32, #tpu.memory_space<vmem>>
        %parallel_loop3A_484 = tpu.vector_load_idx %parallel_loop3A_483[%parallel_loop3A_383] : memref<32xf32, #tpu.memory_space<vmem>>[vector<16xi32>], vector<16xf32>,
        %parallel_loop3A_485 = arith.constant 4096 : i32
        %parallel_loop3A_486 = arith.addi %parallel_loop3A_390, %parallel_loop3A_485 : i32
        %parallel_loop3A_487 = arith.constant 128 : i32
        %parallel_loop3A_488 = arith.addi %parallel_loop3A_486, %parallel_loop3A_487 : i32
        %parallel_loop3A_489 = arith.index_cast %parallel_loop3A_488 : i32 to index
        %parallel_loop3A_490 = tpu.vector_load %arg9[%parallel_loop3A_489] {strides = array<i32>} : memref<24576xf32, #tpu.memory_space<vmem>>, vector<16xf32>,
        tpu.vector_store %arg9[%parallel_loop3A_489], %parallel_loop3A_484 {strides = array<i32>} : memref<24576xf32, #tpu.memory_space<vmem>>, vector<16xf32>,
        %parallel_loop3A_491 = arith.constant 320 : i32
        %parallel_loop3A_492 = arith.addi %mul3A_288, %parallel_loop3A_491 : i32
        %parallel_loop3A_493 = tpu.memref_slice %arg8[%parallel_loop3A_492] : memref<9216xf32, #tpu.memory_space<vmem>> -> memref<32xf32, #tpu.memory_space<vmem>>
        %parallel_loop3A_494 = tpu.vector_load_idx %parallel_loop3A_493[%parallel_loop3A_383] : memref<32xf32, #tpu.memory_space<vmem>>[vector<16xi32>], vector<16xf32>,
        %parallel_loop3A_495 = arith.constant 4096 : i32
        %parallel_loop3A_496 = arith.addi %parallel_loop3A_390, %parallel_loop3A_495 : i32
        %parallel_loop3A_497 = arith.constant 256 : i32
        %parallel_loop3A_498 = arith.addi %parallel_loop3A_496, %parallel_loop3A_497 : i32
        %parallel_loop3A_499 = arith.index_cast %parallel_loop3A_498 : i32 to index
        %parallel_loop3A_500 = tpu.vector_load %arg9[%parallel_loop3A_499] {strides = array<i32>} : memref<24576xf32, #tpu.memory_space<vmem>>, vector<16xf32>,
        tpu.vector_store %arg9[%parallel_loop3A_499], %parallel_loop3A_494 {strides = array<i32>} : memref<24576xf32, #tpu.memory_space<vmem>>, vector<16xf32>,
        %parallel_loop3A_501 = arith.constant 352 : i32
        %parallel_loop3A_502 = arith.addi %mul3A_288, %parallel_loop3A_501 : i32
        %parallel_loop3A_503 = tpu.memref_slice %arg8[%parallel_loop3A_502] : memref<9216xf32, #tpu.memory_space<vmem>> -> memref<32xf32, #tpu.memory_space<vmem>>
        %parallel_loop3A_504 = tpu.vector_load_idx %parallel_loop3A_503[%parallel_loop3A_383] : memref<32xf32, #tpu.memory_space<vmem>>[vector<16xi32>], vector<16xf32>,
        %parallel_loop3A_505 = arith.constant 4096 : i32
        %parallel_loop3A_506 = arith.addi %parallel_loop3A_390, %parallel_loop3A_505 : i32
        %parallel_loop3A_507 = arith.constant 384 : i32
        %parallel_loop3A_508 = arith.addi %parallel_loop3A_506, %parallel_loop3A_507 : i32
        %parallel_loop3A_509 = arith.index_cast %parallel_loop3A_508 : i32 to index
        %parallel_loop3A_510 = tpu.vector_load %arg9[%parallel_loop3A_509] {strides = array<i32>} : memref<24576xf32, #tpu.memory_space<vmem>>, vector<16xf32>,
        tpu.vector_store %arg9[%parallel_loop3A_509], %parallel_loop3A_504 {strides = array<i32>} : memref<24576xf32, #tpu.memory_space<vmem>>, vector<16xf32>,
        %parallel_loop3A_511 = arith.constant 384 : i32
        %parallel_loop3A_512 = arith.addi %mul3A_288, %parallel_loop3A_511 : i32
        %parallel_loop3A_513 = tpu.memref_slice %arg8[%parallel_loop3A_512] : memref<9216xf32, #tpu.memory_space<vmem>> -> memref<32xf32, #tpu.memory_space<vmem>>
        %parallel_loop3A_514 = tpu.vector_load_idx %parallel_loop3A_513[%parallel_loop3A_383] : memref<32xf32, #tpu.memory_space<vmem>>[vector<16xi32>], vector<16xf32>,
        %parallel_loop3A_515 = arith.constant 4096 : i32
        %parallel_loop3A_516 = arith.addi %parallel_loop3A_390, %parallel_loop3A_515 : i32
        %parallel_loop3A_517 = arith.constant 512 : i32
        %parallel_loop3A_518 = arith.addi %parallel_loop3A_516, %parallel_loop3A_517 : i32
        %parallel_loop3A_519 = arith.index_cast %parallel_loop3A_518 : i32 to index
        %parallel_loop3A_520 = tpu.vector_load %arg9[%parallel_loop3A_519] {strides = array<i32>} : memref<24576xf32, #tpu.memory_space<vmem>>, vector<16xf32>,
        tpu.vector_store %arg9[%parallel_loop3A_519], %parallel_loop3A_514 {strides = array<i32>} : memref<24576xf32, #tpu.memory_space<vmem>>, vector<16xf32>,
        %parallel_loop3A_521 = arith.constant 416 : i32
        %parallel_loop3A_522 = arith.addi %mul3A_288, %parallel_loop3A_521 : i32
        %parallel_loop3A_523 = tpu.memref_slice %arg8[%parallel_loop3A_522] : memref<9216xf32, #tpu.memory_space<vmem>> -> memref<32xf32, #tpu.memory_space<vmem>>
        %parallel_loop3A_524 = tpu.vector_load_idx %parallel_loop3A_523[%parallel_loop3A_383] : memref<32xf32, #tpu.memory_space<vmem>>[vector<16xi32>], vector<16xf32>,
        %parallel_loop3A_525 = arith.constant 4096 : i32
        %parallel_loop3A_526 = arith.addi %parallel_loop3A_390, %parallel_loop3A_525 : i32
        %parallel_loop3A_527 = arith.constant 640 : i32
        %parallel_loop3A_528 = arith.addi %parallel_loop3A_526, %parallel_loop3A_527 : i32
        %parallel_loop3A_529 = arith.index_cast %parallel_loop3A_528 : i32 to index
        %parallel_loop3A_530 = tpu.vector_load %arg9[%parallel_loop3A_529] {strides = array<i32>} : memref<24576xf32, #tpu.memory_space<vmem>>, vector<16xf32>,
        tpu.vector_store %arg9[%parallel_loop3A_529], %parallel_loop3A_524 {strides = array<i32>} : memref<24576xf32, #tpu.memory_space<vmem>>, vector<16xf32>,
        %parallel_loop3A_531 = arith.constant 448 : i32
        %parallel_loop3A_532 = arith.addi %mul3A_288, %parallel_loop3A_531 : i32
        %parallel_loop3A_533 = tpu.memref_slice %arg8[%parallel_loop3A_532] : memref<9216xf32, #tpu.memory_space<vmem>> -> memref<32xf32, #tpu.memory_space<vmem>>
        %parallel_loop3A_534 = tpu.vector_load_idx %parallel_loop3A_533[%parallel_loop3A_383] : memref<32xf32, #tpu.memory_space<vmem>>[vector<16xi32>], vector<16xf32>,
        %parallel_loop3A_535 = arith.constant 4096 : i32
        %parallel_loop3A_536 = arith.addi %parallel_loop3A_390, %parallel_loop3A_535 : i32
        %parallel_loop3A_537 = arith.constant 768 : i32
        %parallel_loop3A_538 = arith.addi %parallel_loop3A_536, %parallel_loop3A_537 : i32
        %parallel_loop3A_539 = arith.index_cast %parallel_loop3A_538 : i32 to index
        %parallel_loop3A_540 = tpu.vector_load %arg9[%parallel_loop3A_539] {strides = array<i32>} : memref<24576xf32, #tpu.memory_space<vmem>>, vector<16xf32>,
        tpu.vector_store %arg9[%parallel_loop3A_539], %parallel_loop3A_534 {strides = array<i32>} : memref<24576xf32, #tpu.memory_space<vmem>>, vector<16xf32>,
        %parallel_loop3A_541 = arith.constant 480 : i32
        %parallel_loop3A_542 = arith.addi %mul3A_288, %parallel_loop3A_541 : i32
        %parallel_loop3A_543 = tpu.memref_slice %arg8[%parallel_loop3A_542] : memref<9216xf32, #tpu.memory_space<vmem>> -> memref<32xf32, #tpu.memory_space<vmem>>
        %parallel_loop3A_544 = tpu.vector_load_idx %parallel_loop3A_543[%parallel_loop3A_383] : memref<32xf32, #tpu.memory_space<vmem>>[vector<16xi32>], vector<16xf32>,
        %parallel_loop3A_545 = arith.constant 4096 : i32
        %parallel_loop3A_546 = arith.addi %parallel_loop3A_390, %parallel_loop3A_545 : i32
        %parallel_loop3A_547 = arith.constant 896 : i32
        %parallel_loop3A_548 = arith.addi %parallel_loop3A_546, %parallel_loop3A_547 : i32
        %parallel_loop3A_549 = arith.index_cast %parallel_loop3A_548 : i32 to index
        %parallel_loop3A_550 = tpu.vector_load %arg9[%parallel_loop3A_549] {strides = array<i32>} : memref<24576xf32, #tpu.memory_space<vmem>>, vector<16xf32>,
        tpu.vector_store %arg9[%parallel_loop3A_549], %parallel_loop3A_544 {strides = array<i32>} : memref<24576xf32, #tpu.memory_space<vmem>>, vector<16xf32>,
        %parallel_loop3A_551 = arith.constant 512 : i32
        %parallel_loop3A_552 = arith.addi %mul3A_288, %parallel_loop3A_551 : i32
        %parallel_loop3A_553 = tpu.memref_slice %arg8[%parallel_loop3A_552] : memref<9216xf32, #tpu.memory_space<vmem>> -> memref<32xf32, #tpu.memory_space<vmem>>
        %parallel_loop3A_554 = tpu.vector_load_idx %parallel_loop3A_553[%parallel_loop3A_383] : memref<32xf32, #tpu.memory_space<vmem>>[vector<16xi32>], vector<16xf32>,
        %parallel_loop3A_555 = arith.constant 8192 : i32
        %parallel_loop3A_556 = arith.addi %parallel_loop3A_390, %parallel_loop3A_555 : i32
        %parallel_loop3A_557 = arith.constant 0 : i32
        %parallel_loop3A_558 = arith.addi %parallel_loop3A_556, %parallel_loop3A_557 : i32
        %parallel_loop3A_559 = arith.index_cast %parallel_loop3A_558 : i32 to index
        %parallel_loop3A_560 = tpu.vector_load %arg9[%parallel_loop3A_559] {strides = array<i32>} : memref<24576xf32, #tpu.memory_space<vmem>>, vector<16xf32>,
        tpu.vector_store %arg9[%parallel_loop3A_559], %parallel_loop3A_554 {strides = array<i32>} : memref<24576xf32, #tpu.memory_space<vmem>>, vector<16xf32>,
        %parallel_loop3A_561 = arith.constant 544 : i32
        %parallel_loop3A_562 = arith.addi %mul3A_288, %parallel_loop3A_561 : i32
        %parallel_loop3A_563 = tpu.memref_slice %arg8[%parallel_loop3A_562] : memref<9216xf32, #tpu.memory_space<vmem>> -> memref<32xf32, #tpu.memory_space<vmem>>
        %parallel_loop3A_564 = tpu.vector_load_idx %parallel_loop3A_563[%parallel_loop3A_383] : memref<32xf32, #tpu.memory_space<vmem>>[vector<16xi32>], vector<16xf32>,
        %parallel_loop3A_565 = arith.constant 8192 : i32
        %parallel_loop3A_566 = arith.addi %parallel_loop3A_390, %parallel_loop3A_565 : i32
        %parallel_loop3A_567 = arith.constant 128 : i32
        %parallel_loop3A_568 = arith.addi %parallel_loop3A_566, %parallel_loop3A_567 : i32
        %parallel_loop3A_569 = arith.index_cast %parallel_loop3A_568 : i32 to index
        %parallel_loop3A_570 = tpu.vector_load %arg9[%parallel_loop3A_569] {strides = array<i32>} : memref<24576xf32, #tpu.memory_space<vmem>>, vector<16xf32>,
        tpu.vector_store %arg9[%parallel_loop3A_569], %parallel_loop3A_564 {strides = array<i32>} : memref<24576xf32, #tpu.memory_space<vmem>>, vector<16xf32>,
        %parallel_loop3A_571 = arith.constant 576 : i32
        %parallel_loop3A_572 = arith.addi %mul3A_288, %parallel_loop3A_571 : i32
        %parallel_loop3A_573 = tpu.memref_slice %arg8[%parallel_loop3A_572] : memref<9216xf32, #tpu.memory_space<vmem>> -> memref<32xf32, #tpu.memory_space<vmem>>
        %parallel_loop3A_574 = tpu.vector_load_idx %parallel_loop3A_573[%parallel_loop3A_383] : memref<32xf32, #tpu.memory_space<vmem>>[vector<16xi32>], vector<16xf32>,
        %parallel_loop3A_575 = arith.constant 8192 : i32
        %parallel_loop3A_576 = arith.addi %parallel_loop3A_390, %parallel_loop3A_575 : i32
        %parallel_loop3A_577 = arith.constant 256 : i32
        %parallel_loop3A_578 = arith.addi %parallel_loop3A_576, %parallel_loop3A_577 : i32
        %parallel_loop3A_579 = arith.index_cast %parallel_loop3A_578 : i32 to index
        %parallel_loop3A_580 = tpu.vector_load %arg9[%parallel_loop3A_579] {strides = array<i32>} : memref<24576xf32, #tpu.memory_space<vmem>>, vector<16xf32>,
        tpu.vector_store %arg9[%parallel_loop3A_579], %parallel_loop3A_574 {strides = array<i32>} : memref<24576xf32, #tpu.memory_space<vmem>>, vector<16xf32>,
        %parallel_loop3A_581 = arith.constant 608 : i32
        %parallel_loop3A_582 = arith.addi %mul3A_288, %parallel_loop3A_581 : i32
        %parallel_loop3A_583 = tpu.memref_slice %arg8[%parallel_loop3A_582] : memref<9216xf32, #tpu.memory_space<vmem>> -> memref<32xf32, #tpu.memory_space<vmem>>
        %parallel_loop3A_584 = tpu.vector_load_idx %parallel_loop3A_583[%parallel_loop3A_383] : memref<32xf32, #tpu.memory_space<vmem>>[vector<16xi32>], vector<16xf32>,
        %parallel_loop3A_585 = arith.constant 8192 : i32
        %parallel_loop3A_586 = arith.addi %parallel_loop3A_390, %parallel_loop3A_585 : i32
        %parallel_loop3A_587 = arith.constant 384 : i32
        %parallel_loop3A_588 = arith.addi %parallel_loop3A_586, %parallel_loop3A_587 : i32
        %parallel_loop3A_589 = arith.index_cast %parallel_loop3A_588 : i32 to index
        %parallel_loop3A_590 = tpu.vector_load %arg9[%parallel_loop3A_589] {strides = array<i32>} : memref<24576xf32, #tpu.memory_space<vmem>>, vector<16xf32>,
        tpu.vector_store %arg9[%parallel_loop3A_589], %parallel_loop3A_584 {strides = array<i32>} : memref<24576xf32, #tpu.memory_space<vmem>>, vector<16xf32>,
        %parallel_loop3A_591 = arith.constant 640 : i32
        %parallel_loop3A_592 = arith.addi %mul3A_288, %parallel_loop3A_591 : i32
        %parallel_loop3A_593 = tpu.memref_slice %arg8[%parallel_loop3A_592] : memref<9216xf32, #tpu.memory_space<vmem>> -> memref<32xf32, #tpu.memory_space<vmem>>
        %parallel_loop3A_594 = tpu.vector_load_idx %parallel_loop3A_593[%parallel_loop3A_383] : memref<32xf32, #tpu.memory_space<vmem>>[vector<16xi32>], vector<16xf32>,
        %parallel_loop3A_595 = arith.constant 8192 : i32
        %parallel_loop3A_596 = arith.addi %parallel_loop3A_390, %parallel_loop3A_595 : i32
        %parallel_loop3A_597 = arith.constant 512 : i32
        %parallel_loop3A_598 = arith.addi %parallel_loop3A_596, %parallel_loop3A_597 : i32
        %parallel_loop3A_599 = arith.index_cast %parallel_loop3A_598 : i32 to index
        %parallel_loop3A_600 = tpu.vector_load %arg9[%parallel_loop3A_599] {strides = array<i32>} : memref<24576xf32, #tpu.memory_space<vmem>>, vector<16xf32>,
        tpu.vector_store %arg9[%parallel_loop3A_599], %parallel_loop3A_594 {strides = array<i32>} : memref<24576xf32, #tpu.memory_space<vmem>>, vector<16xf32>,
        %parallel_loop3A_601 = arith.constant 672 : i32
        %parallel_loop3A_602 = arith.addi %mul3A_288, %parallel_loop3A_601 : i32
        %parallel_loop3A_603 = tpu.memref_slice %arg8[%parallel_loop3A_602] : memref<9216xf32, #tpu.memory_space<vmem>> -> memref<32xf32, #tpu.memory_space<vmem>>
        %parallel_loop3A_604 = tpu.vector_load_idx %parallel_loop3A_603[%parallel_loop3A_383] : memref<32xf32, #tpu.memory_space<vmem>>[vector<16xi32>], vector<16xf32>,
        %parallel_loop3A_605 = arith.constant 8192 : i32
        %parallel_loop3A_606 = arith.addi %parallel_loop3A_390, %parallel_loop3A_605 : i32
        %parallel_loop3A_607 = arith.constant 640 : i32
        %parallel_loop3A_608 = arith.addi %parallel_loop3A_606, %parallel_loop3A_607 : i32
        %parallel_loop3A_609 = arith.index_cast %parallel_loop3A_608 : i32 to index
        %parallel_loop3A_610 = tpu.vector_load %arg9[%parallel_loop3A_609] {strides = array<i32>} : memref<24576xf32, #tpu.memory_space<vmem>>, vector<16xf32>,
        tpu.vector_store %arg9[%parallel_loop3A_609], %parallel_loop3A_604 {strides = array<i32>} : memref<24576xf32, #tpu.memory_space<vmem>>, vector<16xf32>,
        %parallel_loop3A_611 = arith.constant 704 : i32
        %parallel_loop3A_612 = arith.addi %mul3A_288, %parallel_loop3A_611 : i32
        %parallel_loop3A_613 = tpu.memref_slice %arg8[%parallel_loop3A_612] : memref<9216xf32, #tpu.memory_space<vmem>> -> memref<32xf32, #tpu.memory_space<vmem>>
        %parallel_loop3A_614 = tpu.vector_load_idx %parallel_loop3A_613[%parallel_loop3A_383] : memref<32xf32, #tpu.memory_space<vmem>>[vector<16xi32>], vector<16xf32>,
        %parallel_loop3A_615 = arith.constant 8192 : i32
        %parallel_loop3A_616 = arith.addi %parallel_loop3A_390, %parallel_loop3A_615 : i32
        %parallel_loop3A_617 = arith.constant 768 : i32
        %parallel_loop3A_618 = arith.addi %parallel_loop3A_616, %parallel_loop3A_617 : i32
        %parallel_loop3A_619 = arith.index_cast %parallel_loop3A_618 : i32 to index
        %parallel_loop3A_620 = tpu.vector_load %arg9[%parallel_loop3A_619] {strides = array<i32>} : memref<24576xf32, #tpu.memory_space<vmem>>, vector<16xf32>,
        tpu.vector_store %arg9[%parallel_loop3A_619], %parallel_loop3A_614 {strides = array<i32>} : memref<24576xf32, #tpu.memory_space<vmem>>, vector<16xf32>,
        %parallel_loop3A_621 = arith.constant 736 : i32
        %parallel_loop3A_622 = arith.addi %mul3A_288, %parallel_loop3A_621 : i32
        %parallel_loop3A_623 = tpu.memref_slice %arg8[%parallel_loop3A_622] : memref<9216xf32, #tpu.memory_space<vmem>> -> memref<32xf32, #tpu.memory_space<vmem>>
        %parallel_loop3A_624 = tpu.vector_load_idx %parallel_loop3A_623[%parallel_loop3A_383] : memref<32xf32, #tpu.memory_space<vmem>>[vector<16xi32>], vector<16xf32>,
        %parallel_loop3A_625 = arith.constant 8192 : i32
        %parallel_loop3A_626 = arith.addi %parallel_loop3A_390, %parallel_loop3A_625 : i32
        %parallel_loop3A_627 = arith.constant 896 : i32
        %parallel_loop3A_628 = arith.addi %parallel_loop3A_626, %parallel_loop3A_627 : i32
        %parallel_loop3A_629 = arith.index_cast %parallel_loop3A_628 : i32 to index
        %parallel_loop3A_630 = tpu.vector_load %arg9[%parallel_loop3A_629] {strides = array<i32>} : memref<24576xf32, #tpu.memory_space<vmem>>, vector<16xf32>,
        tpu.vector_store %arg9[%parallel_loop3A_629], %parallel_loop3A_624 {strides = array<i32>} : memref<24576xf32, #tpu.memory_space<vmem>>, vector<16xf32>,
      } {sc.loop_unroll_factor = 2 : i64, sc.parallel_access}
      %mul3A_292 = arith.constant 393216 : i32
      %mul3A_293 = arith.muli %add3A_284, %mul3A_292 : i32
      %add3A_294 = arith.constant 0 : i32
      %add3A_295 = arith.addi %mul3A_293, %add3A_294 : i32
      %add3A_296 = arith.addi %add3A_295, %mul3A_226 : i32
      %mul3A_297 = arith.constant 393216 : i32
      %mul3A_298 = arith.muli %add3A_284, %mul3A_297 : i32
      %add3A_299 = arith.constant 131072 : i32
      %add3A_300 = arith.addi %mul3A_298, %add3A_299 : i32
      %add3A_301 = arith.addi %add3A_300, %mul3A_226 : i32
      %mul3A_302 = arith.constant 393216 : i32
      %mul3A_303 = arith.muli %add3A_284, %mul3A_302 : i32
      %add3A_304 = arith.constant 262144 : i32
      %add3A_305 = arith.addi %mul3A_303, %add3A_304 : i32
      %add3A_306 = arith.addi %add3A_305, %mul3A_226 : i32
      %dma_start3A_307 = arith.constant 0 : i32
      %dma_start3A_308 = tpu.memref_slice %arg9[%dma_start3A_307] : memref<24576xf32, #tpu.memory_space<vmem>> -> memref<4096xf32, #tpu.memory_space<vmem>>
      %dma_start3A_309 = tpu.memref_slice %arg4[%add3A_296] : memref<4718592xf32, #tpu.memory_space<hbm>> -> memref<4096xf32, #tpu.memory_space<hbm>>
      %dma_start3A_310 = tpu.memref_slice %arg4[%add3A_296] : memref<4718592xf32, #tpu.memory_space<hbm>> -> memref<4096xf32, #tpu.memory_space<hbm>>
      %dma_start3A_311 = arith.constant 0 : i32
      %dma_start3A_312 = tpu.memref_slice %arg9[%dma_start3A_311] : memref<24576xf32, #tpu.memory_space<vmem>> -> memref<4096xf32, #tpu.memory_space<vmem>>
      tpu.enqueue_dma source(%dma_start3A_312 : memref<4096xf32, #tpu.memory_space<vmem>>) target(%dma_start3A_310 : memref<4096xf32, #tpu.memory_space<hbm>>) target_semaphore(%arg10 : memref<!tpu.dma_semaphore, #tpu.memory_space<semaphore_mem>>)
      %dma_start3A_313 = arith.constant 4096 : i32
      %dma_start3A_314 = tpu.memref_slice %arg9[%dma_start3A_313] : memref<24576xf32, #tpu.memory_space<vmem>> -> memref<4096xf32, #tpu.memory_space<vmem>>
      %dma_start3A_315 = tpu.memref_slice %arg4[%add3A_301] : memref<4718592xf32, #tpu.memory_space<hbm>> -> memref<4096xf32, #tpu.memory_space<hbm>>
      %dma_start3A_316 = tpu.memref_slice %arg4[%add3A_301] : memref<4718592xf32, #tpu.memory_space<hbm>> -> memref<4096xf32, #tpu.memory_space<hbm>>
      %dma_start3A_317 = arith.constant 4096 : i32
      %dma_start3A_318 = tpu.memref_slice %arg9[%dma_start3A_317] : memref<24576xf32, #tpu.memory_space<vmem>> -> memref<4096xf32, #tpu.memory_space<vmem>>
      tpu.enqueue_dma source(%dma_start3A_318 : memref<4096xf32, #tpu.memory_space<vmem>>) target(%dma_start3A_316 : memref<4096xf32, #tpu.memory_space<hbm>>) target_semaphore(%arg10 : memref<!tpu.dma_semaphore, #tpu.memory_space<semaphore_mem>>)
      %dma_start3A_319 = arith.constant 8192 : i32
      %dma_start3A_320 = tpu.memref_slice %arg9[%dma_start3A_319] : memref<24576xf32, #tpu.memory_space<vmem>> -> memref<4096xf32, #tpu.memory_space<vmem>>
      %dma_start3A_321 = tpu.memref_slice %arg4[%add3A_306] : memref<4718592xf32, #tpu.memory_space<hbm>> -> memref<4096xf32, #tpu.memory_space<hbm>>
      %dma_start3A_322 = tpu.memref_slice %arg4[%add3A_306] : memref<4718592xf32, #tpu.memory_space<hbm>> -> memref<4096xf32, #tpu.memory_space<hbm>>
      %dma_start3A_323 = arith.constant 8192 : i32
      %dma_start3A_324 = tpu.memref_slice %arg9[%dma_start3A_323] : memref<24576xf32, #tpu.memory_space<vmem>> -> memref<4096xf32, #tpu.memory_space<vmem>>
      tpu.enqueue_dma source(%dma_start3A_324 : memref<4096xf32, #tpu.memory_space<vmem>>) target(%dma_start3A_322 : memref<4096xf32, #tpu.memory_space<hbm>>) target_semaphore(%arg10 : memref<!tpu.dma_semaphore, #tpu.memory_space<semaphore_mem>>)
      %mul3A_325 = arith.constant 2 : i32
      %mul3A_326 = arith.muli %scan3A_280, %mul3A_325 : i32
      %add3A_327 = arith.constant 1 : i32
      %add3A_328 = arith.addi %mul3A_326, %add3A_327 : i32
      %gt3A_329 = arith.constant 0 : i32
      %gt3A_330 = arith.cmpi sgt, %scan3A_280, %gt3A_329 : i32
      %convert_element_type3A_331 = arith.extui %gt3A_330 : i1 to i32
      %cond3A_332 = arith.constant 0 : i32
      %cond3A_333 = arith.cmpi ne, %convert_element_type3A_331, %cond3A_332 : i32
      scf.if %cond3A_333 {
        %sub3A = arith.constant 2 : i32
        %sub3A_372 = arith.subi %add3A_328, %sub3A : i32
        %mul3A_373 = arith.constant 393216 : i32
        %mul3A_374 = arith.muli %sub3A_372, %mul3A_373 : i32
        %add3A_375 = arith.constant 0 : i32
        %add3A_376 = arith.addi %mul3A_374, %add3A_375 : i32
        %add3A_377 = arith.addi %add3A_376, %mul3A_226 : i32
        %mul3A_378 = arith.constant 393216 : i32
        %mul3A_379 = arith.muli %sub3A_372, %mul3A_378 : i32
        %add3A_380 = arith.constant 131072 : i32
        %add3A_381 = arith.addi %mul3A_379, %add3A_380 : i32
        %add3A_382 = arith.addi %add3A_381, %mul3A_226 : i32
        %mul3A_383 = arith.constant 393216 : i32
        %mul3A_384 = arith.muli %sub3A_372, %mul3A_383 : i32
        %add3A_385 = arith.constant 262144 : i32
        %add3A_386 = arith.addi %mul3A_384, %add3A_385 : i32
        %add3A_387 = arith.addi %add3A_386, %mul3A_226 : i32
        %dma_wait3A_388 = arith.constant 12288 : i32
        %dma_wait3A_389 = tpu.memref_slice %arg9[%dma_wait3A_388] : memref<24576xf32, #tpu.memory_space<vmem>> -> memref<4096xf32, #tpu.memory_space<vmem>>
        %dma_wait3A_390 = tpu.memref_slice %arg4[%add3A_377] : memref<4718592xf32, #tpu.memory_space<hbm>> -> memref<4096xf32, #tpu.memory_space<hbm>>
        %dma_wait3A_391 = tpu.memref_slice %arg4[%add3A_377] : memref<4718592xf32, #tpu.memory_space<hbm>> -> memref<4096xf32, #tpu.memory_space<hbm>>
        %dma_wait3A_392 = arith.constant 12288 : i32
        %dma_wait3A_393 = tpu.memref_slice %arg9[%dma_wait3A_392] : memref<24576xf32, #tpu.memory_space<vmem>> -> memref<4096xf32, #tpu.memory_space<vmem>>
        tpu.wait_dma2 semaphore(%arg11 : memref<!tpu.dma_semaphore, #tpu.memory_space<semaphore_mem>>) src(%dma_wait3A_393 : memref<4096xf32, #tpu.memory_space<vmem>>) dst(%dma_wait3A_391 : memref<4096xf32, #tpu.memory_space<hbm>>)
        %dma_wait3A_394 = arith.constant 16384 : i32
        %dma_wait3A_395 = tpu.memref_slice %arg9[%dma_wait3A_394] : memref<24576xf32, #tpu.memory_space<vmem>> -> memref<4096xf32, #tpu.memory_space<vmem>>
        %dma_wait3A_396 = tpu.memref_slice %arg4[%add3A_382] : memref<4718592xf32, #tpu.memory_space<hbm>> -> memref<4096xf32, #tpu.memory_space<hbm>>
        %dma_wait3A_397 = tpu.memref_slice %arg4[%add3A_382] : memref<4718592xf32, #tpu.memory_space<hbm>> -> memref<4096xf32, #tpu.memory_space<hbm>>
        %dma_wait3A_398 = arith.constant 16384 : i32
        %dma_wait3A_399 = tpu.memref_slice %arg9[%dma_wait3A_398] : memref<24576xf32, #tpu.memory_space<vmem>> -> memref<4096xf32, #tpu.memory_space<vmem>>
        tpu.wait_dma2 semaphore(%arg11 : memref<!tpu.dma_semaphore, #tpu.memory_space<semaphore_mem>>) src(%dma_wait3A_399 : memref<4096xf32, #tpu.memory_space<vmem>>) dst(%dma_wait3A_397 : memref<4096xf32, #tpu.memory_space<hbm>>)
        %dma_wait3A_400 = arith.constant 20480 : i32
        %dma_wait3A_401 = tpu.memref_slice %arg9[%dma_wait3A_400] : memref<24576xf32, #tpu.memory_space<vmem>> -> memref<4096xf32, #tpu.memory_space<vmem>>
        %dma_wait3A_402 = tpu.memref_slice %arg4[%add3A_387] : memref<4718592xf32, #tpu.memory_space<hbm>> -> memref<4096xf32, #tpu.memory_space<hbm>>
        %dma_wait3A_403 = tpu.memref_slice %arg4[%add3A_387] : memref<4718592xf32, #tpu.memory_space<hbm>> -> memref<4096xf32, #tpu.memory_space<hbm>>
        %dma_wait3A_404 = arith.constant 20480 : i32
        %dma_wait3A_405 = tpu.memref_slice %arg9[%dma_wait3A_404] : memref<24576xf32, #tpu.memory_space<vmem>> -> memref<4096xf32, #tpu.memory_space<vmem>>
        tpu.wait_dma2 semaphore(%arg11 : memref<!tpu.dma_semaphore, #tpu.memory_space<semaphore_mem>>) src(%dma_wait3A_405 : memref<4096xf32, #tpu.memory_space<vmem>>) dst(%dma_wait3A_403 : memref<4096xf32, #tpu.memory_space<hbm>>)
      } else {
      }
      %mul3A_334 = arith.constant 768 : i32
      %mul3A_335 = arith.muli %add3A_328, %mul3A_334 : i32
      %parallel_loop3A_336 = arith.constant 0 : i32
      %parallel_loop3A_337 = arith.constant 32 : i32
      %parallel_loop3A_338 = arith.constant 1 : i32
      scf.for %parallel_loop3A_372 = %parallel_loop3A_336 to %parallel_loop3A_337 step %parallel_loop3A_338  : i32 {
        %parallel_loop3A_373 = arith.constant 3 : i32
        %parallel_loop3A_374 = arith.shrui %parallel_loop3A_372, %parallel_loop3A_373 : i32
        %parallel_loop3A_375 = arith.constant 7 : i32
        %parallel_loop3A_376 = arith.andi %parallel_loop3A_372, %parallel_loop3A_375 : i32
        %parallel_loop3A_377 = arith.constant 512 : i32
        %parallel_loop3A_378 = arith.muli %add3A_328, %parallel_loop3A_377 : i32
        %parallel_loop3A_379 = arith.constant 16 : i32
        %parallel_loop3A_380 = arith.muli %parallel_loop3A_372, %parallel_loop3A_379 : i32
        %parallel_loop3A_381 = arith.addi %parallel_loop3A_378, %parallel_loop3A_380 : i32
        %parallel_loop3A_382 = arith.index_cast %parallel_loop3A_381 : i32 to index
        %parallel_loop3A_383 = tpu.vector_load %arg5[%parallel_loop3A_382] {strides = array<i32>} : memref<6144xi32, #tpu.memory_space<vmem>>, vector<16xi32>,
        %parallel_loop3A_384 = arith.constant 1024 : i32
        %parallel_loop3A_385 = arith.muli %parallel_loop3A_374, %parallel_loop3A_384 : i32
        %parallel_loop3A_386 = arith.constant 12288 : i32
        %parallel_loop3A_387 = arith.addi %parallel_loop3A_386, %parallel_loop3A_385 : i32
        %parallel_loop3A_388 = arith.constant 16 : i32
        %parallel_loop3A_389 = arith.muli %parallel_loop3A_376, %parallel_loop3A_388 : i32
        %parallel_loop3A_390 = arith.addi %parallel_loop3A_387, %parallel_loop3A_389 : i32
        %parallel_loop3A_391 = arith.constant 0 : i32
        %parallel_loop3A_392 = arith.addi %mul3A_335, %parallel_loop3A_391 : i32
        %parallel_loop3A_393 = tpu.memref_slice %arg8[%parallel_loop3A_392] : memref<9216xf32, #tpu.memory_space<vmem>> -> memref<32xf32, #tpu.memory_space<vmem>>
        %parallel_loop3A_394 = tpu.vector_load_idx %parallel_loop3A_393[%parallel_loop3A_383] : memref<32xf32, #tpu.memory_space<vmem>>[vector<16xi32>], vector<16xf32>,
        %parallel_loop3A_395 = arith.constant 0 : i32
        %parallel_loop3A_396 = arith.addi %parallel_loop3A_390, %parallel_loop3A_395 : i32
        %parallel_loop3A_397 = arith.constant 0 : i32
        %parallel_loop3A_398 = arith.addi %parallel_loop3A_396, %parallel_loop3A_397 : i32
        %parallel_loop3A_399 = arith.index_cast %parallel_loop3A_398 : i32 to index
        %parallel_loop3A_400 = tpu.vector_load %arg9[%parallel_loop3A_399] {strides = array<i32>} : memref<24576xf32, #tpu.memory_space<vmem>>, vector<16xf32>,
        tpu.vector_store %arg9[%parallel_loop3A_399], %parallel_loop3A_394 {strides = array<i32>} : memref<24576xf32, #tpu.memory_space<vmem>>, vector<16xf32>,
        %parallel_loop3A_401 = arith.constant 32 : i32
        %parallel_loop3A_402 = arith.addi %mul3A_335, %parallel_loop3A_401 : i32
        %parallel_loop3A_403 = tpu.memref_slice %arg8[%parallel_loop3A_402] : memref<9216xf32, #tpu.memory_space<vmem>> -> memref<32xf32, #tpu.memory_space<vmem>>
        %parallel_loop3A_404 = tpu.vector_load_idx %parallel_loop3A_403[%parallel_loop3A_383] : memref<32xf32, #tpu.memory_space<vmem>>[vector<16xi32>], vector<16xf32>,
        %parallel_loop3A_405 = arith.constant 0 : i32
        %parallel_loop3A_406 = arith.addi %parallel_loop3A_390, %parallel_loop3A_405 : i32
        %parallel_loop3A_407 = arith.constant 128 : i32
        %parallel_loop3A_408 = arith.addi %parallel_loop3A_406, %parallel_loop3A_407 : i32
        %parallel_loop3A_409 = arith.index_cast %parallel_loop3A_408 : i32 to index
        %parallel_loop3A_410 = tpu.vector_load %arg9[%parallel_loop3A_409] {strides = array<i32>} : memref<24576xf32, #tpu.memory_space<vmem>>, vector<16xf32>,
        tpu.vector_store %arg9[%parallel_loop3A_409], %parallel_loop3A_404 {strides = array<i32>} : memref<24576xf32, #tpu.memory_space<vmem>>, vector<16xf32>,
        %parallel_loop3A_411 = arith.constant 64 : i32
        %parallel_loop3A_412 = arith.addi %mul3A_335, %parallel_loop3A_411 : i32
        %parallel_loop3A_413 = tpu.memref_slice %arg8[%parallel_loop3A_412] : memref<9216xf32, #tpu.memory_space<vmem>> -> memref<32xf32, #tpu.memory_space<vmem>>
        %parallel_loop3A_414 = tpu.vector_load_idx %parallel_loop3A_413[%parallel_loop3A_383] : memref<32xf32, #tpu.memory_space<vmem>>[vector<16xi32>], vector<16xf32>,
        %parallel_loop3A_415 = arith.constant 0 : i32
        %parallel_loop3A_416 = arith.addi %parallel_loop3A_390, %parallel_loop3A_415 : i32
        %parallel_loop3A_417 = arith.constant 256 : i32
        %parallel_loop3A_418 = arith.addi %parallel_loop3A_416, %parallel_loop3A_417 : i32
        %parallel_loop3A_419 = arith.index_cast %parallel_loop3A_418 : i32 to index
        %parallel_loop3A_420 = tpu.vector_load %arg9[%parallel_loop3A_419] {strides = array<i32>} : memref<24576xf32, #tpu.memory_space<vmem>>, vector<16xf32>,
        tpu.vector_store %arg9[%parallel_loop3A_419], %parallel_loop3A_414 {strides = array<i32>} : memref<24576xf32, #tpu.memory_space<vmem>>, vector<16xf32>,
        %parallel_loop3A_421 = arith.constant 96 : i32
        %parallel_loop3A_422 = arith.addi %mul3A_335, %parallel_loop3A_421 : i32
        %parallel_loop3A_423 = tpu.memref_slice %arg8[%parallel_loop3A_422] : memref<9216xf32, #tpu.memory_space<vmem>> -> memref<32xf32, #tpu.memory_space<vmem>>
        %parallel_loop3A_424 = tpu.vector_load_idx %parallel_loop3A_423[%parallel_loop3A_383] : memref<32xf32, #tpu.memory_space<vmem>>[vector<16xi32>], vector<16xf32>,
        %parallel_loop3A_425 = arith.constant 0 : i32
        %parallel_loop3A_426 = arith.addi %parallel_loop3A_390, %parallel_loop3A_425 : i32
        %parallel_loop3A_427 = arith.constant 384 : i32
        %parallel_loop3A_428 = arith.addi %parallel_loop3A_426, %parallel_loop3A_427 : i32
        %parallel_loop3A_429 = arith.index_cast %parallel_loop3A_428 : i32 to index
        %parallel_loop3A_430 = tpu.vector_load %arg9[%parallel_loop3A_429] {strides = array<i32>} : memref<24576xf32, #tpu.memory_space<vmem>>, vector<16xf32>,
        tpu.vector_store %arg9[%parallel_loop3A_429], %parallel_loop3A_424 {strides = array<i32>} : memref<24576xf32, #tpu.memory_space<vmem>>, vector<16xf32>,
        %parallel_loop3A_431 = arith.constant 128 : i32
        %parallel_loop3A_432 = arith.addi %mul3A_335, %parallel_loop3A_431 : i32
        %parallel_loop3A_433 = tpu.memref_slice %arg8[%parallel_loop3A_432] : memref<9216xf32, #tpu.memory_space<vmem>> -> memref<32xf32, #tpu.memory_space<vmem>>
        %parallel_loop3A_434 = tpu.vector_load_idx %parallel_loop3A_433[%parallel_loop3A_383] : memref<32xf32, #tpu.memory_space<vmem>>[vector<16xi32>], vector<16xf32>,
        %parallel_loop3A_435 = arith.constant 0 : i32
        %parallel_loop3A_436 = arith.addi %parallel_loop3A_390, %parallel_loop3A_435 : i32
        %parallel_loop3A_437 = arith.constant 512 : i32
        %parallel_loop3A_438 = arith.addi %parallel_loop3A_436, %parallel_loop3A_437 : i32
        %parallel_loop3A_439 = arith.index_cast %parallel_loop3A_438 : i32 to index
        %parallel_loop3A_440 = tpu.vector_load %arg9[%parallel_loop3A_439] {strides = array<i32>} : memref<24576xf32, #tpu.memory_space<vmem>>, vector<16xf32>,
        tpu.vector_store %arg9[%parallel_loop3A_439], %parallel_loop3A_434 {strides = array<i32>} : memref<24576xf32, #tpu.memory_space<vmem>>, vector<16xf32>,
        %parallel_loop3A_441 = arith.constant 160 : i32
        %parallel_loop3A_442 = arith.addi %mul3A_335, %parallel_loop3A_441 : i32
        %parallel_loop3A_443 = tpu.memref_slice %arg8[%parallel_loop3A_442] : memref<9216xf32, #tpu.memory_space<vmem>> -> memref<32xf32, #tpu.memory_space<vmem>>
        %parallel_loop3A_444 = tpu.vector_load_idx %parallel_loop3A_443[%parallel_loop3A_383] : memref<32xf32, #tpu.memory_space<vmem>>[vector<16xi32>], vector<16xf32>,
        %parallel_loop3A_445 = arith.constant 0 : i32
        %parallel_loop3A_446 = arith.addi %parallel_loop3A_390, %parallel_loop3A_445 : i32
        %parallel_loop3A_447 = arith.constant 640 : i32
        %parallel_loop3A_448 = arith.addi %parallel_loop3A_446, %parallel_loop3A_447 : i32
        %parallel_loop3A_449 = arith.index_cast %parallel_loop3A_448 : i32 to index
        %parallel_loop3A_450 = tpu.vector_load %arg9[%parallel_loop3A_449] {strides = array<i32>} : memref<24576xf32, #tpu.memory_space<vmem>>, vector<16xf32>,
        tpu.vector_store %arg9[%parallel_loop3A_449], %parallel_loop3A_444 {strides = array<i32>} : memref<24576xf32, #tpu.memory_space<vmem>>, vector<16xf32>,
        %parallel_loop3A_451 = arith.constant 192 : i32
        %parallel_loop3A_452 = arith.addi %mul3A_335, %parallel_loop3A_451 : i32
        %parallel_loop3A_453 = tpu.memref_slice %arg8[%parallel_loop3A_452] : memref<9216xf32, #tpu.memory_space<vmem>> -> memref<32xf32, #tpu.memory_space<vmem>>
        %parallel_loop3A_454 = tpu.vector_load_idx %parallel_loop3A_453[%parallel_loop3A_383] : memref<32xf32, #tpu.memory_space<vmem>>[vector<16xi32>], vector<16xf32>,
        %parallel_loop3A_455 = arith.constant 0 : i32
        %parallel_loop3A_456 = arith.addi %parallel_loop3A_390, %parallel_loop3A_455 : i32
        %parallel_loop3A_457 = arith.constant 768 : i32
        %parallel_loop3A_458 = arith.addi %parallel_loop3A_456, %parallel_loop3A_457 : i32
        %parallel_loop3A_459 = arith.index_cast %parallel_loop3A_458 : i32 to index
        %parallel_loop3A_460 = tpu.vector_load %arg9[%parallel_loop3A_459] {strides = array<i32>} : memref<24576xf32, #tpu.memory_space<vmem>>, vector<16xf32>,
        tpu.vector_store %arg9[%parallel_loop3A_459], %parallel_loop3A_454 {strides = array<i32>} : memref<24576xf32, #tpu.memory_space<vmem>>, vector<16xf32>,
        %parallel_loop3A_461 = arith.constant 224 : i32
        %parallel_loop3A_462 = arith.addi %mul3A_335, %parallel_loop3A_461 : i32
        %parallel_loop3A_463 = tpu.memref_slice %arg8[%parallel_loop3A_462] : memref<9216xf32, #tpu.memory_space<vmem>> -> memref<32xf32, #tpu.memory_space<vmem>>
        %parallel_loop3A_464 = tpu.vector_load_idx %parallel_loop3A_463[%parallel_loop3A_383] : memref<32xf32, #tpu.memory_space<vmem>>[vector<16xi32>], vector<16xf32>,
        %parallel_loop3A_465 = arith.constant 0 : i32
        %parallel_loop3A_466 = arith.addi %parallel_loop3A_390, %parallel_loop3A_465 : i32
        %parallel_loop3A_467 = arith.constant 896 : i32
        %parallel_loop3A_468 = arith.addi %parallel_loop3A_466, %parallel_loop3A_467 : i32
        %parallel_loop3A_469 = arith.index_cast %parallel_loop3A_468 : i32 to index
        %parallel_loop3A_470 = tpu.vector_load %arg9[%parallel_loop3A_469] {strides = array<i32>} : memref<24576xf32, #tpu.memory_space<vmem>>, vector<16xf32>,
        tpu.vector_store %arg9[%parallel_loop3A_469], %parallel_loop3A_464 {strides = array<i32>} : memref<24576xf32, #tpu.memory_space<vmem>>, vector<16xf32>,
        %parallel_loop3A_471 = arith.constant 256 : i32
        %parallel_loop3A_472 = arith.addi %mul3A_335, %parallel_loop3A_471 : i32
        %parallel_loop3A_473 = tpu.memref_slice %arg8[%parallel_loop3A_472] : memref<9216xf32, #tpu.memory_space<vmem>> -> memref<32xf32, #tpu.memory_space<vmem>>
        %parallel_loop3A_474 = tpu.vector_load_idx %parallel_loop3A_473[%parallel_loop3A_383] : memref<32xf32, #tpu.memory_space<vmem>>[vector<16xi32>], vector<16xf32>,
        %parallel_loop3A_475 = arith.constant 4096 : i32
        %parallel_loop3A_476 = arith.addi %parallel_loop3A_390, %parallel_loop3A_475 : i32
        %parallel_loop3A_477 = arith.constant 0 : i32
        %parallel_loop3A_478 = arith.addi %parallel_loop3A_476, %parallel_loop3A_477 : i32
        %parallel_loop3A_479 = arith.index_cast %parallel_loop3A_478 : i32 to index
        %parallel_loop3A_480 = tpu.vector_load %arg9[%parallel_loop3A_479] {strides = array<i32>} : memref<24576xf32, #tpu.memory_space<vmem>>, vector<16xf32>,
        tpu.vector_store %arg9[%parallel_loop3A_479], %parallel_loop3A_474 {strides = array<i32>} : memref<24576xf32, #tpu.memory_space<vmem>>, vector<16xf32>,
        %parallel_loop3A_481 = arith.constant 288 : i32
        %parallel_loop3A_482 = arith.addi %mul3A_335, %parallel_loop3A_481 : i32
        %parallel_loop3A_483 = tpu.memref_slice %arg8[%parallel_loop3A_482] : memref<9216xf32, #tpu.memory_space<vmem>> -> memref<32xf32, #tpu.memory_space<vmem>>
        %parallel_loop3A_484 = tpu.vector_load_idx %parallel_loop3A_483[%parallel_loop3A_383] : memref<32xf32, #tpu.memory_space<vmem>>[vector<16xi32>], vector<16xf32>,
        %parallel_loop3A_485 = arith.constant 4096 : i32
        %parallel_loop3A_486 = arith.addi %parallel_loop3A_390, %parallel_loop3A_485 : i32
        %parallel_loop3A_487 = arith.constant 128 : i32
        %parallel_loop3A_488 = arith.addi %parallel_loop3A_486, %parallel_loop3A_487 : i32
        %parallel_loop3A_489 = arith.index_cast %parallel_loop3A_488 : i32 to index
        %parallel_loop3A_490 = tpu.vector_load %arg9[%parallel_loop3A_489] {strides = array<i32>} : memref<24576xf32, #tpu.memory_space<vmem>>, vector<16xf32>,
        tpu.vector_store %arg9[%parallel_loop3A_489], %parallel_loop3A_484 {strides = array<i32>} : memref<24576xf32, #tpu.memory_space<vmem>>, vector<16xf32>,
        %parallel_loop3A_491 = arith.constant 320 : i32
        %parallel_loop3A_492 = arith.addi %mul3A_335, %parallel_loop3A_491 : i32
        %parallel_loop3A_493 = tpu.memref_slice %arg8[%parallel_loop3A_492] : memref<9216xf32, #tpu.memory_space<vmem>> -> memref<32xf32, #tpu.memory_space<vmem>>
        %parallel_loop3A_494 = tpu.vector_load_idx %parallel_loop3A_493[%parallel_loop3A_383] : memref<32xf32, #tpu.memory_space<vmem>>[vector<16xi32>], vector<16xf32>,
        %parallel_loop3A_495 = arith.constant 4096 : i32
        %parallel_loop3A_496 = arith.addi %parallel_loop3A_390, %parallel_loop3A_495 : i32
        %parallel_loop3A_497 = arith.constant 256 : i32
        %parallel_loop3A_498 = arith.addi %parallel_loop3A_496, %parallel_loop3A_497 : i32
        %parallel_loop3A_499 = arith.index_cast %parallel_loop3A_498 : i32 to index
        %parallel_loop3A_500 = tpu.vector_load %arg9[%parallel_loop3A_499] {strides = array<i32>} : memref<24576xf32, #tpu.memory_space<vmem>>, vector<16xf32>,
        tpu.vector_store %arg9[%parallel_loop3A_499], %parallel_loop3A_494 {strides = array<i32>} : memref<24576xf32, #tpu.memory_space<vmem>>, vector<16xf32>,
        %parallel_loop3A_501 = arith.constant 352 : i32
        %parallel_loop3A_502 = arith.addi %mul3A_335, %parallel_loop3A_501 : i32
        %parallel_loop3A_503 = tpu.memref_slice %arg8[%parallel_loop3A_502] : memref<9216xf32, #tpu.memory_space<vmem>> -> memref<32xf32, #tpu.memory_space<vmem>>
        %parallel_loop3A_504 = tpu.vector_load_idx %parallel_loop3A_503[%parallel_loop3A_383] : memref<32xf32, #tpu.memory_space<vmem>>[vector<16xi32>], vector<16xf32>,
        %parallel_loop3A_505 = arith.constant 4096 : i32
        %parallel_loop3A_506 = arith.addi %parallel_loop3A_390, %parallel_loop3A_505 : i32
        %parallel_loop3A_507 = arith.constant 384 : i32
        %parallel_loop3A_508 = arith.addi %parallel_loop3A_506, %parallel_loop3A_507 : i32
        %parallel_loop3A_509 = arith.index_cast %parallel_loop3A_508 : i32 to index
        %parallel_loop3A_510 = tpu.vector_load %arg9[%parallel_loop3A_509] {strides = array<i32>} : memref<24576xf32, #tpu.memory_space<vmem>>, vector<16xf32>,
        tpu.vector_store %arg9[%parallel_loop3A_509], %parallel_loop3A_504 {strides = array<i32>} : memref<24576xf32, #tpu.memory_space<vmem>>, vector<16xf32>,
        %parallel_loop3A_511 = arith.constant 384 : i32
        %parallel_loop3A_512 = arith.addi %mul3A_335, %parallel_loop3A_511 : i32
        %parallel_loop3A_513 = tpu.memref_slice %arg8[%parallel_loop3A_512] : memref<9216xf32, #tpu.memory_space<vmem>> -> memref<32xf32, #tpu.memory_space<vmem>>
        %parallel_loop3A_514 = tpu.vector_load_idx %parallel_loop3A_513[%parallel_loop3A_383] : memref<32xf32, #tpu.memory_space<vmem>>[vector<16xi32>], vector<16xf32>,
        %parallel_loop3A_515 = arith.constant 4096 : i32
        %parallel_loop3A_516 = arith.addi %parallel_loop3A_390, %parallel_loop3A_515 : i32
        %parallel_loop3A_517 = arith.constant 512 : i32
        %parallel_loop3A_518 = arith.addi %parallel_loop3A_516, %parallel_loop3A_517 : i32
        %parallel_loop3A_519 = arith.index_cast %parallel_loop3A_518 : i32 to index
        %parallel_loop3A_520 = tpu.vector_load %arg9[%parallel_loop3A_519] {strides = array<i32>} : memref<24576xf32, #tpu.memory_space<vmem>>, vector<16xf32>,
        tpu.vector_store %arg9[%parallel_loop3A_519], %parallel_loop3A_514 {strides = array<i32>} : memref<24576xf32, #tpu.memory_space<vmem>>, vector<16xf32>,
        %parallel_loop3A_521 = arith.constant 416 : i32
        %parallel_loop3A_522 = arith.addi %mul3A_335, %parallel_loop3A_521 : i32
        %parallel_loop3A_523 = tpu.memref_slice %arg8[%parallel_loop3A_522] : memref<9216xf32, #tpu.memory_space<vmem>> -> memref<32xf32, #tpu.memory_space<vmem>>
        %parallel_loop3A_524 = tpu.vector_load_idx %parallel_loop3A_523[%parallel_loop3A_383] : memref<32xf32, #tpu.memory_space<vmem>>[vector<16xi32>], vector<16xf32>,
        %parallel_loop3A_525 = arith.constant 4096 : i32
        %parallel_loop3A_526 = arith.addi %parallel_loop3A_390, %parallel_loop3A_525 : i32
        %parallel_loop3A_527 = arith.constant 640 : i32
        %parallel_loop3A_528 = arith.addi %parallel_loop3A_526, %parallel_loop3A_527 : i32
        %parallel_loop3A_529 = arith.index_cast %parallel_loop3A_528 : i32 to index
        %parallel_loop3A_530 = tpu.vector_load %arg9[%parallel_loop3A_529] {strides = array<i32>} : memref<24576xf32, #tpu.memory_space<vmem>>, vector<16xf32>,
        tpu.vector_store %arg9[%parallel_loop3A_529], %parallel_loop3A_524 {strides = array<i32>} : memref<24576xf32, #tpu.memory_space<vmem>>, vector<16xf32>,
        %parallel_loop3A_531 = arith.constant 448 : i32
        %parallel_loop3A_532 = arith.addi %mul3A_335, %parallel_loop3A_531 : i32
        %parallel_loop3A_533 = tpu.memref_slice %arg8[%parallel_loop3A_532] : memref<9216xf32, #tpu.memory_space<vmem>> -> memref<32xf32, #tpu.memory_space<vmem>>
        %parallel_loop3A_534 = tpu.vector_load_idx %parallel_loop3A_533[%parallel_loop3A_383] : memref<32xf32, #tpu.memory_space<vmem>>[vector<16xi32>], vector<16xf32>,
        %parallel_loop3A_535 = arith.constant 4096 : i32
        %parallel_loop3A_536 = arith.addi %parallel_loop3A_390, %parallel_loop3A_535 : i32
        %parallel_loop3A_537 = arith.constant 768 : i32
        %parallel_loop3A_538 = arith.addi %parallel_loop3A_536, %parallel_loop3A_537 : i32
        %parallel_loop3A_539 = arith.index_cast %parallel_loop3A_538 : i32 to index
        %parallel_loop3A_540 = tpu.vector_load %arg9[%parallel_loop3A_539] {strides = array<i32>} : memref<24576xf32, #tpu.memory_space<vmem>>, vector<16xf32>,
        tpu.vector_store %arg9[%parallel_loop3A_539], %parallel_loop3A_534 {strides = array<i32>} : memref<24576xf32, #tpu.memory_space<vmem>>, vector<16xf32>,
        %parallel_loop3A_541 = arith.constant 480 : i32
        %parallel_loop3A_542 = arith.addi %mul3A_335, %parallel_loop3A_541 : i32
        %parallel_loop3A_543 = tpu.memref_slice %arg8[%parallel_loop3A_542] : memref<9216xf32, #tpu.memory_space<vmem>> -> memref<32xf32, #tpu.memory_space<vmem>>
        %parallel_loop3A_544 = tpu.vector_load_idx %parallel_loop3A_543[%parallel_loop3A_383] : memref<32xf32, #tpu.memory_space<vmem>>[vector<16xi32>], vector<16xf32>,
        %parallel_loop3A_545 = arith.constant 4096 : i32
        %parallel_loop3A_546 = arith.addi %parallel_loop3A_390, %parallel_loop3A_545 : i32
        %parallel_loop3A_547 = arith.constant 896 : i32
        %parallel_loop3A_548 = arith.addi %parallel_loop3A_546, %parallel_loop3A_547 : i32
        %parallel_loop3A_549 = arith.index_cast %parallel_loop3A_548 : i32 to index
        %parallel_loop3A_550 = tpu.vector_load %arg9[%parallel_loop3A_549] {strides = array<i32>} : memref<24576xf32, #tpu.memory_space<vmem>>, vector<16xf32>,
        tpu.vector_store %arg9[%parallel_loop3A_549], %parallel_loop3A_544 {strides = array<i32>} : memref<24576xf32, #tpu.memory_space<vmem>>, vector<16xf32>,
        %parallel_loop3A_551 = arith.constant 512 : i32
        %parallel_loop3A_552 = arith.addi %mul3A_335, %parallel_loop3A_551 : i32
        %parallel_loop3A_553 = tpu.memref_slice %arg8[%parallel_loop3A_552] : memref<9216xf32, #tpu.memory_space<vmem>> -> memref<32xf32, #tpu.memory_space<vmem>>
        %parallel_loop3A_554 = tpu.vector_load_idx %parallel_loop3A_553[%parallel_loop3A_383] : memref<32xf32, #tpu.memory_space<vmem>>[vector<16xi32>], vector<16xf32>,
        %parallel_loop3A_555 = arith.constant 8192 : i32
        %parallel_loop3A_556 = arith.addi %parallel_loop3A_390, %parallel_loop3A_555 : i32
        %parallel_loop3A_557 = arith.constant 0 : i32
        %parallel_loop3A_558 = arith.addi %parallel_loop3A_556, %parallel_loop3A_557 : i32
        %parallel_loop3A_559 = arith.index_cast %parallel_loop3A_558 : i32 to index
        %parallel_loop3A_560 = tpu.vector_load %arg9[%parallel_loop3A_559] {strides = array<i32>} : memref<24576xf32, #tpu.memory_space<vmem>>, vector<16xf32>,
        tpu.vector_store %arg9[%parallel_loop3A_559], %parallel_loop3A_554 {strides = array<i32>} : memref<24576xf32, #tpu.memory_space<vmem>>, vector<16xf32>,
        %parallel_loop3A_561 = arith.constant 544 : i32
        %parallel_loop3A_562 = arith.addi %mul3A_335, %parallel_loop3A_561 : i32
        %parallel_loop3A_563 = tpu.memref_slice %arg8[%parallel_loop3A_562] : memref<9216xf32, #tpu.memory_space<vmem>> -> memref<32xf32, #tpu.memory_space<vmem>>
        %parallel_loop3A_564 = tpu.vector_load_idx %parallel_loop3A_563[%parallel_loop3A_383] : memref<32xf32, #tpu.memory_space<vmem>>[vector<16xi32>], vector<16xf32>,
        %parallel_loop3A_565 = arith.constant 8192 : i32
        %parallel_loop3A_566 = arith.addi %parallel_loop3A_390, %parallel_loop3A_565 : i32
        %parallel_loop3A_567 = arith.constant 128 : i32
        %parallel_loop3A_568 = arith.addi %parallel_loop3A_566, %parallel_loop3A_567 : i32
        %parallel_loop3A_569 = arith.index_cast %parallel_loop3A_568 : i32 to index
        %parallel_loop3A_570 = tpu.vector_load %arg9[%parallel_loop3A_569] {strides = array<i32>} : memref<24576xf32, #tpu.memory_space<vmem>>, vector<16xf32>,
        tpu.vector_store %arg9[%parallel_loop3A_569], %parallel_loop3A_564 {strides = array<i32>} : memref<24576xf32, #tpu.memory_space<vmem>>, vector<16xf32>,
        %parallel_loop3A_571 = arith.constant 576 : i32
        %parallel_loop3A_572 = arith.addi %mul3A_335, %parallel_loop3A_571 : i32
        %parallel_loop3A_573 = tpu.memref_slice %arg8[%parallel_loop3A_572] : memref<9216xf32, #tpu.memory_space<vmem>> -> memref<32xf32, #tpu.memory_space<vmem>>
        %parallel_loop3A_574 = tpu.vector_load_idx %parallel_loop3A_573[%parallel_loop3A_383] : memref<32xf32, #tpu.memory_space<vmem>>[vector<16xi32>], vector<16xf32>,
        %parallel_loop3A_575 = arith.constant 8192 : i32
        %parallel_loop3A_576 = arith.addi %parallel_loop3A_390, %parallel_loop3A_575 : i32
        %parallel_loop3A_577 = arith.constant 256 : i32
        %parallel_loop3A_578 = arith.addi %parallel_loop3A_576, %parallel_loop3A_577 : i32
        %parallel_loop3A_579 = arith.index_cast %parallel_loop3A_578 : i32 to index
        %parallel_loop3A_580 = tpu.vector_load %arg9[%parallel_loop3A_579] {strides = array<i32>} : memref<24576xf32, #tpu.memory_space<vmem>>, vector<16xf32>,
        tpu.vector_store %arg9[%parallel_loop3A_579], %parallel_loop3A_574 {strides = array<i32>} : memref<24576xf32, #tpu.memory_space<vmem>>, vector<16xf32>,
        %parallel_loop3A_581 = arith.constant 608 : i32
        %parallel_loop3A_582 = arith.addi %mul3A_335, %parallel_loop3A_581 : i32
        %parallel_loop3A_583 = tpu.memref_slice %arg8[%parallel_loop3A_582] : memref<9216xf32, #tpu.memory_space<vmem>> -> memref<32xf32, #tpu.memory_space<vmem>>
        %parallel_loop3A_584 = tpu.vector_load_idx %parallel_loop3A_583[%parallel_loop3A_383] : memref<32xf32, #tpu.memory_space<vmem>>[vector<16xi32>], vector<16xf32>,
        %parallel_loop3A_585 = arith.constant 8192 : i32
        %parallel_loop3A_586 = arith.addi %parallel_loop3A_390, %parallel_loop3A_585 : i32
        %parallel_loop3A_587 = arith.constant 384 : i32
        %parallel_loop3A_588 = arith.addi %parallel_loop3A_586, %parallel_loop3A_587 : i32
        %parallel_loop3A_589 = arith.index_cast %parallel_loop3A_588 : i32 to index
        %parallel_loop3A_590 = tpu.vector_load %arg9[%parallel_loop3A_589] {strides = array<i32>} : memref<24576xf32, #tpu.memory_space<vmem>>, vector<16xf32>,
        tpu.vector_store %arg9[%parallel_loop3A_589], %parallel_loop3A_584 {strides = array<i32>} : memref<24576xf32, #tpu.memory_space<vmem>>, vector<16xf32>,
        %parallel_loop3A_591 = arith.constant 640 : i32
        %parallel_loop3A_592 = arith.addi %mul3A_335, %parallel_loop3A_591 : i32
        %parallel_loop3A_593 = tpu.memref_slice %arg8[%parallel_loop3A_592] : memref<9216xf32, #tpu.memory_space<vmem>> -> memref<32xf32, #tpu.memory_space<vmem>>
        %parallel_loop3A_594 = tpu.vector_load_idx %parallel_loop3A_593[%parallel_loop3A_383] : memref<32xf32, #tpu.memory_space<vmem>>[vector<16xi32>], vector<16xf32>,
        %parallel_loop3A_595 = arith.constant 8192 : i32
        %parallel_loop3A_596 = arith.addi %parallel_loop3A_390, %parallel_loop3A_595 : i32
        %parallel_loop3A_597 = arith.constant 512 : i32
        %parallel_loop3A_598 = arith.addi %parallel_loop3A_596, %parallel_loop3A_597 : i32
        %parallel_loop3A_599 = arith.index_cast %parallel_loop3A_598 : i32 to index
        %parallel_loop3A_600 = tpu.vector_load %arg9[%parallel_loop3A_599] {strides = array<i32>} : memref<24576xf32, #tpu.memory_space<vmem>>, vector<16xf32>,
        tpu.vector_store %arg9[%parallel_loop3A_599], %parallel_loop3A_594 {strides = array<i32>} : memref<24576xf32, #tpu.memory_space<vmem>>, vector<16xf32>,
        %parallel_loop3A_601 = arith.constant 672 : i32
        %parallel_loop3A_602 = arith.addi %mul3A_335, %parallel_loop3A_601 : i32
        %parallel_loop3A_603 = tpu.memref_slice %arg8[%parallel_loop3A_602] : memref<9216xf32, #tpu.memory_space<vmem>> -> memref<32xf32, #tpu.memory_space<vmem>>
        %parallel_loop3A_604 = tpu.vector_load_idx %parallel_loop3A_603[%parallel_loop3A_383] : memref<32xf32, #tpu.memory_space<vmem>>[vector<16xi32>], vector<16xf32>,
        %parallel_loop3A_605 = arith.constant 8192 : i32
        %parallel_loop3A_606 = arith.addi %parallel_loop3A_390, %parallel_loop3A_605 : i32
        %parallel_loop3A_607 = arith.constant 640 : i32
        %parallel_loop3A_608 = arith.addi %parallel_loop3A_606, %parallel_loop3A_607 : i32
        %parallel_loop3A_609 = arith.index_cast %parallel_loop3A_608 : i32 to index
        %parallel_loop3A_610 = tpu.vector_load %arg9[%parallel_loop3A_609] {strides = array<i32>} : memref<24576xf32, #tpu.memory_space<vmem>>, vector<16xf32>,
        tpu.vector_store %arg9[%parallel_loop3A_609], %parallel_loop3A_604 {strides = array<i32>} : memref<24576xf32, #tpu.memory_space<vmem>>, vector<16xf32>,
        %parallel_loop3A_611 = arith.constant 704 : i32
        %parallel_loop3A_612 = arith.addi %mul3A_335, %parallel_loop3A_611 : i32
        %parallel_loop3A_613 = tpu.memref_slice %arg8[%parallel_loop3A_612] : memref<9216xf32, #tpu.memory_space<vmem>> -> memref<32xf32, #tpu.memory_space<vmem>>
        %parallel_loop3A_614 = tpu.vector_load_idx %parallel_loop3A_613[%parallel_loop3A_383] : memref<32xf32, #tpu.memory_space<vmem>>[vector<16xi32>], vector<16xf32>,
        %parallel_loop3A_615 = arith.constant 8192 : i32
        %parallel_loop3A_616 = arith.addi %parallel_loop3A_390, %parallel_loop3A_615 : i32
        %parallel_loop3A_617 = arith.constant 768 : i32
        %parallel_loop3A_618 = arith.addi %parallel_loop3A_616, %parallel_loop3A_617 : i32
        %parallel_loop3A_619 = arith.index_cast %parallel_loop3A_618 : i32 to index
        %parallel_loop3A_620 = tpu.vector_load %arg9[%parallel_loop3A_619] {strides = array<i32>} : memref<24576xf32, #tpu.memory_space<vmem>>, vector<16xf32>,
        tpu.vector_store %arg9[%parallel_loop3A_619], %parallel_loop3A_614 {strides = array<i32>} : memref<24576xf32, #tpu.memory_space<vmem>>, vector<16xf32>,
        %parallel_loop3A_621 = arith.constant 736 : i32
        %parallel_loop3A_622 = arith.addi %mul3A_335, %parallel_loop3A_621 : i32
        %parallel_loop3A_623 = tpu.memref_slice %arg8[%parallel_loop3A_622] : memref<9216xf32, #tpu.memory_space<vmem>> -> memref<32xf32, #tpu.memory_space<vmem>>
        %parallel_loop3A_624 = tpu.vector_load_idx %parallel_loop3A_623[%parallel_loop3A_383] : memref<32xf32, #tpu.memory_space<vmem>>[vector<16xi32>], vector<16xf32>,
        %parallel_loop3A_625 = arith.constant 8192 : i32
        %parallel_loop3A_626 = arith.addi %parallel_loop3A_390, %parallel_loop3A_625 : i32
        %parallel_loop3A_627 = arith.constant 896 : i32
        %parallel_loop3A_628 = arith.addi %parallel_loop3A_626, %parallel_loop3A_627 : i32
        %parallel_loop3A_629 = arith.index_cast %parallel_loop3A_628 : i32 to index
        %parallel_loop3A_630 = tpu.vector_load %arg9[%parallel_loop3A_629] {strides = array<i32>} : memref<24576xf32, #tpu.memory_space<vmem>>, vector<16xf32>,
        tpu.vector_store %arg9[%parallel_loop3A_629], %parallel_loop3A_624 {strides = array<i32>} : memref<24576xf32, #tpu.memory_space<vmem>>, vector<16xf32>,
      } {sc.loop_unroll_factor = 2 : i64, sc.parallel_access}
      %mul3A_339 = arith.constant 393216 : i32
      %mul3A_340 = arith.muli %add3A_328, %mul3A_339 : i32
      %add3A_341 = arith.constant 0 : i32
      %add3A_342 = arith.addi %mul3A_340, %add3A_341 : i32
      %add3A_343 = arith.addi %add3A_342, %mul3A_226 : i32
      %mul3A_344 = arith.constant 393216 : i32
      %mul3A_345 = arith.muli %add3A_328, %mul3A_344 : i32
      %add3A_346 = arith.constant 131072 : i32
      %add3A_347 = arith.addi %mul3A_345, %add3A_346 : i32
      %add3A_348 = arith.addi %add3A_347, %mul3A_226 : i32
      %mul3A_349 = arith.constant 393216 : i32
      %mul3A_350 = arith.muli %add3A_328, %mul3A_349 : i32
      %add3A_351 = arith.constant 262144 : i32
      %add3A_352 = arith.addi %mul3A_350, %add3A_351 : i32
      %add3A_353 = arith.addi %add3A_352, %mul3A_226 : i32
      %dma_start3A_354 = arith.constant 12288 : i32
      %dma_start3A_355 = tpu.memref_slice %arg9[%dma_start3A_354] : memref<24576xf32, #tpu.memory_space<vmem>> -> memref<4096xf32, #tpu.memory_space<vmem>>
      %dma_start3A_356 = tpu.memref_slice %arg4[%add3A_343] : memref<4718592xf32, #tpu.memory_space<hbm>> -> memref<4096xf32, #tpu.memory_space<hbm>>
      %dma_start3A_357 = tpu.memref_slice %arg4[%add3A_343] : memref<4718592xf32, #tpu.memory_space<hbm>> -> memref<4096xf32, #tpu.memory_space<hbm>>
      %dma_start3A_358 = arith.constant 12288 : i32
      %dma_start3A_359 = tpu.memref_slice %arg9[%dma_start3A_358] : memref<24576xf32, #tpu.memory_space<vmem>> -> memref<4096xf32, #tpu.memory_space<vmem>>
      tpu.enqueue_dma source(%dma_start3A_359 : memref<4096xf32, #tpu.memory_space<vmem>>) target(%dma_start3A_357 : memref<4096xf32, #tpu.memory_space<hbm>>) target_semaphore(%arg11 : memref<!tpu.dma_semaphore, #tpu.memory_space<semaphore_mem>>)
      %dma_start3A_360 = arith.constant 16384 : i32
      %dma_start3A_361 = tpu.memref_slice %arg9[%dma_start3A_360] : memref<24576xf32, #tpu.memory_space<vmem>> -> memref<4096xf32, #tpu.memory_space<vmem>>
      %dma_start3A_362 = tpu.memref_slice %arg4[%add3A_348] : memref<4718592xf32, #tpu.memory_space<hbm>> -> memref<4096xf32, #tpu.memory_space<hbm>>
      %dma_start3A_363 = tpu.memref_slice %arg4[%add3A_348] : memref<4718592xf32, #tpu.memory_space<hbm>> -> memref<4096xf32, #tpu.memory_space<hbm>>
      %dma_start3A_364 = arith.constant 16384 : i32
      %dma_start3A_365 = tpu.memref_slice %arg9[%dma_start3A_364] : memref<24576xf32, #tpu.memory_space<vmem>> -> memref<4096xf32, #tpu.memory_space<vmem>>
      tpu.enqueue_dma source(%dma_start3A_365 : memref<4096xf32, #tpu.memory_space<vmem>>) target(%dma_start3A_363 : memref<4096xf32, #tpu.memory_space<hbm>>) target_semaphore(%arg11 : memref<!tpu.dma_semaphore, #tpu.memory_space<semaphore_mem>>)
      %dma_start3A_366 = arith.constant 20480 : i32
      %dma_start3A_367 = tpu.memref_slice %arg9[%dma_start3A_366] : memref<24576xf32, #tpu.memory_space<vmem>> -> memref<4096xf32, #tpu.memory_space<vmem>>
      %dma_start3A_368 = tpu.memref_slice %arg4[%add3A_353] : memref<4718592xf32, #tpu.memory_space<hbm>> -> memref<4096xf32, #tpu.memory_space<hbm>>
      %dma_start3A_369 = tpu.memref_slice %arg4[%add3A_353] : memref<4718592xf32, #tpu.memory_space<hbm>> -> memref<4096xf32, #tpu.memory_space<hbm>>
      %dma_start3A_370 = arith.constant 20480 : i32
      %dma_start3A_371 = tpu.memref_slice %arg9[%dma_start3A_370] : memref<24576xf32, #tpu.memory_space<vmem>> -> memref<4096xf32, #tpu.memory_space<vmem>>
      tpu.enqueue_dma source(%dma_start3A_371 : memref<4096xf32, #tpu.memory_space<vmem>>) target(%dma_start3A_369 : memref<4096xf32, #tpu.memory_space<hbm>>) target_semaphore(%arg11 : memref<!tpu.dma_semaphore, #tpu.memory_space<semaphore_mem>>)
    }
    %scan3A_231 = arith.constant 6 : i32
    %add3A_232 = arith.constant 3932160 : i32
    %add3A_233 = arith.addi %add3A_232, %mul3A_226 : i32
    %add3A_234 = arith.constant 4063232 : i32
    %add3A_235 = arith.addi %add3A_234, %mul3A_226 : i32
    %add3A_236 = arith.constant 4194304 : i32
    %add3A_237 = arith.addi %add3A_236, %mul3A_226 : i32
    %dma_wait3A_238 = arith.constant 0 : i32
    %dma_wait3A_239 = tpu.memref_slice %arg9[%dma_wait3A_238] : memref<24576xf32, #tpu.memory_space<vmem>> -> memref<4096xf32, #tpu.memory_space<vmem>>
    %dma_wait3A_240 = tpu.memref_slice %arg4[%add3A_233] : memref<4718592xf32, #tpu.memory_space<hbm>> -> memref<4096xf32, #tpu.memory_space<hbm>>
    %dma_wait3A_241 = tpu.memref_slice %arg4[%add3A_233] : memref<4718592xf32, #tpu.memory_space<hbm>> -> memref<4096xf32, #tpu.memory_space<hbm>>
    %dma_wait3A_242 = arith.constant 0 : i32
    %dma_wait3A_243 = tpu.memref_slice %arg9[%dma_wait3A_242] : memref<24576xf32, #tpu.memory_space<vmem>> -> memref<4096xf32, #tpu.memory_space<vmem>>
    tpu.wait_dma2 semaphore(%arg10 : memref<!tpu.dma_semaphore, #tpu.memory_space<semaphore_mem>>) src(%dma_wait3A_243 : memref<4096xf32, #tpu.memory_space<vmem>>) dst(%dma_wait3A_241 : memref<4096xf32, #tpu.memory_space<hbm>>)
    %dma_wait3A_244 = arith.constant 4096 : i32
    %dma_wait3A_245 = tpu.memref_slice %arg9[%dma_wait3A_244] : memref<24576xf32, #tpu.memory_space<vmem>> -> memref<4096xf32, #tpu.memory_space<vmem>>
    %dma_wait3A_246 = tpu.memref_slice %arg4[%add3A_235] : memref<4718592xf32, #tpu.memory_space<hbm>> -> memref<4096xf32, #tpu.memory_space<hbm>>
    %dma_wait3A_247 = tpu.memref_slice %arg4[%add3A_235] : memref<4718592xf32, #tpu.memory_space<hbm>> -> memref<4096xf32, #tpu.memory_space<hbm>>
    %dma_wait3A_248 = arith.constant 4096 : i32
    %dma_wait3A_249 = tpu.memref_slice %arg9[%dma_wait3A_248] : memref<24576xf32, #tpu.memory_space<vmem>> -> memref<4096xf32, #tpu.memory_space<vmem>>
    tpu.wait_dma2 semaphore(%arg10 : memref<!tpu.dma_semaphore, #tpu.memory_space<semaphore_mem>>) src(%dma_wait3A_249 : memref<4096xf32, #tpu.memory_space<vmem>>) dst(%dma_wait3A_247 : memref<4096xf32, #tpu.memory_space<hbm>>)
    %dma_wait3A_250 = arith.constant 8192 : i32
    %dma_wait3A_251 = tpu.memref_slice %arg9[%dma_wait3A_250] : memref<24576xf32, #tpu.memory_space<vmem>> -> memref<4096xf32, #tpu.memory_space<vmem>>
    %dma_wait3A_252 = tpu.memref_slice %arg4[%add3A_237] : memref<4718592xf32, #tpu.memory_space<hbm>> -> memref<4096xf32, #tpu.memory_space<hbm>>
    %dma_wait3A_253 = tpu.memref_slice %arg4[%add3A_237] : memref<4718592xf32, #tpu.memory_space<hbm>> -> memref<4096xf32, #tpu.memory_space<hbm>>
    %dma_wait3A_254 = arith.constant 8192 : i32
    %dma_wait3A_255 = tpu.memref_slice %arg9[%dma_wait3A_254] : memref<24576xf32, #tpu.memory_space<vmem>> -> memref<4096xf32, #tpu.memory_space<vmem>>
    tpu.wait_dma2 semaphore(%arg10 : memref<!tpu.dma_semaphore, #tpu.memory_space<semaphore_mem>>) src(%dma_wait3A_255 : memref<4096xf32, #tpu.memory_space<vmem>>) dst(%dma_wait3A_253 : memref<4096xf32, #tpu.memory_space<hbm>>)
    %add3A_256 = arith.constant 4325376 : i32
    %add3A_257 = arith.addi %add3A_256, %mul3A_226 : i32
    %add3A_258 = arith.constant 4456448 : i32
    %add3A_259 = arith.addi %add3A_258, %mul3A_226 : i32
    %add3A_260 = arith.constant 4587520 : i32
    %add3A_261 = arith.addi %add3A_260, %mul3A_226 : i32
    %dma_wait3A_262 = arith.constant 12288 : i32
    %dma_wait3A_263 = tpu.memref_slice %arg9[%dma_wait3A_262] : memref<24576xf32, #tpu.memory_space<vmem>> -> memref<4096xf32, #tpu.memory_space<vmem>>
    %dma_wait3A_264 = tpu.memref_slice %arg4[%add3A_257] : memref<4718592xf32, #tpu.memory_space<hbm>> -> memref<4096xf32, #tpu.memory_space<hbm>>
    %dma_wait3A_265 = tpu.memref_slice %arg4[%add3A_257] : memref<4718592xf32, #tpu.memory_space<hbm>> -> memref<4096xf32, #tpu.memory_space<hbm>>
    %dma_wait3A_266 = arith.constant 12288 : i32
    %dma_wait3A_267 = tpu.memref_slice %arg9[%dma_wait3A_266] : memref<24576xf32, #tpu.memory_space<vmem>> -> memref<4096xf32, #tpu.memory_space<vmem>>
    tpu.wait_dma2 semaphore(%arg11 : memref<!tpu.dma_semaphore, #tpu.memory_space<semaphore_mem>>) src(%dma_wait3A_267 : memref<4096xf32, #tpu.memory_space<vmem>>) dst(%dma_wait3A_265 : memref<4096xf32, #tpu.memory_space<hbm>>)
    %dma_wait3A_268 = arith.constant 16384 : i32
    %dma_wait3A_269 = tpu.memref_slice %arg9[%dma_wait3A_268] : memref<24576xf32, #tpu.memory_space<vmem>> -> memref<4096xf32, #tpu.memory_space<vmem>>
    %dma_wait3A_270 = tpu.memref_slice %arg4[%add3A_259] : memref<4718592xf32, #tpu.memory_space<hbm>> -> memref<4096xf32, #tpu.memory_space<hbm>>
    %dma_wait3A_271 = tpu.memref_slice %arg4[%add3A_259] : memref<4718592xf32, #tpu.memory_space<hbm>> -> memref<4096xf32, #tpu.memory_space<hbm>>
    %dma_wait3A_272 = arith.constant 16384 : i32
    %dma_wait3A_273 = tpu.memref_slice %arg9[%dma_wait3A_272] : memref<24576xf32, #tpu.memory_space<vmem>> -> memref<4096xf32, #tpu.memory_space<vmem>>
    tpu.wait_dma2 semaphore(%arg11 : memref<!tpu.dma_semaphore, #tpu.memory_space<semaphore_mem>>) src(%dma_wait3A_273 : memref<4096xf32, #tpu.memory_space<vmem>>) dst(%dma_wait3A_271 : memref<4096xf32, #tpu.memory_space<hbm>>)
    %dma_wait3A_274 = arith.constant 20480 : i32
    %dma_wait3A_275 = tpu.memref_slice %arg9[%dma_wait3A_274] : memref<24576xf32, #tpu.memory_space<vmem>> -> memref<4096xf32, #tpu.memory_space<vmem>>
    %dma_wait3A_276 = tpu.memref_slice %arg4[%add3A_261] : memref<4718592xf32, #tpu.memory_space<hbm>> -> memref<4096xf32, #tpu.memory_space<hbm>>
    %dma_wait3A_277 = tpu.memref_slice %arg4[%add3A_261] : memref<4718592xf32, #tpu.memory_space<hbm>> -> memref<4096xf32, #tpu.memory_space<hbm>>
    %dma_wait3A_278 = arith.constant 20480 : i32
    %dma_wait3A_279 = tpu.memref_slice %arg9[%dma_wait3A_278] : memref<24576xf32, #tpu.memory_space<vmem>> -> memref<4096xf32, #tpu.memory_space<vmem>>
    tpu.wait_dma2 semaphore(%arg11 : memref<!tpu.dma_semaphore, #tpu.memory_space<semaphore_mem>>) src(%dma_wait3A_279 : memref<4096xf32, #tpu.memory_space<vmem>>) dst(%dma_wait3A_277 : memref<4096xf32, #tpu.memory_space<hbm>>)
    return
  }
}

</mosaic_0001>

<sc_bundles>
// kernel: kernel.3.cloned.1.call-start
scs
__scs_entry_jumppad:
0x0: {  	(pc) =	sbr.rel $0x88, $3  }
0x1: {  	(tag) =	ssettag $0x0;
	lr =	simm.s32 $0x1  }
0x2: {  	[smem:$0x3F9E] =	sst lr;
	_ =	strace $0xD0000000  }
0x3: {  	_ = 	snop  }
0x4: {  	_ = 	snop  }
0x5: {  	_ = 	snop  }
0x6: {  	_ = 	snop  }
0x7: {  	_ = 	snop  }
__scs_overlays_trampoline_lowered:
0x8: {  	[smem:$0x3FAD] =	sst s0  }
0x9: {  	[smem:$0x3FAE] =	sst s1  }
0xa: {  	[smem:$0x3FAF] =	sst s2  }
0xb: {  	[smem:$0x3FB0] =	sst s3  }
0xc: {  	[smem:$0x3FB1] =	sst s4  }
0xd: {  	[smem:$0x3FB2] =	sst s5  }
0xe: {  	[smem:$0x3FB3] =	sst s6  }
0xf: {  	[smem:$0x3FB4] =	sst s7  }
0x10: {  	[smem:$0x3FB5] =	sst s8  }
0x11: {  	[smem:$0x3FB6] =	sst s9;
	s0 =	simm.s32 @!p0 $0x0  }
0x12: {  	s1 =	sld [smem:$0x3F9C];
	s0 =	simm.s32 @p0 $0x1  }
0x13: {  	[smem:$0x3FB7] =	sst s0;
	s0 =	simm.s32 @!p1 $0x0  }
0x14: {  	s2 =	sld [smem:$0x3F9B];
	s0 =	simm.s32 @p1 $0x1  }
0x15: {  	[smem:$0x3FB8] =	sst s0;
	s0 =	simm.s32 @!p2 $0x0  }
0x16: {  	s3 =	sld [smem:$0x3FDB];
	s0 =	simm.s32 @p2 $0x1  }
0x17: {  	s4 =	simm.s32 $0x1BF5;
	[smem:$0x3FBA] =	sst s0  }
0x18: {  	s0 =	sld [smem:$0x3F9D];
	_ =	swait.ge [sflag:s4], $0x0  }
0x19: {  	s7 =	sld [smem:$0x3F9E]  }
0x1a: {  	s8 =	sadd.s32 $0xFFFFE003, lr  }
0x1b: {  	s9 =	sadd.s32 $0xFFFFFEF7, lr;
	s5 =	simm.s32 $0xFFFFFFFF;
	p2 =	slt.u32 s8, $0xFFFFF086  }
0x1c: {  	p1 =	slt.u32 s9, $0xF7A;
	s5 =	simm.s32 @!p2 $0x0  }
0x1d: {  	s5 =	simm.s32 @p1 $0x1;
	p0 =	seq.s32 s7, s2  }
0x1e: {  	s7 =	smul.u32 @!p0 $0xF7A, s2;
	p2 =	seq.s32 @!p0 s5, $0x0  }
0x1f: {  	s9 =	smul.u32 $0xF7A, s1;
	s8 =	simm.s32 @!p0 $0x1BF5;
	p2 =	por !p2, p0  }
0x20: {  	[sflag:s8] =	ssyncset.s32 @!p0 $0xFFFFF086;
	s6 =	sadd.s32 @!p0 s3, s7;
	s7 =	simm.s32 @!p0 $0x108  }
0x21: {  	s3 =	sadd.s32 s3, s9;
	s6 =	sadd.s32 @!p0 $0x88, s6;
	s7 =	simm.s32 @p2 $0x1082  }
0x22: {  	[simem:s7], [sflag:s8] =	dma.local @!p0 [hbm:s6], $0xF7A  }
0x23: {  	s9 =	sor.u32 $0xD0000000, s2;
	s6 =	simm.s32 $0x108;
	_ =	swait.ge @!p0 [sflag:s8], $0x0  }
0x24: {  	s3 =	sadd.s32 $0x88, s3;
	s6 =	simm.s32 @!p1 $0x1082;
	[sflag:s4] =	ssyncset.s32 $0xFFFFF086  }
0x25: {  	[simem:s6], [sflag:s4] =	dma.local [hbm:s3], $0xF7A  }
0x26: {  	[smem:$0x3F9E] =	sst s1;
	(tag) =	ssettag s2;
	_ =	strace s9  }
0x27: {  	s1 =	sld [smem:$0x3FAE]  }
0x28: {  	s2 =	sld [smem:$0x3FAF]  }
0x29: {  	s4 =	sld [smem:$0x3FB1]  }
0x2a: {  	p0 =	seq.s32 s5, $0x0;
	s5 =	sld [smem:$0x3FB2]  }
0x2b: {  	s6 =	sld [smem:$0x3FB3]  }
0x2c: {  	s7 =	sld [smem:$0x3FB4]  }
0x2d: {  	s3 =	simm.s32 $0x108;
	s8 =	sld [smem:$0x3FB5]  }
0x2e: {  	s3 =	simm.s32 @!p0 $0x1082;
	s9 =	sld [smem:$0x3FB6]  }
0x2f: {  	lr =	sadd.s32 s0, s3;
	s0 =	sld [smem:$0x3FAD]  }
0x30: {  	s3 =	sld [smem:$0x3FB0]  }
0x31: {  	[smem:$0x3FB9] =	sst s10  }
0x32: {  	s10 =	sld [smem:$0x3FB7];
	_ =	sdelay $0x3  }
0x33: {  	p0 =	seq.s32 s10, $0x1;
	s10 =	sld [smem:$0x3FB9];
	_ =	sdelay $0x3  }
0x34: {  	[smem:$0x3FB9] =	sst s10  }
0x35: {  	s10 =	sld [smem:$0x3FB8];
	_ =	sdelay $0x3  }
0x36: {  	p1 =	seq.s32 s10, $0x1;
	s10 =	sld [smem:$0x3FB9];
	_ =	sdelay $0x3  }
0x37: {  	[smem:$0x3FB9] =	sst s10  }
0x38: {  	s10 =	sld [smem:$0x3FBA]  }
0x39: {  	_ = 	snop;
	(pc) =	sbr.ind lr, $3  }
0x3a: {  	_ = 	snop  }
0x3b: {  	_ = 	snop  }
0x3c: {  	p2 =	seq.s32 s10, $0x1;
	s10 =	sld [smem:$0x3FB9]  }
0x3d: {  	_ =	shalt  }
0x3e: {  	_ =	shalt  }
0x3f: {  	_ =	shalt  }
0x40: {  	_ =	shalt  }
0x41: {  	_ =	shalt  }
0x42: {  	_ =	shalt  }
0x43: {  	_ =	shalt  }
0x44: {  	_ =	shalt  }
0x45: {  	_ =	shalt  }
0x46: {  	_ =	shalt  }
0x47: {  	_ =	shalt  }
0x48: {  	_ =	shalt  }
0x49: {  	_ =	shalt  }
0x4a: {  	_ =	shalt  }
0x4b: {  	_ =	shalt  }
0x4c: {  	_ =	shalt  }
0x4d: {  	_ =	shalt  }
0x4e: {  	_ =	shalt  }
0x4f: {  	_ =	shalt  }
0x50: {  	_ =	shalt  }
0x51: {  	_ =	shalt  }
0x52: {  	_ =	shalt  }
0x53: {  	_ =	shalt  }
0x54: {  	_ =	shalt  }
0x55: {  	_ =	shalt  }
0x56: {  	_ =	shalt  }
0x57: {  	_ =	shalt  }
0x58: {  	_ =	shalt  }
0x59: {  	_ =	shalt  }
0x5a: {  	_ =	shalt  }
0x5b: {  	_ =	shalt  }
0x5c: {  	_ =	shalt  }
0x5d: {  	_ =	shalt  }
0x5e: {  	_ =	shalt  }
0x5f: {  	_ =	shalt  }
0x60: {  	_ =	shalt  }
0x61: {  	_ =	shalt  }
0x62: {  	_ =	shalt  }
0x63: {  	_ =	shalt  }
0x64: {  	_ =	shalt  }
0x65: {  	_ =	shalt  }
0x66: {  	_ =	shalt  }
0x67: {  	_ =	shalt  }
0x68: {  	_ =	shalt  }
0x69: {  	_ =	shalt  }
0x6a: {  	_ =	shalt  }
0x6b: {  	_ =	shalt  }
0x6c: {  	_ =	shalt  }
0x6d: {  	_ =	shalt  }
0x6e: {  	_ =	shalt  }
0x6f: {  	_ =	shalt  }
0x70: {  	_ =	shalt  }
0x71: {  	_ =	shalt  }
0x72: {  	_ =	shalt  }
0x73: {  	_ =	shalt  }
0x74: {  	_ =	shalt  }
0x75: {  	_ =	shalt  }
0x76: {  	_ =	shalt  }
0x77: {  	_ =	shalt  }
0x78: {  	_ =	shalt  }
0x79: {  	_ =	shalt  }
0x7a: {  	_ =	shalt  }
0x7b: {  	_ =	shalt  }
0x7c: {  	_ =	shalt  }
0x7d: {  	_ =	shalt  }
0x7e: {  	_ =	shalt  }
0x7f: {  	_ =	shalt  }
0x80: {  	_ =	shalt  }
0x81: {  	_ =	shalt  }
0x82: {  	_ =	shalt  }
0x83: {  	_ =	shalt  }
0x84: {  	_ =	shalt  }
0x85: {  	_ =	shalt  }
0x86: {  	_ =	shalt  }
0x87: {  	_ =	shalt  }
.Lfunc_end0:
.L_simem_size_0:
called_computation_lowered:
.L_overlay_start_0:
0x88: {  	s2 =	sld [smem:$0x3FD9]  }
0x89: {  	s3 =	sld [smem:$0x3FFE];
	_ =	sdelay $0x1  }
0x8a: {  	s1 =	srdreg.scid  }
0x8b: {  	s0 =	sand.u32 $0x1, s1  }
0x8c: {  	s17 =	sshll.u32 s0, $0xA;
	s2 =	sadd.s32 s3, s2  }
0x8d: {  	s2 =	sadd.s32 s2, s17  }
0x8e: {  	[smem:$0x3FC5] =	sst s2  }
0x8f: {  	_ = 	snop  }
0x90: {  	s2 =	sld [smem:$0x3FC9]  }
0x91: {  	s18 =	sld [smem:$0x3FD0];
	(tm) =	ssettm $0x1  }
0x92: {  	s4 =	sld [smem:$0x3FFB];
	_ =	sdelay $0x3  }
0x93: {  	_ =	strace s4  }
0x94: {  	s4 =	sld [smem:$0x3FFC];
	_ =	sdelay $0x3  }
0x95: {  	_ =	strace s4  }
0x96: {  	s4 =	sld [smem:$0x3FFD];
	_ =	sdelay $0x3  }
0x97: {  	_ =	strace s4  }
0x98: {  	_ =	strace $0x8FFFFFFF  }
0x99: {  	s19 =	sld [smem:$0x3FDB];
	_ =	sdelay $0x1  }
0x9a: {  	s5 =	simm.s32 $_scs_section_size  }
0x9b: {  	s6 =	simm.s32 $_size__tile_overlayer_lowered;
	s7 =	simm.s32 $_tile_overlayer_lowered  }
0x9c: {  	s22 =	simm.s32 $0x1BFF;
	s21 =	sshll.u32 s7, $0x1;
	s4 =	sadd.s32 s5, s19  }
0x9d: {  	s8 =	simm.s32 $0x0;
	s20 =	sshll.u32 s6, $0x1;
	s6 =	sadd.s32 s21, s4  }
0x9e: {  	[timem:s8], [sflag:s22] =	dma.local [hbm:s6], s20  }
0x9f: {  	_ =	swait.ge [sflag:s22], s20  }
0xa0: {  	s5 =	ssub.s32 $0x0, s20;
	[sflag:s22] =	ssyncset.done $0x0  }
0xa1: {  	[sflag:s22] =	ssyncadd.s32 s5;
	_ =	sdelay $0x1  }
0xa2: {  	s23 =	simm.s32 $0x1B8B  }
0xa3: {  	_ =	swait.ge [sflag:s23], $0x1  }
0xa4: {  	[sflag:s23] =	ssyncset.done $0x0  }
0xa5: {  	s25 =	simm.s32 $0x1B8E;
	s24 =	sld [smem:$0x3FFE];
	[sflag:s23] =	ssyncadd.s32 $0xFFFFFFFF  }
0xa6: {  	s26 =	simm.s32 $execute0_lowered;
	[smem:$0x3FD2] =	sst s25  }
0xa7: {  	s6 =	sshll.u32 s26, $0x1;
	_ =	strace $0x80000046;
	[dreg:$0x1] =	wrdreg $0xFFFFFFFF  }
0xa8: {  	s28 =	simm.s32 $_size_execute0_lowered;
	s4 =	sadd.s32 s4, s6;
	[dreg:$0x0] =	wrdreg $0x0  }
0xa9: {  	s6 =	sshll.u32 s28, $0x1;
	[dreg:$0x2] =	wrdreg s4  }
0xaa: {  	[dreg:$0x3] =	wrdreg s6  }
0xab: {  	[dreg:$0x4] =	wrdreg $0xC0  }
0xac: {  	_ =	task [dreg:s8], $0x5FFFF  }
0xad: {  	[dreg:$0x1] =	wrdreg $0xFFFFFFFF  }
0xae: {  	[dreg:$0x0] =	wrdreg $0x60  }
0xaf: {  	[dreg:$0x2] =	wrdreg s2  }
0xb0: {  	[dreg:$0x3] =	wrdreg s24  }
0xb1: {  	[dreg:$0x4] =	wrdreg s18  }
0xb2: {  	[dreg:$0x5] =	wrdreg $0x9  }
0xb3: {  	_ =	task.clear_ibuf [dreg:s8], $0x6FFFF;
	_ =	strace $0x90000046  }
0xb4: {  	s29 =	simm.s32 $0x9;
	_ =	strace $0x80000048  }
0xb5: {  	_ =	swait.ge [sflag:s29], $0x1  }
0xb6: {  	[sflag:s29] =	ssyncadd.s32 $0xFFFFFFFF  }
0xb7: {  	_ =	strace $0x90000048  }
0xb8: {  	_ =	sfence  }
0xb9: {  	s30 =	sld [smem:$0x0];
	_ =	sdelay $0x2  }
0xba: {  	s31 =	sshll.u32 s1, $0xD;
	s1 =	sshrl.u32 s1, $0x2  }
0xbb: {  	s3 =	sand.u32 $0x4000, s31;
	s1 =	sadd.s32 s1, s30  }
0xbc: {  	s0 =	sor.u32 s3, s0;
	s1 =	sshll.u32 s1, $0x11  }
0xbd: {  	s0 =	sor.u32 s1, s0  }
0xbe: {  	s0 =	sadd.s32 $0x8F2B, s0  }
0xbf: {  	[sflag:s0] =	ssyncadd.remote.s32 $0x1  }
0xc0: {  	_ =	sfence.sel $0xFFFF  }
0xc1: {  	[dreg:$0x0] =	wrdreg $0xFFFFFFFF;
	(pc) =	sbr.abs _section_cstart, $3  }
0xc2: {  	[dreg:$0x1] =	wrdreg $0xFFFFFFFF  }
0xc3: {  	_ =	task.clear_ibuf [dreg:s8], $0x2FFFF;
	_ =	strace $0x9FFFFFFF  }
0xc4: {  	(tm) =	ssettm $0x7FFFFFFF  }
0xc5: {  	_ =	shalt  }
tec
execute0_lowered:
.L_overlay_start_1:
0x0: {  	(tag) =	ssettag $0x1  }
0x1: {  	s0 =	rddreg [dreg:$0x0]  }
0x2: {  	s1 =	rddreg [dreg:$0x1]  }
0x3: {  	s6 =	rddreg [dreg:$0x2]  }
0x4: {  	s2 =	srdreg.scid;
	s3 =	stileid.u32  }
0x5: {  	s4 =	simm.s32 $0x0;
	s2 =	sand.u32 $0x1, s2;
	s3 =	sshll.u32 s3, $0x1  }
0x6: {  	[smem:$0x7FF] =	sst s4;
	s7 =	sadd.s32 $0x400, s1;
	s26 =	sadd.s32 $0x454, s1  }
0x7: {  	s30 =	sadd.s32 $0x4000, s6;
	_ =	strace $0x80000047;
	[smem:$0x7EB] =	sst s7  }
0x8: {  	s14 =	ssub.s32 $0x2, s2;
	s2 =	sor.u32 s2, s3;
	[smem:$0x7F8] =	sst s26  }
0x9: {  	[smem:$0x7FC] =	sst s30;
	s5 =	sshll.u32 s2, $0x9;
	s2 =	sshll.u32 s2, $0xC  }
0xa: {  	s0 =	sadd.s32 s0, s5;
	[smem:$0x7FA] =	sst s2  }
0xb: {  	s28 =	sor.u32 $0x40000, s2;
	[smem:$0x7F6] =	sst s0  }
0xc: {  	s29 =	sor.u32 $0x20000, s2;
	[smem:$0x7F9] =	sst s28  }
0xd: {  	s16 =	sadd.s32 $0x10, s0;
	[smem:$0x7FB] =	sst s29  }
0xe: {  	s17 =	sadd.s32 $0x20, s0;
	[smem:$0x7EC] =	sst s16  }
0xf: {  	s18 =	sadd.s32 $0x30, s0;
	[smem:$0x7ED] =	sst s17  }
0x10: {  	s19 =	sadd.s32 $0x40, s0;
	[smem:$0x7EE] =	sst s18  }
0x11: {  	s20 =	sadd.s32 $0x50, s0;
	[smem:$0x7EF] =	sst s19  }
0x12: {  	s21 =	sadd.s32 $0x60, s0;
	[smem:$0x7F0] =	sst s20  }
0x13: {  	s22 =	sadd.s32 $0x70, s0;
	[smem:$0x7F1] =	sst s21  }
0x14: {  	s23 =	sadd.s32 $0x4000, s0;
	[smem:$0x7F2] =	sst s22  }
0x15: {  	s15 =	sshrl.u32 s14, $0x1;
	s24 =	sadd.s32 $0x4010, s0;
	[smem:$0x7F3] =	sst s23  }
0x16: {  	s3 =	ssub.s32 s14, s15;
	s25 =	sadd.s32 $0x4020, s0;
	[smem:$0x7F4] =	sst s24  }
0x17: {  	s14 =	simm.s32 $0x1800;
	s0 =	sadd.s32 $0x4030, s0;
	[smem:$0x7F5] =	sst s25  }
0x18: {  	v0 =	vlaneseq.u32;
	s15 =	simm.s32 $0x1B00;
	s31 =	smax.u32 s3, $0x1;
	[smem:$0x7F7] =	sst s0  }
0x19: {  	v0 =	vmul.u32 $0x18, v0;
	[smem:$0x7FD] =	sst s31;
	s16 =	simm.s32 $0x3;
	s17 =	simm.s32 $0x0  }
.LBB2_1:
0x1a: {  	s1 =	sld [smem:$0x7F6]  }
0x1b: {  	s0 =	simm.s32 $0x0;
	s23 =	sld [smem:$0x7EC]  }
0x1c: {  	s2 =	simm.s32 $0x80;
	s3 =	simm.s32 $0x400;
	s24 =	sld [smem:$0x7ED]  }
0x1d: {  	[tilespmem:s0], [sflag:$0x3] =	stream.strided.gather [hbm4b:s1+s2], $0x200, s3, s2, $0x38;
	[tilespmem:$0xA080] =	vst v63  }
0x1e: {  	s4 =	simm.s32 $0x200;
	s25 =	sld [smem:$0x7EE]  }
0x1f: {  	[tilespmem:s4], [sflag:$0x3] =	stream.strided.gather [hbm4b:s23+s2], $0x200, s3, s2, $0x38;
	[tilespmem:$0xA080] =	vst v63  }
0x20: {  	s28 =	sld [smem:$0x7EF]  }
0x21: {  	[tilespmem:s3], [sflag:$0x3] =	stream.strided.gather [hbm4b:s24+s2], $0x200, s3, s2, $0x38;
	[tilespmem:$0xA080] =	vst v63  }
0x22: {  	s26 =	simm.s32 $0x600;
	s30 =	sld [smem:$0x7F0]  }
0x23: {  	[tilespmem:s26], [sflag:$0x3] =	stream.strided.gather [hbm4b:s25+s2], $0x200, s3, s2, $0x38;
	[tilespmem:$0xA080] =	vst v63  }
0x24: {  	s29 =	simm.s32 $0x800;
	s5 =	sld [smem:$0x7F1]  }
0x25: {  	[tilespmem:s29], [sflag:$0x3] =	stream.strided.gather [hbm4b:s28+s2], $0x200, s3, s2, $0x38;
	[tilespmem:$0xA080] =	vst v63  }
0x26: {  	s31 =	simm.s32 $0xA00;
	s7 =	sld [smem:$0x7F2]  }
0x27: {  	[tilespmem:s31], [sflag:$0x3] =	stream.strided.gather [hbm4b:s30+s2], $0x200, s3, s2, $0x38;
	[tilespmem:$0xA080] =	vst v63  }
0x28: {  	s6 =	simm.s32 $0xC00;
	s9 =	sld [smem:$0x7F3]  }
0x29: {  	[tilespmem:s6], [sflag:$0x3] =	stream.strided.gather [hbm4b:s5+s2], $0x200, s3, s2, $0x38;
	[tilespmem:$0xA080] =	vst v63  }
0x2a: {  	s8 =	simm.s32 $0xE00;
	s11 =	sld [smem:$0x7F4]  }
0x2b: {  	[tilespmem:s8], [sflag:$0x3] =	stream.strided.gather [hbm4b:s7+s2], $0x200, s3, s2, $0x38;
	[tilespmem:$0xA080] =	vst v63  }
0x2c: {  	s10 =	simm.s32 $0x1000;
	s13 =	sld [smem:$0x7F5]  }
0x2d: {  	[tilespmem:s10], [sflag:$0x3] =	stream.strided.gather [hbm4b:s9+s2], $0x200, s3, s2, $0x38;
	[tilespmem:$0xA080] =	vst v63  }
0x2e: {  	s12 =	simm.s32 $0x1200;
	s19 =	sld [smem:$0x7F7]  }
0x2f: {  	[tilespmem:s12], [sflag:$0x3] =	stream.strided.gather [hbm4b:s11+s2], $0x200, s3, s2, $0x38;
	[tilespmem:$0xA080] =	vst v63  }
0x30: {  	s18 =	simm.s32 $0x1400;
	s20 =	simm.s32 $0x1600;
	s21 =	sld [smem:$0x7EB]  }
0x31: {  	[tilespmem:s18], [sflag:$0x3] =	stream.strided.gather [hbm4b:s13+s2], $0x200, s3, s2, $0x38;
	[tilespmem:$0xA080] =	vst v63  }
0x32: {  	s22 =	simm.s32 $0x4;
	p1 =	por $0x1, $0x1;
	p0 =	por $0x0, $0x0  }
0x33: {  	[tilespmem:s20], [sflag:$0x3] =	stream.strided.gather [hbm4b:s19+s2], $0x200, s3, s2, $0x38;
	[tilespmem:$0xA080] =	vst v63  }
0x34: {  	s24 =	simm.s32 $0x0;
	s25 =	smul.u32 $0xAAAB, s16;
	s26 =	simm.s32 $0x1  }
0x35: {  	[tilespmem:s14], [sflag:$0x4] =	stream.linear.gather [hbm4b:s21+s0], $0x2A0, $0x38;
	[tilespmem:$0xA080] =	vst v63  }
0x36: {  	v1 =	vmov s24;
	s28 =	sadd.s32 $0xFFFF5555, s25;
	s29 =	simm.s32 $0x2;
	_ =	swait.ge [sflag:s22], $0x2A0  }
0x37: {  	v1 =	vand.u32 $0xFFFFFFFC, v1;
	v2 =	vmov s26;
	s1 =	sshrl.u32 s28, $0x14;
	s30 =	sadd.s32 $0xFFFDFFFF, s25;
	s23 =	sld [smem:$0x7F8]  }
0x38: {  	v1 =	vbroadcast v1, $0x0;
	v2 =	vand.u32 $0xFFFFFFFD, v2;
	s31 =	sadd.s32 $0xFFFEAAAA, s25;
	s4 =	sshrl.u32 s30, $0x14;
	[sflag:s22] =	ssyncset.done $0x0  }
0x39: {  	v2 =	vbroadcast v2, $0x0;
	s5 =	smul.u32 $0x18, s1;
	s1 =	simm.s32 $0x1CC0;
	[sflag:s22] =	ssyncadd.s32 $0xFFFFFD60  }
0x3a: {  	v3 =	vmov s29;
	[tilespmem:s15], [sflag:$0x4] =	stream.linear.gather [hbm4b:s23+s0], $0x120, $0x38;
	[tilespmem:$0xA080] =	vst v63  }
0x3b: {  	v4 =	vmov s16;
	v3 =	vand.u32 $0xFFFFFFFE, v3;
	s4 =	smul.u32 $0x18, s4;
	s3 =	sshrl.u32 s31, $0x14;
	_ =	swait.ge [sflag:s22], $0x120  }
0x3c: {  	v3 =	vbroadcast v3, $0x0;
	s2 =	sshrl.u32 s25, $0x14;
	s3 =	smul.u32 $0x18, s3;
	[sflag:s22] =	ssyncset.done $0x0  }
0x3d: {  	s5 =	ssub.s32 $0x2, s5;
	s2 =	smul.u32 $0x18, s2;
	[sflag:s22] =	ssyncadd.s32 $0xFFFFFEE0  }
.Ltmp0:
0x3e: {  	s4 =	ssub.s32 $0x0, s4;
	s5 =	sand.u32 $0xFFFF, s5;
	v8 =	vld.idx.msk [tilespmem:v1+s15+$0x0], $0xffff;
	(pc) =	sbr.rel @!p1 .LBB2_2-.Ltmp0, $4  }
0x3f: {  	s4 =	sand.u32 $0xFFFF, s4;
	s3 =	ssub.s32 $0x1, s3;
	s2 =	ssub.s32 $0x3, s2;
	v2 =	vld.idx.msk [tilespmem:v2+s15+$0x0], $0xffff  }
0x40: {  	s6 =	sor.u32 $0x180, s5;
	v11 =	vadd.s32 s5, v0;
	s3 =	sand.u32 $0xFFFF, s3;
	s2 =	sand.u32 $0xFFFF, s2;
	v1 =	vld.idx.msk [tilespmem:v4+s15+$0x0], $0xffff  }
0x41: {  	v7 =	vadd.s32 s4, v0;
	s4 =	sor.u32 $0x180, s4;
	v13 =	vadd.s32 s6, v0;
	v5 =	vadd.s32 s3, v0;
	s3 =	sor.u32 $0x180, s3;
	s8 =	sor.u32 $0x180, s2  }
0x42: {  	v9 =	vadd.s32 s4, v0;
	v6 =	vadd.s32 s3, v0;
	s0 =	simm.s32 $0x60;
	v4 =	vld.idx.msk [tilespmem:v3+s15+$0x0], $0xffff;
	v3 =	vadd.s32 s2, v0;
	s2 =	simm.s32 $0x7;
	[smem:$0x7EA] =	sst s17  }
0x43: {  	_ =	sdelay $0x1  }
0x44: {  	s3 =	smul.u32 $0xAAAB, s2;
	_ =	sdelay $0x1  }
0x45: {  	s4 =	simm.s32 $0x4;
	s5 =	simm.s32 $0x5;
	v11 =	vld.idx.msk [tilespmem:v11+s14+$0x0], $0xffff;
	s24 =	sadd.s32 $0xFFFF5555, s3  }
0x46: {  	v14 =	vadd.s32 s8, v0;
	v13 =	vld.idx.msk [tilespmem:v13+s14+$0x0], $0xffff;
	v10 =	vmov s4;
	s25 =	sadd.s32 $0xFFFDFFFF, s3;
	s6 =	sadd.s32 $0xFFFEAAAA, s3;
	s3 =	sshrl.u32 s3, $0x14  }
0x47: {  	s7 =	simm.s32 $0x6;
	v7 =	vld.idx.msk [tilespmem:v7+s14+$0x0], $0xffff;
	v17 =	vmov s2;
	v12 =	vmov s5;
	v10 =	vand.u32 $0xFFFFFFFC, v10;
	s4 =	sshrl.u32 s24, $0x14;
	s3 =	smul.u32 $0x18, s3  }
0x48: {  	p1 =	por $0x1, $0x1;
	v9 =	vld.idx.msk [tilespmem:v9+s14+$0x0], $0xffff;
	v12 =	vand.u32 $0xFFFFFFFD, v12;
	v15 =	vbroadcast v10, $0x0;
	s5 =	sshrl.u32 s25, $0x14;
	v10 =	vmov s7;
	s4 =	smul.u32 $0x18, s4  }
0x49: {  	v6 =	vld.idx.msk [tilespmem:v6+s14+$0x0], $0xffff;
	s28 =	simm.s32 $0x40;
	v16 =	vbroadcast v12, $0x0;
	s6 =	sshrl.u32 s6, $0x14;
	s5 =	smul.u32 $0x18, s5;
	v10 =	vand.u32 $0xFFFFFFFE, v10  }
0x4a: {  	s9 =	simm.s32 $0x20;
	p0 =	por $0x1, $0x1;
	v12 =	vld.idx.msk [tilespmem:v5+s14+$0x0], $0xffff;
	s26 =	smul.u32 $0x18, s6;
	v20 =	vbroadcast v10, $0x0  }
0x4b: {  	s6 =	sor.u32 $0x50, s28;
	v10 =	vld.idx.msk [tilespmem:v14+s14+$0x0], $0xffff;
	v5 =	vadd.f32 v4, v11;
	s3 =	ssub.s32 $0x7, s3;
	s4 =	ssub.s32 $0x6, s4  }
.Ltmp1:
0x4c: {  	v14 =	vld.idx.msk [tilespmem:v3+s14+$0x0], $0xffff;
	v3 =	vadd.f32 v4, v13;
	v4 =	vadd.f32 v8, v7;
	s5 =	ssub.s32 $0x4, s5;
	s4 =	sand.u32 $0xFFFF, s4;
	(pc) =	sbr.rel @!p1 .LBB2_4-.Ltmp1, $4  }
0x4d: {  	v17 =	vld.idx.msk [tilespmem:v17+s15+$0x0], $0xffff;
	s2 =	ssub.s32 $0x5, s26;
	s3 =	sand.u32 $0xFFFF, s3;
	[tilespmem:s1+$0x0] =	vst v5;
	s29 =	sor.u32 $0x180, s4;
	v11 =	vadd.s32 s4, v0  }
0x4e: {  	v19 =	vadd.f32 v8, v9;
	s30 =	sand.u32 $0xFFFF, s5;
	s2 =	sand.u32 $0xFFFF, s2;
	s8 =	sor.u32 $0x180, s3;
	[tilespmem:s1+$0xFFFFFFC0] =	vst v4;
	v15 =	vld.idx.msk [tilespmem:v15+s15+$0x0], $0xffff;
	v13 =	vadd.s32 s29, v0  }
0x4f: {  	v18 =	vadd.f32 v2, v6;
	s5 =	sor.u32 $0x30, s9;
	v7 =	vadd.s32 s30, v0;
	s4 =	sor.u32 $0x180, s30;
	s31 =	sor.u32 $0x180, s2;
	[tilespmem:s6+$0x1C80] =	vst v3;
	v5 =	vadd.s32 s2, v0;
	v16 =	vld.idx.msk [tilespmem:v16+s15+$0x0], $0xffff  }
0x50: {  	v3 =	vadd.s32 s3, v0;
	s2 =	simm.s32 $0x1CC0;
	s3 =	simm.s32 $0x60;
	v9 =	vadd.s32 s4, v0;
	s4 =	simm.s32 $0xB;
	v6 =	vadd.s32 s31, v0;
	v4 =	vld.idx.msk [tilespmem:v20+s15+$0x0], $0xffff  }
.LBB2_5:
0x51: {  	s9 =	smul.u32 $0xAAAB, s4  }
0x52: {  	s6 =	sadd.s32 $0xFFFFFFFD, s4;
	s7 =	sadd.s32 $0xFFFFFFFE, s4;
	v8 =	vmov s4;
	v11 =	vld.idx.msk [tilespmem:v11+s14+$0x0], $0xffff;
	v20 =	vadd.s32 s8, v0;
	[tilespmem:s2+$0xFFFFFFD0] =	vst v19;
	v22 =	vadd.f32 v2, v12;
	s8 =	sor.u32 $0x70, s3  }
0x53: {  	v10 =	vadd.f32 v1, v10;
	s13 =	sadd.s32 $0xFFFFFFFF, s4;
	v12 =	vmov s6;
	v19 =	vmov s7;
	p1 =	slt.u32 s6, $0x11C;
	v13 =	vld.idx.msk [tilespmem:v13+s14+$0x0], $0xffff;
	s10 =	sadd.s32 $0xFFFDFFFF, s9  }
0x54: {  	v14 =	vadd.f32 v1, v14;
	v21 =	vmovc v15;
	v12 =	vand.u32 $0xFFFFFFFC, v12;
	s11 =	sadd.s32 $0xFFFEAAAA, s9;
	v19 =	vand.u32 $0xFFFFFFFD, v19;
	s12 =	sadd.s32 $0xFFFF5555, s9;
	[tilespmem:s2+$0xFFFFFFE0] =	vst v22;
	s9 =	sshrl.u32 s9, $0x14  }
0x55: {  	v2 =	vmov v16;
	s10 =	sshrl.u32 s10, $0x14;
	v15 =	vbroadcast v12, $0x0;
	v19 =	vbroadcast v19, $0x0;
	s12 =	sshrl.u32 s12, $0x14;
	v7 =	vld.idx.msk [tilespmem:v7+s14+$0x0], $0xffff;
	[tilespmem:s5+$0x1C80] =	vst v18;
	s9 =	smul.u32 $0x18, s9  }
0x56: {  	s5 =	sshrl.u32 s11, $0x14;
	v12 =	vmov s13;
	v1 =	vmov v17;
	s11 =	smul.u32 $0x18, s12;
	v9 =	vld.idx.msk [tilespmem:v9+s14+$0x0], $0xffff;
	[tilespmem:s2+$0x20] =	vst v14  }
0x57: {  	s10 =	smul.u32 $0x18, s10;
	v12 =	vand.u32 $0xFFFFFFFE, v12;
	v6 =	vld.idx.msk [tilespmem:v6+s14+$0x0], $0xffff;
	[tilespmem:s8+$0x1C80] =	vst v10  }
0x58: {  	s3 =	sadd.s32 $0x80, s3;
	s5 =	smul.u32 $0x18, s5;
	v22 =	vbroadcast v12, $0x0;
	s8 =	ssub.s32 s13, s11;
	v12 =	vld.idx.msk [tilespmem:v5+s14+$0x0], $0xffff;
	v5 =	vadd.f32 v4, v11  }
0x59: {  	s2 =	sadd.s32 $0x80, s2;
	s11 =	sadd.s32 $0xFFFFFFE0, s3;
	v4 =	vadd.f32 v4, v13;
	s8 =	sand.u32 $0xFFFF, s8;
	v10 =	vld.idx.msk [tilespmem:v20+s14+$0x0], $0xffff  }
.Ltmp2:
0x5a: {  	s11 =	sor.u32 $0x50, s11;
	v11 =	vadd.s32 s8, v0;
	s8 =	sor.u32 $0x180, s8;
	[tilespmem:s2+$0x0] =	vst v5;
	v14 =	vld.idx.msk [tilespmem:v3+s14+$0x0], $0xffff;
	(pc) =	sbr.rel @p1 .LBB2_5-.Ltmp2, $4  }
0x5b: {  	s6 =	ssub.s32 s6, s10;
	s5 =	ssub.s32 s7, s5;
	s7 =	sadd.s32 $0xFFFFFFC0, s3;
	v3 =	vadd.f32 v21, v7;
	v15 =	vld.idx.msk [tilespmem:v15+s15+$0x0], $0xffff;
	v13 =	vadd.s32 s8, v0;
	[tilespmem:s11+$0x1C80] =	vst v4  }
0x5c: {  	s6 =	sand.u32 $0xFFFF, s6;
	s5 =	sand.u32 $0xFFFF, s5;
	s8 =	ssub.s32 s4, s9;
	v16 =	vld.idx.msk [tilespmem:v19+s15+$0x0], $0xffff;
	v19 =	vadd.f32 v21, v9  }
0x5d: {  	v7 =	vadd.s32 s6, v0;
	s6 =	sor.u32 $0x180, s6;
	v5 =	vadd.s32 s5, v0;
	s5 =	sor.u32 $0x180, s5;
	s8 =	sand.u32 $0xFFFF, s8;
	v18 =	vadd.f32 v2, v6;
	v17 =	vld.idx.msk [tilespmem:v8+s15+$0x0], $0xffff;
	[tilespmem:s2+$0xFFFFFFC0] =	vst v3  }
0x5e: {  	s4 =	sadd.s32 $0x4, s4;
	v9 =	vadd.s32 s6, v0;
	v6 =	vadd.s32 s5, v0;
	s5 =	sor.u32 $0x30, s7;
	v3 =	vadd.s32 s8, v0;
	s8 =	sor.u32 $0x180, s8;
	v4 =	vld.idx.msk [tilespmem:v22+s15+$0x0], $0xffff  }
0x5f: {  	_ =	sdelay $0x2  }
0x60: {  	v21 =	vmovc v2;
	v20 =	vmovc v1;
	v8 =	vmov v15;
	v2 =	vmov v16;
	v1 =	vmov v17  }
.LBB2_7:
0x61: {  	_ =	sdelay $0x3  }
0x62: {  	v11 =	vld.idx.msk [tilespmem:v11+s14+$0x0], $0xffff  }
0x63: {  	v12 =	vadd.f32 @p0 v21, v12;
	v7 =	vld.idx.msk [tilespmem:v7+s14+$0x0], $0xffff  }
0x64: {  	v15 =	vadd.s32 s8, v0;
	[tilespmem:s2+$0xFFFFFFD0] =	vst @p0 v19;
	v9 =	vld.idx.msk [tilespmem:v9+s14+$0x0], $0xffff  }
0x65: {  	v5 =	vld.idx.msk [tilespmem:v5+s14+$0x0], $0xffff;
	[tilespmem:s2+$0xFFFFFFE0] =	vst @p0 v12;
	v12 =	vadd.f32 @p0 v20, v14  }
0x66: {  	v10 =	vadd.f32 @p0 v20, v10;
	v3 =	vld.idx.msk [tilespmem:v3+s14+$0x0], $0xffff;
	[tilespmem:s5+$0x1C80] =	vst @p0 v18  }
0x67: {  	v13 =	vld.idx.msk [tilespmem:v13+s14+$0x0], $0xffff;
	s4 =	sadd.s32 @p0 $0x80, s3;
	s3 =	sor.u32 @p0 $0x70, s3;
	[tilespmem:s2+$0x20] =	vst @p0 v12;
	s2 =	sadd.s32 @p0 $0x80, s2;
	v11 =	vadd.f32 v4, v11  }
0x68: {  	v6 =	vld.idx.msk [tilespmem:v6+s14+$0x0], $0xffff;
	[tilespmem:s3+$0x1C80] =	vst @p0 v10;
	s1 =	smov.u32 @p0 s2;
	v7 =	vadd.f32 v8, v7  }
0x69: {  	v62 =	vld.idx.msk [tilespmem:v15+s14+$0x0], $0xffff;
	v63 =	vadd.f32 v8, v9;
	[tilespmem:s1+$0x0] =	vst v11  }
0x6a: {  	v5 =	vadd.f32 v2, v5;
	[tilespmem:s1+$0xFFFFFFC0] =	vst v7  }
0x6b: {  	s0 =	smov.u32 @p0 s4;
	v3 =	vadd.f32 v1, v3;
	[tilespmem:s1+$0xFFFFFFD0] =	vst v63  }
0x6c: {  	s29 =	sadd.s32 $0xFFFFFFE0, s0;
	v61 =	vadd.f32 v4, v13;
	[tilespmem:s1+$0xFFFFFFE0] =	vst v5  }
0x6d: {  	s31 =	sadd.s32 $0xFFFFFFC0, s0;
	s30 =	sor.u32 $0x50, s29;
	v2 =	vadd.f32 v2, v6;
	[tilespmem:s1+$0x20] =	vst v3  }
0x6e: {  	s2 =	sor.u32 $0x30, s31;
	[tilespmem:s30+$0x1C80] =	vst v61;
	v1 =	vadd.f32 v1, v62  }
0x6f: {  	s0 =	sor.u32 $0x70, s0;
	[tilespmem:s2+$0x1C80] =	vst v2  }
0x70: {  	[tilespmem:s0+$0x1C80] =	vst v1  }
0x71: {  	_ =	swait.ge [sflag:s16], $0x200  }
0x72: {  	[sflag:s16] =	ssyncset.done $0x0  }
0x73: {  	[sflag:s16] =	ssyncadd.s32 $0xFFFFFE00  }
0x74: {  	_ =	swait.ge [sflag:s16], $0x200  }
0x75: {  	[sflag:s16] =	ssyncset.done $0x0  }
0x76: {  	[sflag:s16] =	ssyncadd.s32 $0xFFFFFE00  }
0x77: {  	_ =	swait.ge [sflag:s16], $0x200  }
0x78: {  	[sflag:s16] =	ssyncset.done $0x0  }
0x79: {  	[sflag:s16] =	ssyncadd.s32 $0xFFFFFE00  }
0x7a: {  	_ =	swait.ge [sflag:s16], $0x200  }
0x7b: {  	[sflag:s16] =	ssyncset.done $0x0  }
0x7c: {  	[sflag:s16] =	ssyncadd.s32 $0xFFFFFE00  }
0x7d: {  	_ =	swait.ge [sflag:s16], $0x200  }
0x7e: {  	[sflag:s16] =	ssyncset.done $0x0  }
0x7f: {  	[sflag:s16] =	ssyncadd.s32 $0xFFFFFE00  }
0x80: {  	_ =	swait.ge [sflag:s16], $0x200  }
0x81: {  	[sflag:s16] =	ssyncset.done $0x0  }
0x82: {  	[sflag:s16] =	ssyncadd.s32 $0xFFFFFE00  }
0x83: {  	_ =	swait.ge [sflag:s16], $0x200  }
0x84: {  	[sflag:s16] =	ssyncset.done $0x0  }
0x85: {  	[sflag:s16] =	ssyncadd.s32 $0xFFFFFE00  }
0x86: {  	_ =	swait.ge [sflag:s16], $0x200  }
0x87: {  	[sflag:s16] =	ssyncset.done $0x0  }
0x88: {  	[sflag:s16] =	ssyncadd.s32 $0xFFFFFE00  }
0x89: {  	_ =	swait.ge [sflag:s16], $0x200  }
0x8a: {  	[sflag:s16] =	ssyncset.done $0x0  }
0x8b: {  	[sflag:s16] =	ssyncadd.s32 $0xFFFFFE00  }
0x8c: {  	_ =	swait.ge [sflag:s16], $0x200  }
0x8d: {  	[sflag:s16] =	ssyncset.done $0x0  }
0x8e: {  	[sflag:s16] =	ssyncadd.s32 $0xFFFFFE00  }
0x8f: {  	_ =	swait.ge [sflag:s16], $0x200  }
0x90: {  	[sflag:s16] =	ssyncset.done $0x0  }
0x91: {  	[sflag:s16] =	ssyncadd.s32 $0xFFFFFE00  }
0x92: {  	_ =	swait.ge [sflag:s16], $0x200  }
0x93: {  	[sflag:s16] =	ssyncset.done $0x0  }
0x94: {  	s0 =	simm.s32 $0x0;
	[sflag:s16] =	ssyncadd.s32 $0xFFFFFE00  }
.LBB2_8:
0x95: {  	p0 =	seq.s32 s0, $0x0  }
0x96: {  	s2 =	simm.s32 @!p0 $0x1  }
0x97: {  	_ =	swait.ge @!p0 [sflag:s2], $0x1000  }
0x98: {  	[sflag:s2] =	ssyncset.done @!p0 $0x0  }
0x99: {  	[sflag:s2] =	ssyncadd.s32 @!p0 $0xFFFFF000  }
0x9a: {  	_ =	swait.ge @!p0 [sflag:s2], $0x1000  }
0x9b: {  	s1 =	smov.u32 s0;
	s21 =	sshll.u32 s0, $0xA;
	[sflag:s2] =	ssyncset.done @!p0 $0x0  }
0x9c: {  	s0 =	sand.u32 $0x3FFFFC00, s21;
	[smem:$0x7E8] =	sst s1;
	[sflag:s2] =	ssyncadd.s32 @!p0 $0xFFFFF000  }
0x9d: {  	_ =	swait.ge @!p0 [sflag:s2], $0x1000;
	[dreg:$0x4] =	wrdreg s0;
	s0 =	simm.s32 $0x0  }
0x9e: {  	s22 =	simm.s32 $0x10;
	s3 =	rddreg [dreg:$0x4];
	s4 =	sand.u32 $0x180, s0  }
0x9f: {  	s31 =	sand.u32 $0x70, s22;
	[sflag:s2] =	ssyncset.done @!p0 $0x0;
	s3 =	sadd.s32 s4, s3  }
0xa0: {  	[sflag:s2] =	ssyncadd.s32 @!p0 $0xFFFFF000;
	s25 =	sadd.s32 s31, s3  }
0xa1: {  	v8 =	vld [tilespmem:s25+$0x0]  }
0xa2: {  	s16 =	sand.u32 $0x60, s0  }
0xa3: {  	s26 =	sadd.s32 s16, s3  }
0xa4: {  	s5 =	smov.u32 s1;
	v7 =	vld [tilespmem:s26+$0x0]  }
0xa5: {  	s30 =	smul.u32 $0x1800, s5;
	_ =	sdelay $0x1  }
0xa6: {  	s8 =	sshra.s32 s30, $0x2  }
0xa7: {  	s24 =	sadd.s32 $0x1C80, s8  }
0xa8: {  	v1 =	vld.idx.msk [tilespmem:v8+s24+$0x0], $0xffff  }
0xa9: {  	s9 =	simm.s32 $0x0  }
0xaa: {  	s30 =	sand.u32 $0xC00, s9  }
0xab: {  	s4 =	sor.u32 $0x4080, s30;
	v2 =	vld.idx.msk [tilespmem:v7+s24+$0x0], $0xffff  }
0xac: {  	s5 =	sor.u32 s31, s4  }
0xad: {  	s19 =	sadd.s32 $0x1CA0, s8;
	[tilespmem:s5+$0x0] =	vst v1  }
0xae: {  	v1 =	vld.idx.msk [tilespmem:v8+s19+$0x0], $0xffff  }
0xaf: {  	s12 =	sor.u32 s16, s4  }
0xb0: {  	[tilespmem:s12+$0x0] =	vst v2  }
0xb1: {  	v2 =	vld.idx.msk [tilespmem:v7+s19+$0x0], $0xffff;
	_ =	sdelay $0x1  }
0xb2: {  	s21 =	sadd.s32 $0x1CC0, s8;
	[tilespmem:s5+$0x80] =	vst v1  }
0xb3: {  	v1 =	vld.idx.msk [tilespmem:v8+s21+$0x0], $0xffff;
	_ =	sdelay $0x1  }
0xb4: {  	[tilespmem:s12+$0x80] =	vst v2  }
0xb5: {  	v2 =	vld.idx.msk [tilespmem:v7+s21+$0x0], $0xffff;
	_ =	sdelay $0x1  }
0xb6: {  	s11 =	sadd.s32 $0x1CE0, s8;
	[tilespmem:s5+$0x100] =	vst v1  }
0xb7: {  	v1 =	vld.idx.msk [tilespmem:v8+s11+$0x0], $0xffff;
	_ =	sdelay $0x1  }
0xb8: {  	[tilespmem:s12+$0x100] =	vst v2  }
0xb9: {  	v2 =	vld.idx.msk [tilespmem:v7+s11+$0x0], $0xffff;
	_ =	sdelay $0x1  }
0xba: {  	s10 =	sadd.s32 $0x1D00, s8;
	[tilespmem:s5+$0x180] =	vst v1  }
0xbb: {  	v1 =	vld.idx.msk [tilespmem:v8+s10+$0x0], $0xffff;
	_ =	sdelay $0x1  }
0xbc: {  	[tilespmem:s12+$0x180] =	vst v2  }
0xbd: {  	s15 =	simm.s32 $0x20;
	v2 =	vld.idx.msk [tilespmem:v7+s10+$0x0], $0xffff  }
0xbe: {  	s7 =	sand.u32 $0x180, s15  }
0xbf: {  	s23 =	sadd.s32 $0x1D20, s8;
	s6 =	rddreg [dreg:$0x4];
	s3 =	simm.s32 $0x30;
	[tilespmem:s5+$0x200] =	vst v1  }
0xc0: {  	s6 =	sadd.s32 s7, s6;
	s13 =	sand.u32 $0x70, s3;
	v3 =	vld.idx.msk [tilespmem:v8+s23+$0x0], $0xffff  }
0xc1: {  	s7 =	sadd.s32 s13, s6  }
0xc2: {  	[tilespmem:s12+$0x200] =	vst v2;
	v1 =	vld [tilespmem:s7+$0x0]  }
0xc3: {  	s14 =	sand.u32 $0x60, s15;
	v4 =	vld.idx.msk [tilespmem:v7+s23+$0x0], $0xffff  }
0xc4: {  	s6 =	sadd.s32 s14, s6  }
0xc5: {  	s26 =	sadd.s32 $0x1D40, s8;
	v2 =	vld [tilespmem:s6+$0x0];
	[tilespmem:s5+$0x280] =	vst v3  }
0xc6: {  	s17 =	sand.u32 $0x7, s9;
	v3 =	vld.idx.msk [tilespmem:v8+s26+$0x0], $0xffff  }
0xc7: {  	s4 =	sshll.u32 s17, $0x4  }
0xc8: {  	s4 =	sadd.s32 $0x0, s4;
	[tilespmem:s12+$0x280] =	vst v4  }
0xc9: {  	s4 =	sadd.s32 $0x10, s4;
	v4 =	vld.idx.msk [tilespmem:v7+s26+$0x0], $0xffff  }
0xca: {  	s18 =	sand.u32 $0x3, s9;
	s4 =	sor.u32 $0x300, s4  }
0xcb: {  	s28 =	sadd.s32 $0x1D60, s8;
	v5 =	vld.idx.msk [tilespmem:v1+s24+$0x0], $0xffff;
	[tilespmem:s4+$0x4080] =	vst v3;
	s4 =	sshll.u32 s18, $0x5  }
0xcc: {  	s2 =	simm.s32 $0x100;
	v3 =	vld.idx.msk [tilespmem:v8+s28+$0x0], $0xffff;
	s4 =	sadd.s32 $0x0, s4  }
0xcd: {  	s15 =	sand.u32 $0xC00, s2;
	s4 =	sor.u32 $0x300, s4  }
0xce: {  	s20 =	sor.u32 $0x4080, s15;
	[tilespmem:s4+$0x4080] =	vst v4;
	v4 =	vld.idx.msk [tilespmem:v2+s24+$0x0], $0xffff  }
0xcf: {  	s1 =	sor.u32 s22, s9;
	s6 =	sor.u32 s13, s20;
	v6 =	vld.idx.msk [tilespmem:v7+s28+$0x0], $0xffff  }
0xd0: {  	s1 =	sor.u32 $0x380, s1;
	[tilespmem:s6+$0x0] =	vst v5  }
0xd1: {  	s7 =	sadd.s32 $0x1D80, s8;
	v5 =	vld.idx.msk [tilespmem:v1+s19+$0x0], $0xffff;
	[tilespmem:s1+$0x4080] =	vst v3  }
0xd2: {  	s0 =	sor.u32 s0, s9;
	s5 =	sor.u32 s14, s20;
	v3 =	vld.idx.msk [tilespmem:v8+s7+$0x0], $0xffff  }
0xd3: {  	s0 =	sor.u32 $0x380, s0;
	[tilespmem:s5+$0x0] =	vst v4  }
0xd4: {  	v4 =	vld.idx.msk [tilespmem:v2+s19+$0x0], $0xffff;
	[tilespmem:s0+$0x4080] =	vst v6  }
0xd5: {  	s22 =	sor.u32 $0x5080, s30;
	v6 =	vld.idx.msk [tilespmem:v7+s7+$0x0], $0xffff  }
0xd6: {  	s25 =	sor.u32 s31, s22;
	[tilespmem:s6+$0x80] =	vst v5  }
0xd7: {  	s4 =	sadd.s32 $0x1DA0, s8;
	v5 =	vld.idx.msk [tilespmem:v1+s21+$0x0], $0xffff;
	[tilespmem:s25+$0x0] =	vst v3  }
0xd8: {  	v3 =	vld.idx.msk [tilespmem:v8+s4+$0x0], $0xffff  }
0xd9: {  	s1 =	sor.u32 s16, s22;
	[tilespmem:s5+$0x80] =	vst v4  }
0xda: {  	s12 =	sadd.s32 $0x1DC0, s8;
	[tilespmem:s1+$0x0] =	vst v6  }
0xdb: {  	s9 =	sor.u32 $0x5100, s30;
	v4 =	vld.idx.msk [tilespmem:v2+s21+$0x0], $0xffff;
	[dreg:$0xf] =	wrdreg s12  }
0xdc: {  	s17 =	sor.u32 s31, s9;
	[tilespmem:s6+$0x100] =	vst v5  }
0xdd: {  	v6 =	vld.idx.msk [tilespmem:v7+s4+$0x0], $0xffff;
	[tilespmem:s17+$0x0] =	vst v3  }
0xde: {  	v3 =	vld.idx.msk [tilespmem:v8+s12+$0x0], $0xffff;
	[dreg:$0x9] =	wrdreg s11  }
0xdf: {  	v5 =	vld.idx.msk [tilespmem:v1+s11+$0x0], $0xffff;
	_ =	sdelay $0x1  }
0xe0: {  	s20 =	sor.u32 $0x5180, s30;
	s18 =	sor.u32 s16, s9;
	[tilespmem:s5+$0x100] =	vst v4  }
0xe1: {  	s22 =	sor.u32 s31, s20;
	[tilespmem:s18+$0x0] =	vst v6  }
0xe2: {  	s25 =	sadd.s32 $0x1DE0, s8;
	v4 =	vld.idx.msk [tilespmem:v2+s11+$0x0], $0xffff;
	[tilespmem:s22+$0x0] =	vst v3  }
0xe3: {  	s11 =	smov.u32 s25;
	v6 =	vld.idx.msk [tilespmem:v7+s12+$0x0], $0xffff;
	[tilespmem:s6+$0x180] =	vst v5  }
0xe4: {  	v3 =	vld.idx.msk [tilespmem:v8+s25+$0x0], $0xffff;
	[dreg:$0x10] =	wrdreg s11  }
0xe5: {  	[smem:$0x7E6] =	sst s10  }
0xe6: {  	v5 =	vld.idx.msk [tilespmem:v1+s10+$0x0], $0xffff;
	_ =	sdelay $0x1  }
0xe7: {  	s17 =	sor.u32 s16, s20;
	s18 =	sor.u32 $0x5200, s30;
	[tilespmem:s5+$0x180] =	vst v4  }
0xe8: {  	s29 =	sadd.s32 $0x1E00, s8;
	s22 =	sor.u32 s31, s18;
	s25 =	simm.s32 $0x40;
	[tilespmem:s17+$0x0] =	vst v6;
	v6 =	vld.idx.msk [tilespmem:v2+s10+$0x0], $0xffff  }
0xe9: {  	s20 =	rddreg [dreg:$0x4];
	s12 =	simm.s32 $0x50;
	s17 =	sand.u32 $0x180, s25;
	v9 =	vld.idx.msk [tilespmem:v7+s11+$0x0], $0xffff;
	[tilespmem:s22+$0x0] =	vst v3  }
0xea: {  	s0 =	sand.u32 $0x70, s12;
	s9 =	sadd.s32 s17, s20;
	[tilespmem:s6+$0x200] =	vst v5;
	v5 =	vld.idx.msk [tilespmem:v8+s29+$0x0], $0xffff  }
0xeb: {  	s17 =	sand.u32 $0x60, s25;
	s10 =	sadd.s32 s0, s9;
	v10 =	vld.idx.msk [tilespmem:v1+s23+$0x0], $0xffff;
	[smem:$0x7E2] =	sst s0  }
0xec: {  	s9 =	sadd.s32 s17, s9;
	v4 =	vld [tilespmem:s10+$0x0]  }
0xed: {  	s1 =	sor.u32 s16, s18;
	v3 =	vld [tilespmem:s9+$0x0];
	[tilespmem:s5+$0x200] =	vst v6;
	s10 =	sor.u32 $0x5280, s30  }
0xee: {  	s18 =	rddreg [dreg:$0x4];
	[tilespmem:s1+$0x0] =	vst v9;
	s1 =	simm.s32 $0x60;
	v6 =	vld.idx.msk [tilespmem:v2+s23+$0x0], $0xffff;
	s20 =	sor.u32 s31, s10  }
0xef: {  	s9 =	simm.s32 $0x70;
	v9 =	vld.idx.msk [tilespmem:v7+s29+$0x0], $0xffff;
	s22 =	sand.u32 $0x180, s1;
	[tilespmem:s20+$0x0] =	vst v5;
	s20 =	sadd.s32 $0x1E20, s8  }
0xf0: {  	s25 =	simm.s32 $0x2;
	[tilespmem:s6+$0x280] =	vst v10;
	s6 =	sadd.s32 s22, s18;
	v10 =	vld.idx.msk [tilespmem:v8+s20+$0x0], $0xffff;
	s18 =	sand.u32 $0x70, s9  }
0xf1: {  	s11 =	sand.u32 $0x7, s25;
	s22 =	sand.u32 $0x60, s1;
	v11 =	vld.idx.msk [tilespmem:v1+s26+$0x0], $0xffff;
	s12 =	sadd.s32 s18, s6  }
0xf2: {  	s11 =	sshll.u32 s11, $0x4;
	s6 =	sadd.s32 s22, s6;
	v5 =	vld [tilespmem:s12+$0x0]  }
0xf3: {  	s11 =	sadd.s32 $0x100, s11;
	[tilespmem:s5+$0x280] =	vst v6;
	v6 =	vld [tilespmem:s6+$0x0];
	s6 =	sor.u32 s16, s10;
	s10 =	sor.u32 $0x5300, s30  }
0xf4: {  	s25 =	simm.s32 $0x1;
	s12 =	sadd.s32 $0x10, s11;
	[tilespmem:s6+$0x0] =	vst v9;
	v9 =	vld.idx.msk [tilespmem:v2+s26+$0x0], $0xffff;
	s1 =	sor.u32 s31, s10  }
0xf5: {  	s6 =	sand.u32 $0x3, s25;
	s5 =	sor.u32 $0x300, s12;
	[tilespmem:s1+$0x0] =	vst v10;
	v10 =	vld.idx.msk [tilespmem:v7+s20+$0x0], $0xffff;
	s1 =	sadd.s32 $0x1E40, s8  }
0xf6: {  	s6 =	sshll.u32 s6, $0x5;
	[tilespmem:s5+$0x4080] =	vst v11;
	v11 =	vld.idx.msk [tilespmem:v8+s1+$0x0], $0xffff  }
0xf7: {  	v13 =	vld.idx.msk [tilespmem:v4+s24+$0x0], $0xffff;
	s5 =	sadd.s32 $0x100, s6  }
0xf8: {  	s12 =	simm.s32 $0x200;
	v12 =	vld.idx.msk [tilespmem:v1+s28+$0x0], $0xffff;
	s5 =	sor.u32 $0x300, s5  }
0xf9: {  	s11 =	sor.u32 $0x5380, s30;
	s10 =	sor.u32 s16, s10;
	[tilespmem:s5+$0x4080] =	vst v9;
	v9 =	vld.idx.msk [tilespmem:v3+s24+$0x0], $0xffff;
	s5 =	sand.u32 $0xC00, s12  }
0xfa: {  	s25 =	sor.u32 s31, s11;
	s12 =	sor.u32 $0x4080, s5;
	[tilespmem:s10+$0x0] =	vst v10  }
0xfb: {  	s3 =	sor.u32 s3, s2;
	s10 =	sor.u32 s0, s12;
	[tilespmem:s25+$0x0] =	vst v11  }
0xfc: {  	s3 =	sor.u32 $0x380, s3;
	s6 =	simm.s32 $0x20;
	v10 =	vld.idx.msk [tilespmem:v2+s28+$0x0], $0xffff;
	[tilespmem:s10+$0x0] =	vst v13  }
0xfd: {  	s0 =	sor.u32 s6, s2;
	s2 =	sor.u32 s17, s12;
	v11 =	vld.idx.msk [tilespmem:v7+s1+$0x0], $0xffff;
	s25 =	sadd.s32 $0x1E60, s8;
	[tilespmem:s3+$0x4080] =	vst v12  }
0xfe: {  	v12 =	vld.idx.msk [tilespmem:v8+s25+$0x0], $0xffff;
	[tilespmem:s2+$0x0] =	vst v9  }
0xff: {  	v13 =	vld.idx.msk [tilespmem:v1+s7+$0x0], $0xffff;
	[dreg:$0x7] =	wrdreg s19  }
0x100: {  	s3 =	sor.u32 $0x380, s0;
	v9 =	vld.idx.msk [tilespmem:v4+s19+$0x0], $0xffff  }
0x101: {  	s6 =	smov.u32 s7;
	s12 =	sor.u32 s16, s11;
	s7 =	sadd.s32 $0x5400, s30;
	[tilespmem:s3+$0x4080] =	vst v10  }
0x102: {  	v10 =	vld.idx.msk [tilespmem:v3+s19+$0x0], $0xffff;
	s3 =	sor.u32 $0x5080, s15;
	s19 =	sor.u32 s31, s7;
	[tilespmem:s12+$0x0] =	vst v11  }
0x103: {  	s0 =	sor.u32 s13, s3;
	[tilespmem:s19+$0x0] =	vst v12  }
0x104: {  	v11 =	vld.idx.msk [tilespmem:v2+s6+$0x0], $0xffff;
	[tilespmem:s0+$0x0] =	vst v13  }
0x105: {  	s12 =	sadd.s32 $0x1E80, s8;
	v12 =	vld.idx.msk [tilespmem:v7+s25+$0x0], $0xffff;
	[tilespmem:s10+$0x80] =	vst v9  }
0x106: {  	v13 =	vld.idx.msk [tilespmem:v8+s12+$0x0], $0xffff;
	[dreg:$0xe] =	wrdreg s4  }
0x107: {  	[tilespmem:s2+$0x80] =	vst v10  }
0x108: {  	v9 =	vld.idx.msk [tilespmem:v1+s4+$0x0], $0xffff;
	[dreg:$0x8] =	wrdreg s21  }
0x109: {  	s3 =	sor.u32 s14, s3;
	v10 =	vld.idx.msk [tilespmem:v4+s21+$0x0], $0xffff  }
0x10a: {  	s11 =	sor.u32 s16, s7;
	s7 =	sor.u32 $0x6080, s30;
	[tilespmem:s3+$0x0] =	vst v11  }
0x10b: {  	s19 =	sor.u32 $0x5100, s15;
	s0 =	sor.u32 s31, s7;
	v11 =	vld.idx.msk [tilespmem:v3+s21+$0x0], $0xffff;
	[tilespmem:s11+$0x0] =	vst v12  }
0x10c: {  	[tilespmem:s0+$0x0] =	vst v13;
	v12 =	vld.idx.msk [tilespmem:v2+s4+$0x0], $0xffff;
	s4 =	sor.u32 s13, s19  }
0x10d: {  	[tilespmem:s4+$0x0] =	vst v9  }
0x10e: {  	s21 =	sadd.s32 $0x1EA0, s8;
	v13 =	vld.idx.msk [tilespmem:v7+s12+$0x0], $0xffff;
	[tilespmem:s10+$0x100] =	vst v10  }
0x10f: {  	v9 =	vld.idx.msk [tilespmem:v8+s21+$0x0], $0xffff;
	s4 =	rddreg [dreg:$0xf]  }
0x110: {  	[tilespmem:s2+$0x100] =	vst v11;
	v10 =	vld.idx.msk [tilespmem:v1+s4+$0x0], $0xffff  }
0x111: {  	s3 =	sor.u32 s14, s19;
	s19 =	rddreg [dreg:$0x9]  }
0x112: {  	s11 =	sor.u32 s16, s7;
	s7 =	sor.u32 $0x6100, s30;
	[tilespmem:s3+$0x0] =	vst v12;
	v11 =	vld.idx.msk [tilespmem:v4+s19+$0x0], $0xffff  }
0x113: {  	s0 =	sor.u32 s31, s7;
	[tilespmem:s11+$0x0] =	vst v13;
	v12 =	vld.idx.msk [tilespmem:v3+s19+$0x0], $0xffff;
	s19 =	sor.u32 $0x5180, s15  }
0x114: {  	v13 =	vld.idx.msk [tilespmem:v2+s4+$0x0], $0xffff;
	[tilespmem:s0+$0x0] =	vst v9;
	s4 =	sor.u32 s13, s19  }
0x115: {  	v9 =	vld.idx.msk [tilespmem:v7+s21+$0x0], $0xffff;
	s0 =	sadd.s32 $0x1EC0, s8;
	[tilespmem:s4+$0x0] =	vst v10  }
0x116: {  	v10 =	vld.idx.msk [tilespmem:v8+s0+$0x0], $0xffff;
	[smem:$0x7E5] =	sst s0  }
0x117: {  	[tilespmem:s10+$0x180] =	vst v11  }
0x118: {  	s4 =	rddreg [dreg:$0x10];
	[tilespmem:s2+$0x180] =	vst v12  }
0x119: {  	s3 =	sor.u32 s14, s19;
	v11 =	vld.idx.msk [tilespmem:v1+s4+$0x0], $0xffff;
	s11 =	sld [smem:$0x7E6]  }
0x11a: {  	s19 =	sor.u32 s16, s7;
	[tilespmem:s3+$0x0] =	vst v13  }
0x11b: {  	s7 =	sor.u32 $0x6180, s30;
	[tilespmem:s19+$0x0] =	vst v9;
	v9 =	vld.idx.msk [tilespmem:v2+s4+$0x0], $0xffff  }
0x11c: {  	s3 =	sor.u32 $0x5200, s15;
	s19 =	sor.u32 s31, s7;
	v12 =	vld.idx.msk [tilespmem:v4+s11+$0x0], $0xffff  }
0x11d: {  	[tilespmem:s19+$0x0] =	vst v10;
	v13 =	vld.idx.msk [tilespmem:v3+s11+$0x0], $0xffff;
	s11 =	sor.u32 s13, s3  }
0x11e: {  	v10 =	vld.idx.msk [tilespmem:v7+s0+$0x0], $0xffff;
	s4 =	sadd.s32 $0x1EE0, s8;
	[tilespmem:s11+$0x0] =	vst v11  }
0x11f: {  	s3 =	sor.u32 s14, s3;
	v11 =	vld.idx.msk [tilespmem:v8+s4+$0x0], $0xffff;
	[dreg:$0x1f] =	wrdreg s4  }
0x120: {  	[tilespmem:s3+$0x0] =	vst v9  }
0x121: {  	[tilespmem:s10+$0x200] =	vst v12  }
0x122: {  	v12 =	vld.idx.msk [tilespmem:v1+s29+$0x0], $0xffff;
	[tilespmem:s2+$0x200] =	vst v13  }
0x123: {  	s19 =	sor.u32 s16, s7;
	v13 =	vld.idx.msk [tilespmem:v4+s23+$0x0], $0xffff;
	[dreg:$0xa] =	wrdreg s23  }
0x124: {  	[tilespmem:s19+$0x0] =	vst v10  }
0x125: {  	s7 =	sor.u32 $0x6200, s30;
	v9 =	vld.idx.msk [tilespmem:v3+s23+$0x0], $0xffff;
	[dreg:$0x11] =	wrdreg s29  }
0x126: {  	s3 =	sor.u32 $0x5280, s15;
	s23 =	sor.u32 s31, s7;
	v10 =	vld.idx.msk [tilespmem:v2+s29+$0x0], $0xffff  }
0x127: {  	s0 =	sor.u32 s13, s3;
	[tilespmem:s23+$0x0] =	vst v11  }
0x128: {  	v11 =	vld.idx.msk [tilespmem:v7+s4+$0x0], $0xffff;
	[tilespmem:s0+$0x0] =	vst v12  }
0x129: {  	s11 =	sadd.s32 $0x1F00, s8;
	[tilespmem:s10+$0x280] =	vst v13  }
0x12a: {  	s3 =	sor.u32 s14, s3;
	v12 =	vld.idx.msk [tilespmem:v8+s11+$0x0], $0xffff;
	[tilespmem:s2+$0x280] =	vst v9  }
0x12b: {  	s4 =	simm.s32 $0x2;
	v13 =	vld.idx.msk [tilespmem:v1+s20+$0x0], $0xffff;
	[tilespmem:s3+$0x0] =	vst v10  }
0x12c: {  	s23 =	simm.s32 $0x4;
	s0 =	sor.u32 s16, s7;
	v9 =	vld.idx.msk [tilespmem:v4+s26+$0x0], $0xffff;
	[dreg:$0xb] =	wrdreg s26  }
0x12d: {  	s19 =	sand.u32 $0x7, s23;
	s10 =	sor.u32 $0x6280, s30;
	s2 =	sand.u32 $0x3, s4;
	[tilespmem:s0+$0x0] =	vst v11  }
0x12e: {  	s4 =	sshll.u32 s19, $0x4;
	v10 =	vld.idx.msk [tilespmem:v3+s26+$0x0], $0xffff;
	s0 =	sor.u32 s31, s10;
	[dreg:$0x13] =	wrdreg s20  }
0x12f: {  	s7 =	sadd.s32 $0x200, s4;
	s2 =	sshll.u32 s2, $0x5;
	s26 =	sor.u32 $0x5300, s15;
	v11 =	vld.idx.msk [tilespmem:v2+s20+$0x0], $0xffff;
	[tilespmem:s0+$0x0] =	vst v12  }
0x130: {  	s3 =	sadd.s32 $0x10, s7;
	s4 =	sor.u32 s13, s26;
	[dreg:$0x1e] =	wrdreg s11  }
0x131: {  	s2 =	sadd.s32 $0x200, s2;
	s3 =	sor.u32 $0x300, s3;
	v12 =	vld.idx.msk [tilespmem:v7+s11+$0x0], $0xffff;
	s11 =	sadd.s32 $0x1F20, s8;
	[tilespmem:s4+$0x0] =	vst v13  }
0x132: {  	s2 =	sor.u32 $0x300, s2;
	[tilespmem:s3+$0x4080] =	vst v9;
	v13 =	vld.idx.msk [tilespmem:v8+s11+$0x0], $0xffff  }
0x133: {  	s19 =	sor.u32 s14, s26;
	v9 =	vld.idx.msk [tilespmem:v1+s1+$0x0], $0xffff;
	[tilespmem:s2+$0x4080] =	vst v10  }
0x134: {  	v14 =	vld.idx.msk [tilespmem:v4+s28+$0x0], $0xffff;
	[tilespmem:s19+$0x0] =	vst v11  }
0x135: {  	s20 =	sor.u32 s16, s10;
	v10 =	vld.idx.msk [tilespmem:v5+s24+$0x0], $0xffff;
	[dreg:$0x6] =	wrdreg s24  }
0x136: {  	s10 =	simm.s32 $0x200;
	s3 =	sor.u32 $0x5380, s15;
	s2 =	sor.u32 $0x6300, s30;
	[tilespmem:s20+$0x0] =	vst v12  }
0x137: {  	s26 =	sor.u32 s31, s2;
	v11 =	vld.idx.msk [tilespmem:v6+s24+$0x0], $0xffff;
	s24 =	simm.s32 $0x50;
	[dreg:$0xc] =	wrdreg s28  }
0x138: {  	s0 =	sor.u32 s24, s10;
	s24 =	simm.s32 $0x300;
	v12 =	vld.idx.msk [tilespmem:v3+s28+$0x0], $0xffff;
	s28 =	sld [smem:$0x7E2];
	[tilespmem:s26+$0x0] =	vst v13  }
0x139: {  	s4 =	sor.u32 s13, s3;
	s29 =	sand.u32 $0xC00, s24;
	[dreg:$0x16] =	wrdreg s1  }
0x13a: {  	s0 =	sor.u32 $0x380, s0;
	s19 =	sor.u32 $0x4080, s29;
	v13 =	vld.idx.msk [tilespmem:v2+s1+$0x0], $0xffff;
	[tilespmem:s4+$0x0] =	vst v9  }
0x13b: {  	s20 =	simm.s32 $0x40;
	s1 =	sadd.s32 $0x1F40, s8;
	[tilespmem:s0+$0x4080] =	vst v14;
	s0 =	sor.u32 s18, s19  }
0x13c: {  	s4 =	sor.u32 s20, s10;
	s10 =	sor.u32 s22, s19;
	v9 =	vld.idx.msk [tilespmem:v8+s1+$0x0], $0xffff;
	[tilespmem:s0+$0x0] =	vst v10  }
0x13d: {  	v14 =	vld.idx.msk [tilespmem:v1+s25+$0x0], $0xffff;
	s4 =	sor.u32 $0x380, s4;
	[tilespmem:s10+$0x0] =	vst v11  }
0x13e: {  	s3 =	sor.u32 s14, s3;
	v10 =	vld.idx.msk [tilespmem:v4+s6+$0x0], $0xffff;
	s26 =	rddreg [dreg:$0x7];
	[tilespmem:s4+$0x4080] =	vst v12  }
0x13f: {  	v11 =	vld.idx.msk [tilespmem:v5+s26+$0x0], $0xffff;
	s4 =	sor.u32 $0x6380, s30;
	[tilespmem:s3+$0x0] =	vst v13  }
0x140: {  	v12 =	vld.idx.msk [tilespmem:v6+s26+$0x0], $0xffff;
	s19 =	sor.u32 s31, s4;
	[dreg:$0xd] =	wrdreg s6  }
0x141: {  	s20 =	sor.u32 $0x5080, s5;
	[tilespmem:s19+$0x0] =	vst v9  }
0x142: {  	s26 =	sor.u32 s28, s20;
	v13 =	vld.idx.msk [tilespmem:v3+s6+$0x0], $0xffff;
	[dreg:$0x19] =	wrdreg s25  }
0x143: {  	s3 =	sadd.s32 $0x5400, s15;
	[tilespmem:s26+$0x0] =	vst v10  }
0x144: {  	s8 =	sadd.s32 $0x1F60, s8;
	v9 =	vld.idx.msk [tilespmem:v2+s25+$0x0], $0xffff;
	s25 =	sor.u32 s13, s3;
	[tilespmem:s0+$0x80] =	vst v11  }
0x145: {  	v8 =	vld.idx.msk [tilespmem:v8+s8+$0x0], $0xffff;
	[tilespmem:s25+$0x0] =	vst v14  }
0x146: {  	v10 =	vld.idx.msk [tilespmem:v1+s12+$0x0], $0xffff;
	s19 =	rddreg [dreg:$0xe];
	[tilespmem:s10+$0x80] =	vst v12  }
0x147: {  	s6 =	sor.u32 s17, s20;
	v11 =	vld.idx.msk [tilespmem:v4+s19+$0x0], $0xffff;
	s7 =	rddreg [dreg:$0x8]  }
0x148: {  	s3 =	sor.u32 s14, s3;
	[tilespmem:s6+$0x0] =	vst v13;
	s6 =	sadd.s32 $0x6400, s30;
	v12 =	vld.idx.msk [tilespmem:v5+s7+$0x0], $0xffff  }
0x149: {  	[tilespmem:s3+$0x0] =	vst v9;
	v9 =	vld.idx.msk [tilespmem:v3+s19+$0x0], $0xffff;
	s19 =	sor.u32 s31, s6  }
0x14a: {  	v13 =	vld.idx.msk [tilespmem:v6+s7+$0x0], $0xffff;
	s7 =	sor.u32 $0x6080, s15;
	[tilespmem:s19+$0x0] =	vst v8  }
0x14b: {  	s25 =	sor.u32 s13, s7;
	[dreg:$0x1b] =	wrdreg s12  }
0x14c: {  	s20 =	sor.u32 $0x5100, s5;
	[tilespmem:s25+$0x0] =	vst v10  }
0x14d: {  	s26 =	sor.u32 s28, s20;
	v8 =	vld.idx.msk [tilespmem:v2+s12+$0x0], $0xffff;
	[smem:$0x7E3] =	sst s11  }
0x14e: {  	v10 =	vld.idx.msk [tilespmem:v7+s11+$0x0], $0xffff;
	[tilespmem:s26+$0x0] =	vst v11  }
0x14f: {  	[tilespmem:s0+$0x100] =	vst v12  }
0x150: {  	s3 =	sor.u32 s17, s20;
	v11 =	vld.idx.msk [tilespmem:v1+s21+$0x0], $0xffff;
	s30 =	rddreg [dreg:$0xf];
	[tilespmem:s10+$0x100] =	vst v13  }
0x151: {  	s7 =	sor.u32 s14, s7;
	v12 =	vld.idx.msk [tilespmem:v4+s30+$0x0], $0xffff;
	s31 =	rddreg [dreg:$0x9];
	[tilespmem:s3+$0x0] =	vst v9  }
0x152: {  	s2 =	sor.u32 s16, s2;
	v13 =	vld.idx.msk [tilespmem:v5+s31+$0x0], $0xffff;
	[tilespmem:s7+$0x0] =	vst v8  }
0x153: {  	s3 =	sor.u32 $0x6100, s15;
	v9 =	vld.idx.msk [tilespmem:v6+s31+$0x0], $0xffff;
	[tilespmem:s2+$0x0] =	vst v10  }
0x154: {  	v8 =	vld.idx.msk [tilespmem:v3+s30+$0x0], $0xffff;
	s12 =	sor.u32 s13, s3;
	[dreg:$0x1d] =	wrdreg s21  }
0x155: {  	s11 =	sor.u32 $0x5180, s5;
	[tilespmem:s12+$0x0] =	vst v11  }
0x156: {  	s19 =	sor.u32 s28, s11;
	v10 =	vld.idx.msk [tilespmem:v2+s21+$0x0], $0xffff;
	[smem:$0x7E4] =	sst s1  }
0x157: {  	[tilespmem:s19+$0x0] =	vst v12  }
0x158: {  	s12 =	sld [smem:$0x7E5];
	_ =	sdelay $0x1  }
0x159: {  	v11 =	vld.idx.msk [tilespmem:v7+s1+$0x0], $0xffff  }
0x15a: {  	[tilespmem:s0+$0x180] =	vst v13;
	v14 =	vld.idx.msk [tilespmem:v1+s12+$0x0], $0xffff  }
0x15b: {  	s2 =	sor.u32 s17, s11;
	s21 =	rddreg [dreg:$0x10];
	[tilespmem:s10+$0x180] =	vst v9  }
0x15c: {  	s3 =	sor.u32 s14, s3;
	s31 =	sld [smem:$0x7E6];
	[tilespmem:s2+$0x0] =	vst v8  }
0x15d: {  	s20 =	sor.u32 s16, s4;
	s19 =	sor.u32 $0x6180, s15;
	[tilespmem:s3+$0x0] =	vst v10  }
0x15e: {  	s25 =	simm.s32 $0x3;
	s2 =	sor.u32 s13, s19;
	[tilespmem:s20+$0x0] =	vst v11  }
0x15f: {  	s26 =	sor.u32 s16, s6;
	s30 =	sand.u32 $0x3, s25;
	v18 =	vld.idx.msk [tilespmem:v4+s21+$0x0], $0xffff;
	[tilespmem:s2+$0x0] =	vst v14  }
0x160: {  	s16 =	simm.s32 $0x60;
	s4 =	sshll.u32 s30, $0x5;
	v15 =	vld.idx.msk [tilespmem:v3+s21+$0x0], $0xffff;
	s30 =	sld [smem:$0x7E8]  }
0x161: {  	s1 =	sor.u32 s16, s24;
	v12 =	vld.idx.msk [tilespmem:v2+s12+$0x0], $0xffff  }
0x162: {  	s16 =	sor.u32 $0x380, s1;
	v16 =	vld.idx.msk [tilespmem:v5+s31+$0x0], $0xffff  }
0x163: {  	s20 =	sor.u32 $0x5200, s5;
	v17 =	vld.idx.msk [tilespmem:v6+s31+$0x0], $0xffff;
	[smem:$0x7E7] =	sst s8;
	s1 =	sshll.u32 s30, $0x1  }
0x164: {  	s3 =	sor.u32 s28, s20;
	v13 =	vld.idx.msk [tilespmem:v7+s8+$0x0], $0xffff;
	[smem:$0x7E9] =	sst s1  }
0x165: {  	s7 =	simm.s32 $0x6;
	s4 =	sadd.s32 $0x300, s4;
	[tilespmem:s3+$0x0] =	vst v18  }
0x166: {  	s4 =	sor.u32 $0x300, s4;
	s21 =	sor.u32 s14, s19;
	s31 =	rddreg [dreg:$0x1f]  }
0x167: {  	v9 =	vmovc v4;
	v8 =	vmov v5;
	v10 =	vmov v5;
	s2 =	sor.u32 s17, s20;
	s20 =	simm.s32 $0x70;
	v7 =	vmov v6;
	s1 =	simm.s32 $0x300;
	v11 =	vld.idx.msk [tilespmem:v1+s31+$0x0], $0xffff  }
.LBB2_9:
0x168: {  	_ =	sdelay $0x1  }
0x169: {  	[tilespmem:s10+$0x200] =	vst v17;
	s12 =	rddreg [dreg:$0xa]  }
0x16a: {  	s9 =	sadd.s32 $0x20, s9;
	s30 =	rddreg [dreg:$0x11];
	v6 =	vld.idx.msk [tilespmem:v6+s12+$0x0], $0xffff;
	[tilespmem:s2+$0x0] =	vst v15  }
0x16b: {  	s3 =	rddreg [dreg:$0x4];
	s19 =	sadd.s32 $0xFFFFFFF0, s9;
	[tilespmem:s0+$0x200] =	vst v16;
	v15 =	vld.idx.msk [tilespmem:v3+s30+$0x0], $0xffff  }
0x16c: {  	s8 =	rddreg [dreg:$0x1f];
	s11 =	sand.u32 $0x180, s19;
	v16 =	vld.idx.msk [tilespmem:v4+s30+$0x0], $0xffff  }
0x16d: {  	s6 =	sand.u32 $0x70, s9;
	s2 =	sor.u32 $0x6200, s15;
	[tilespmem:s21+$0x0] =	vst v12;
	v17 =	vld.idx.msk [tilespmem:v8+s12+$0x0], $0xffff;
	s3 =	sadd.s32 s11, s3  }
0x16e: {  	v12 =	vld.idx.msk [tilespmem:v2+s8+$0x0], $0xffff;
	s8 =	sor.u32 s13, s2;
	s31 =	sadd.s32 s6, s3;
	[tilespmem:s26+$0x0] =	vst v13  }
0x16f: {  	v14 =	vmov v5;
	s21 =	sand.u32 $0x60, s19;
	s11 =	sor.u32 $0x5280, s5;
	v5 =	vld [tilespmem:s31+$0x0];
	[tilespmem:s8+$0x0] =	vst v11  }
0x170: {  	s3 =	sadd.s32 s21, s3;
	s31 =	sor.u32 s17, s11;
	s11 =	sor.u32 s28, s11;
	[tilespmem:s10+$0x280] =	vst v6  }
0x171: {  	s8 =	rddreg [dreg:$0x1e];
	v6 =	vld [tilespmem:s3+$0x0];
	[tilespmem:s11+$0x0] =	vst v16  }
0x172: {  	s11 =	rddreg [dreg:$0x13];
	v11 =	vld.idx.msk [tilespmem:v1+s8+$0x0], $0xffff;
	[tilespmem:s0+$0x280] =	vst v17  }
0x173: {  	s23 =	sadd.s32 $0x2, s23;
	s26 =	rddreg [dreg:$0xb];
	v13 =	vld.idx.msk [tilespmem:v4+s11+$0x0], $0xffff  }
0x174: {  	s2 =	sor.u32 s14, s2;
	s30 =	sand.u32 $0x7, s23;
	[tilespmem:s31+$0x0] =	vst v15;
	s31 =	sor.u32 $0x6280, s15;
	v16 =	vld.idx.msk [tilespmem:v8+s26+$0x0], $0xffff  }
0x175: {  	v15 =	vld.idx.msk [tilespmem:v7+s26+$0x0], $0xffff;
	[tilespmem:s2+$0x0] =	vst v12;
	s12 =	sor.u32 s13, s31;
	s2 =	sor.u32 s14, s31;
	s0 =	sshll.u32 s30, $0x4  }
0x176: {  	s31 =	sld [smem:$0x7E3];
	v12 =	vld.idx.msk [tilespmem:v3+s11+$0x0], $0xffff;
	s0 =	sadd.s32 s24, s0;
	s11 =	sor.u32 $0x5300, s5  }
0x177: {  	s0 =	sadd.s32 $0x10, s0;
	s3 =	sor.u32 s28, s11;
	[tilespmem:s12+$0x0] =	vst v11  }
0x178: {  	v17 =	vld.idx.msk [tilespmem:v2+s8+$0x0], $0xffff;
	s0 =	sor.u32 $0x300, s0;
	[tilespmem:s3+$0x0] =	vst v13  }
0x179: {  	s12 =	rddreg [dreg:$0x16];
	v11 =	vld.idx.msk [tilespmem:v1+s31+$0x0], $0xffff;
	[tilespmem:s0+$0x4080] =	vst v16  }
0x17a: {  	s25 =	sadd.s32 $0x1, s25;
	s8 =	rddreg [dreg:$0x6];
	s26 =	sor.u32 s17, s11;
	[tilespmem:s4+$0x4080] =	vst v15;
	v13 =	vld.idx.msk [tilespmem:v4+s12+$0x0], $0xffff  }
0x17b: {  	s30 =	rddreg [dreg:$0xc];
	s3 =	sand.u32 $0x3, s25;
	v15 =	vld.idx.msk [tilespmem:v6+s8+$0x0], $0xffff;
	[tilespmem:s26+$0x0] =	vst v12  }
0x17c: {  	s0 =	sshll.u32 s3, $0x5;
	s3 =	sor.u32 $0x6300, s15;
	v12 =	vld.idx.msk [tilespmem:v7+s30+$0x0], $0xffff  }
0x17d: {  	s11 =	sor.u32 $0x5380, s5;
	v16 =	vld.idx.msk [tilespmem:v8+s30+$0x0], $0xffff;
	s26 =	sor.u32 s13, s3  }
0x17e: {  	s24 =	sadd.s32 $0x100, s24;
	v18 =	vld.idx.msk [tilespmem:v5+s8+$0x0], $0xffff;
	s30 =	sor.u32 s20, s1;
	s1 =	sor.u32 s28, s11;
	[tilespmem:s26+$0x0] =	vst v11  }
0x17f: {  	s0 =	sadd.s32 s0, s24;
	[tilespmem:s1+$0x0] =	vst v13;
	s1 =	sld [smem:$0x7E4]  }
0x180: {  	[tilespmem:s2+$0x0] =	vst v17;
	s2 =	sand.u32 $0xC00, s24;
	s0 =	sor.u32 $0x300, s0  }
0x181: {  	v17 =	vld.idx.msk [tilespmem:v3+s12+$0x0], $0xffff;
	s4 =	sor.u32 $0x4080, s2;
	s8 =	sor.u32 $0x380, s30;
	[smem:$0x7E1] =	sst s0  }
0x182: {  	s10 =	sor.u32 s21, s4;
	v11 =	vld.idx.msk [tilespmem:v1+s1+$0x0], $0xffff;
	[tilespmem:s8+$0x4080] =	vst v16;
	s8 =	rddreg [dreg:$0x19]  }
0x183: {  	s20 =	sor.u32 s19, s24;
	s0 =	sor.u32 s6, s4;
	[tilespmem:s10+$0x0] =	vst v15;
	s26 =	rddreg [dreg:$0x7];
	v13 =	vld.idx.msk [tilespmem:v4+s8+$0x0], $0xffff  }
0x184: {  	s30 =	rddreg [dreg:$0xd];
	s12 =	sor.u32 $0x380, s20;
	[tilespmem:s0+$0x0] =	vst v18;
	v18 =	vld.idx.msk [tilespmem:v6+s26+$0x0], $0xffff  }
0x185: {  	s19 =	smov.u32 s12;
	v16 =	vld.idx.msk [tilespmem:v8+s30+$0x0], $0xffff  }
0x186: {  	s11 =	sor.u32 s17, s11;
	s12 =	sadd.s32 $0x5400, s5;
	[smem:$0x7E0] =	sst s19;
	[tilespmem:s16+$0x4080] =	vst v12;
	v15 =	vld.idx.msk [tilespmem:v5+s26+$0x0], $0xffff  }
0x187: {  	s16 =	sor.u32 $0x5080, s29;
	s26 =	sor.u32 $0x6380, s15;
	v12 =	vld.idx.msk [tilespmem:v7+s30+$0x0], $0xffff;
	s30 =	sor.u32 s17, s12  }
0x188: {  	[tilespmem:s11+$0x0] =	vst v17;
	s11 =	sor.u32 s28, s12;
	s19 =	sor.u32 s14, s26;
	s26 =	sor.u32 s13, s26  }
0x189: {  	s12 =	sor.u32 s22, s16;
	[tilespmem:s26+$0x0] =	vst v11;
	s26 =	sor.u32 s18, s16;
	s16 =	sld [smem:$0x7E7]  }
0x18a: {  	_ = 	snop  }
0x18b: {  	v17 =	vld.idx.msk [tilespmem:v3+s8+$0x0], $0xffff;
	[tilespmem:s11+$0x0] =	vst v13  }
0x18c: {  	[tilespmem:s10+$0x80] =	vst v18;
	s11 =	rddreg [dreg:$0x8];
	v11 =	vld.idx.msk [tilespmem:v1+s16+$0x0], $0xffff  }
0x18d: {  	s8 =	rddreg [dreg:$0x1b];
	[tilespmem:s26+$0x0] =	vst v16;
	v16 =	vld.idx.msk [tilespmem:v6+s11+$0x0], $0xffff  }
0x18e: {  	s26 =	rddreg [dreg:$0xe];
	v13 =	vld.idx.msk [tilespmem:v9+s8+$0x0], $0xffff;
	[tilespmem:s0+$0x80] =	vst v15  }
0x18f: {  	v9 =	vmov v14;
	v14 =	vld.idx.msk [tilespmem:v10+s26+$0x0], $0xffff  }
0x190: {  	[tilespmem:s12+$0x0] =	vst v12;
	v15 =	vld.idx.msk [tilespmem:v5+s11+$0x0], $0xffff;
	s11 =	sadd.s32 $0x6400, s15  }
0x191: {  	v1 =	vmov v4;
	v12 =	vld.idx.msk [tilespmem:v7+s26+$0x0], $0xffff;
	[tilespmem:s30+$0x0] =	vst v17;
	s15 =	smov.u32 s5;
	s26 =	sor.u32 s14, s11;
	s11 =	sor.u32 s13, s11  }
0x192: {  	s3 =	sor.u32 s14, s3;
	v4 =	vmov v8;
	s5 =	smov.u32 s29;
	v17 =	vld.idx.msk [tilespmem:v3+s8+$0x0], $0xffff;
	s12 =	sor.u32 $0x6080, s15;
	[tilespmem:s11+$0x0] =	vst v11  }
0x193: {  	v8 =	vmov v5;
	s14 =	sor.u32 $0x5100, s5;
	s30 =	sor.u32 s17, s12;
	s12 =	sor.u32 s28, s12;
	v11 =	vld.idx.msk [tilespmem:v2+s31+$0x0], $0xffff;
	[tilespmem:s10+$0x100] =	vst v16  }
0x194: {  	s8 =	sor.u32 s18, s14;
	s31 =	rddreg [dreg:$0x9];
	[tilespmem:s12+$0x0] =	vst v13  }
0x195: {  	v16 =	vld.idx.msk [tilespmem:v6+s31+$0x0], $0xffff;
	[tilespmem:s8+$0x0] =	vst v14;
	s8 =	rddreg [dreg:$0x1d]  }
0x196: {  	s12 =	rddreg [dreg:$0xf];
	v13 =	vld.idx.msk [tilespmem:v1+s8+$0x0], $0xffff;
	[tilespmem:s0+$0x100] =	vst v15  }
0x197: {  	s11 =	sor.u32 s22, s14;
	v14 =	vld.idx.msk [tilespmem:v4+s12+$0x0], $0xffff  }
0x198: {  	s29 =	smov.u32 s2;
	s13 =	smov.u32 s28;
	s28 =	smov.u32 s18;
	[tilespmem:s11+$0x0] =	vst v12;
	v15 =	vld.idx.msk [tilespmem:v8+s31+$0x0], $0xffff  }
0x199: {  	s18 =	smov.u32 s6;
	s6 =	sor.u32 $0x6100, s15;
	s14 =	smov.u32 s17;
	v12 =	vld.idx.msk [tilespmem:v7+s12+$0x0], $0xffff;
	[tilespmem:s30+$0x0] =	vst v17  }
0x19a: {  	s2 =	sor.u32 s13, s6;
	s11 =	sor.u32 $0x5180, s5;
	s30 =	sld [smem:$0x7E5];
	v18 =	vld.idx.msk [tilespmem:v3+s8+$0x0], $0xffff;
	[tilespmem:s3+$0x0] =	vst v11  }
0x19b: {  	s4 =	smov.u32 s24;
	s12 =	sor.u32 s14, s6;
	s6 =	sor.u32 s28, s11;
	[tilespmem:s2+$0x0] =	vst v13  }
0x19c: {  	v11 =	vld.idx.msk [tilespmem:v2+s1+$0x0], $0xffff;
	s1 =	smov.u32 s4;
	s4 =	sld [smem:$0x7E6];
	[tilespmem:s6+$0x0] =	vst v14  }
0x19d: {  	s17 =	smov.u32 s22;
	s31 =	rddreg [dreg:$0x10];
	v13 =	vld.idx.msk [tilespmem:v1+s30+$0x0], $0xffff;
	[tilespmem:s0+$0x180] =	vst v15  }
0x19e: {  	s7 =	sadd.s32 $0x2, s7;
	s22 =	smov.u32 s21;
	s21 =	sor.u32 s17, s11;
	[tilespmem:s10+$0x180] =	vst v16;
	v14 =	vld.idx.msk [tilespmem:v4+s31+$0x0], $0xffff  }
0x19f: {  	p1 =	slt.u32 s7, $0x1E;
	v17 =	vld.idx.msk [tilespmem:v6+s4+$0x0], $0xffff;
	[tilespmem:s21+$0x0] =	vst v12  }
.Ltmp3:
0x1a0: {  	s11 =	sor.u32 $0x6180, s15;
	v15 =	vld.idx.msk [tilespmem:v7+s31+$0x0], $0xffff;
	[tilespmem:s12+$0x0] =	vst v18;
	(pc) =	sbr.rel @p1 .LBB2_9-.Ltmp3, $4  }
0x1a1: {  	s12 =	sor.u32 $0x5200, s5;
	v12 =	vld.idx.msk [tilespmem:v3+s30+$0x0], $0xffff;
	s30 =	sor.u32 s13, s11;
	[tilespmem:s19+$0x0] =	vst v11  }
0x1a2: {  	v16 =	vld.idx.msk [tilespmem:v8+s4+$0x0], $0xffff;
	s3 =	sor.u32 s28, s12;
	s4 =	sld [smem:$0x7E1];
	[tilespmem:s30+$0x0] =	vst v13  }
0x1a3: {  	s20 =	smov.u32 s9;
	s31 =	rddreg [dreg:$0x1f];
	v13 =	vld.idx.msk [tilespmem:v2+s16+$0x0], $0xffff;
	[tilespmem:s3+$0x0] =	vst v14  }
0x1a4: {  	v10 =	vmovc v5;
	s21 =	sor.u32 s14, s11;
	s2 =	sor.u32 s17, s12;
	s16 =	sld [smem:$0x7E0];
	v2 =	vmov v3;
	v3 =	vmov v7;
	v7 =	vmov v6;
	v11 =	vld.idx.msk [tilespmem:v1+s31+$0x0], $0xffff  }
0x1a5: {  	_ = 	snop  }
0x1a6: {  	[tilespmem:s10+$0x200] =	vst v17  }
0x1a7: {  	[tilespmem:s0+$0x200] =	vst v16  }
0x1a8: {  	s3 =	rddreg [dreg:$0xa]  }
0x1a9: {  	v14 =	vld.idx.msk [tilespmem:v8+s3+$0x0], $0xffff  }
0x1aa: {  	v6 =	vld.idx.msk [tilespmem:v6+s3+$0x0], $0xffff;
	_ =	sdelay $0x3  }
0x1ab: {  	[tilespmem:s0+$0x280] =	vst v14  }
0x1ac: {  	[tilespmem:s10+$0x280] =	vst v6  }
0x1ad: {  	s23 =	sadd.s32 $0x2, s23;
	s25 =	rddreg [dreg:$0xb]  }
0x1ae: {  	s0 =	sand.u32 $0x7, s23;
	v6 =	vld.idx.msk [tilespmem:v8+s25+$0x0], $0xffff  }
0x1af: {  	s0 =	sshll.u32 s0, $0x4;
	v14 =	vld.idx.msk [tilespmem:v7+s25+$0x0], $0xffff  }
0x1b0: {  	s0 =	sadd.s32 s24, s0  }
0x1b1: {  	s0 =	sadd.s32 $0x10, s0  }
0x1b2: {  	s0 =	sor.u32 $0x300, s0  }
0x1b3: {  	[tilespmem:s0+$0x4080] =	vst v6  }
0x1b4: {  	[tilespmem:s4+$0x4080] =	vst v14  }
0x1b5: {  	s0 =	rddreg [dreg:$0xc]  }
0x1b6: {  	v6 =	vld.idx.msk [tilespmem:v8+s0+$0x0], $0xffff  }
0x1b7: {  	v14 =	vld.idx.msk [tilespmem:v7+s0+$0x0], $0xffff;
	_ =	sdelay $0x1  }
0x1b8: {  	s1 =	sor.u32 s20, s1  }
0x1b9: {  	s0 =	sor.u32 $0x380, s1  }
0x1ba: {  	[tilespmem:s0+$0x4080] =	vst v6  }
0x1bb: {  	[tilespmem:s16+$0x4080] =	vst v14  }
0x1bc: {  	s0 =	rddreg [dreg:$0xd]  }
0x1bd: {  	v6 =	vld.idx.msk [tilespmem:v8+s0+$0x0], $0xffff  }
0x1be: {  	v14 =	vld.idx.msk [tilespmem:v7+s0+$0x0], $0xffff;
	_ =	sdelay $0x1  }
0x1bf: {  	s3 =	sor.u32 $0x5080, s29  }
0x1c0: {  	s4 =	sor.u32 s18, s3  }
0x1c1: {  	s0 =	sor.u32 s22, s3;
	[tilespmem:s4+$0x0] =	vst v6  }
0x1c2: {  	[tilespmem:s0+$0x0] =	vst v14  }
0x1c3: {  	s0 =	rddreg [dreg:$0xe]  }
0x1c4: {  	v6 =	vld.idx.msk [tilespmem:v10+s0+$0x0], $0xffff  }
0x1c5: {  	v10 =	vld.idx.msk [tilespmem:v7+s0+$0x0], $0xffff;
	_ =	sdelay $0x1  }
0x1c6: {  	s6 =	sor.u32 $0x5100, s29  }
0x1c7: {  	s7 =	sor.u32 s18, s6  }
0x1c8: {  	s0 =	sor.u32 s22, s6;
	[tilespmem:s7+$0x0] =	vst v6  }
0x1c9: {  	[tilespmem:s0+$0x0] =	vst v10  }
0x1ca: {  	s0 =	rddreg [dreg:$0xf]  }
0x1cb: {  	v6 =	vld.idx.msk [tilespmem:v8+s0+$0x0], $0xffff  }
0x1cc: {  	v10 =	vld.idx.msk [tilespmem:v7+s0+$0x0], $0xffff;
	_ =	sdelay $0x1  }
0x1cd: {  	s8 =	sor.u32 $0x5180, s29  }
0x1ce: {  	s9 =	sor.u32 s18, s8  }
0x1cf: {  	s0 =	sor.u32 s22, s8;
	[tilespmem:s9+$0x0] =	vst v6  }
0x1d0: {  	[tilespmem:s0+$0x0] =	vst v10  }
0x1d1: {  	s0 =	rddreg [dreg:$0x10]  }
0x1d2: {  	v6 =	vld.idx.msk [tilespmem:v8+s0+$0x0], $0xffff  }
0x1d3: {  	s11 =	rddreg [dreg:$0x11];
	v10 =	vld.idx.msk [tilespmem:v7+s0+$0x0], $0xffff  }
0x1d4: {  	v14 =	vld.idx.msk [tilespmem:v4+s11+$0x0], $0xffff  }
0x1d5: {  	s10 =	sor.u32 $0x5200, s29  }
0x1d6: {  	s12 =	sor.u32 s18, s10;
	[tilespmem:s2+$0x0] =	vst v15  }
0x1d7: {  	s16 =	sor.u32 $0x5280, s5;
	s0 =	sor.u32 s22, s10;
	[tilespmem:s12+$0x0] =	vst v6  }
0x1d8: {  	s19 =	sor.u32 s28, s16;
	v15 =	vld.idx.msk [tilespmem:v3+s11+$0x0], $0xffff;
	[tilespmem:s0+$0x0] =	vst v10  }
0x1d9: {  	[tilespmem:s19+$0x0] =	vst v14;
	v6 =	vld.idx.msk [tilespmem:v8+s11+$0x0], $0xffff  }
0x1da: {  	v10 =	vld.idx.msk [tilespmem:v7+s11+$0x0], $0xffff;
	s2 =	rddreg [dreg:$0x13]  }
0x1db: {  	v14 =	vld.idx.msk [tilespmem:v4+s2+$0x0], $0xffff  }
0x1dc: {  	s20 =	sor.u32 $0x5280, s29;
	s0 =	sor.u32 s17, s16  }
0x1dd: {  	s23 =	sor.u32 s18, s20;
	[tilespmem:s0+$0x0] =	vst v15  }
0x1de: {  	s24 =	sor.u32 $0x5300, s5;
	s1 =	sor.u32 s22, s20;
	[tilespmem:s23+$0x0] =	vst v6  }
0x1df: {  	s25 =	sor.u32 s28, s24;
	v15 =	vld.idx.msk [tilespmem:v3+s2+$0x0], $0xffff;
	[tilespmem:s1+$0x0] =	vst v10  }
0x1e0: {  	v6 =	vld.idx.msk [tilespmem:v8+s2+$0x0], $0xffff;
	[tilespmem:s25+$0x0] =	vst v14  }
0x1e1: {  	v10 =	vld.idx.msk [tilespmem:v7+s2+$0x0], $0xffff;
	s3 =	rddreg [dreg:$0x16]  }
0x1e2: {  	v14 =	vld.idx.msk [tilespmem:v4+s3+$0x0], $0xffff  }
0x1e3: {  	s0 =	sor.u32 s17, s24;
	s2 =	sor.u32 $0x5300, s29  }
0x1e4: {  	[tilespmem:s0+$0x0] =	vst v15;
	s4 =	sor.u32 s18, s2  }
0x1e5: {  	s6 =	sor.u32 $0x5380, s5;
	s1 =	sor.u32 s22, s2;
	[tilespmem:s4+$0x0] =	vst v6  }
0x1e6: {  	s7 =	sor.u32 s28, s6;
	v15 =	vld.idx.msk [tilespmem:v3+s3+$0x0], $0xffff;
	[tilespmem:s1+$0x0] =	vst v10  }
0x1e7: {  	v6 =	vld.idx.msk [tilespmem:v8+s3+$0x0], $0xffff;
	[tilespmem:s7+$0x0] =	vst v14  }
0x1e8: {  	v10 =	vld.idx.msk [tilespmem:v7+s3+$0x0], $0xffff;
	s9 =	rddreg [dreg:$0x19]  }
0x1e9: {  	v14 =	vld.idx.msk [tilespmem:v4+s9+$0x0], $0xffff  }
0x1ea: {  	s8 =	sor.u32 $0x5380, s29;
	s0 =	sor.u32 s17, s6  }
0x1eb: {  	s10 =	sor.u32 s18, s8;
	[tilespmem:s0+$0x0] =	vst v15  }
0x1ec: {  	s12 =	sadd.s32 $0x5400, s5;
	s11 =	sor.u32 s22, s8;
	[tilespmem:s10+$0x0] =	vst v6  }
0x1ed: {  	s16 =	sor.u32 s28, s12;
	v15 =	vld.idx.msk [tilespmem:v3+s9+$0x0], $0xffff;
	[tilespmem:s11+$0x0] =	vst v10  }
0x1ee: {  	v6 =	vld.idx.msk [tilespmem:v8+s9+$0x0], $0xffff;
	[tilespmem:s16+$0x0] =	vst v14  }
0x1ef: {  	v10 =	vld.idx.msk [tilespmem:v7+s9+$0x0], $0xffff;
	s20 =	rddreg [dreg:$0x1b]  }
0x1f0: {  	v9 =	vld.idx.msk [tilespmem:v9+s20+$0x0], $0xffff  }
0x1f1: {  	s19 =	sadd.s32 $0x5400, s29;
	s0 =	sor.u32 s17, s12  }
0x1f2: {  	s23 =	sor.u32 s18, s19;
	[tilespmem:s0+$0x0] =	vst v15  }
0x1f3: {  	s24 =	sor.u32 $0x6080, s5;
	s1 =	sor.u32 s22, s19;
	[tilespmem:s23+$0x0] =	vst v6  }
0x1f4: {  	s25 =	sor.u32 s28, s24;
	v14 =	vld.idx.msk [tilespmem:v3+s20+$0x0], $0xffff;
	[tilespmem:s1+$0x0] =	vst v10  }
0x1f5: {  	v5 =	vld.idx.msk [tilespmem:v5+s20+$0x0], $0xffff;
	[tilespmem:s25+$0x0] =	vst v9  }
0x1f6: {  	v6 =	vld.idx.msk [tilespmem:v7+s20+$0x0], $0xffff;
	s3 =	rddreg [dreg:$0x1d]  }
0x1f7: {  	v9 =	vld.idx.msk [tilespmem:v4+s3+$0x0], $0xffff  }
0x1f8: {  	s2 =	sor.u32 $0x6080, s29;
	s0 =	sor.u32 s17, s24  }
0x1f9: {  	s4 =	sor.u32 s18, s2;
	[tilespmem:s0+$0x0] =	vst v14  }
0x1fa: {  	s6 =	sor.u32 $0x6100, s5;
	s1 =	sor.u32 s22, s2;
	v10 =	vld.idx.msk [tilespmem:v3+s3+$0x0], $0xffff;
	[tilespmem:s4+$0x0] =	vst v5  }
0x1fb: {  	s7 =	sor.u32 s28, s6;
	[tilespmem:s1+$0x0] =	vst v6;
	v5 =	vld.idx.msk [tilespmem:v8+s3+$0x0], $0xffff  }
0x1fc: {  	v6 =	vld.idx.msk [tilespmem:v7+s3+$0x0], $0xffff;
	[tilespmem:s7+$0x0] =	vst v9  }
0x1fd: {  	s9 =	sld [smem:$0x7E5]  }
0x1fe: {  	s8 =	sor.u32 $0x6100, s29;
	s0 =	sor.u32 s17, s6  }
0x1ff: {  	s10 =	sor.u32 s18, s8;
	[tilespmem:s0+$0x0] =	vst v10  }
0x200: {  	s1 =	sor.u32 s22, s8;
	[tilespmem:s10+$0x0] =	vst v5;
	v9 =	vld.idx.msk [tilespmem:v4+s9+$0x0], $0xffff  }
0x201: {  	[tilespmem:s1+$0x0] =	vst v6;
	v10 =	vld.idx.msk [tilespmem:v3+s9+$0x0], $0xffff  }
0x202: {  	[tilespmem:s21+$0x0] =	vst v12;
	s21 =	sor.u32 $0x6200, s15;
	v5 =	vld.idx.msk [tilespmem:v8+s9+$0x0], $0xffff  }
0x203: {  	s11 =	sor.u32 $0x6180, s5;
	[tilespmem:s26+$0x0] =	vst v13;
	s23 =	sor.u32 s13, s21;
	v6 =	vld.idx.msk [tilespmem:v7+s9+$0x0], $0xffff  }
0x204: {  	s12 =	sor.u32 s28, s11;
	s16 =	rddreg [dreg:$0x1f];
	[tilespmem:s23+$0x0] =	vst v11  }
0x205: {  	s19 =	sor.u32 $0x6180, s29;
	s0 =	sor.u32 s17, s11;
	v12 =	vld.idx.msk [tilespmem:v2+s16+$0x0], $0xffff;
	[tilespmem:s12+$0x0] =	vst v9  }
0x206: {  	s20 =	sor.u32 s18, s19;
	[tilespmem:s0+$0x0] =	vst v10;
	v9 =	vld.idx.msk [tilespmem:v4+s16+$0x0], $0xffff  }
0x207: {  	s1 =	sor.u32 s22, s19;
	[tilespmem:s20+$0x0] =	vst v5;
	v10 =	vld.idx.msk [tilespmem:v3+s16+$0x0], $0xffff  }
0x208: {  	[tilespmem:s1+$0x0] =	vst v6;
	v5 =	vld.idx.msk [tilespmem:v8+s16+$0x0], $0xffff  }
0x209: {  	s25 =	sor.u32 $0x6200, s5;
	s24 =	sor.u32 s14, s21;
	v6 =	vld.idx.msk [tilespmem:v7+s16+$0x0], $0xffff;
	s26 =	rddreg [dreg:$0x1e]  }
0x20a: {  	s2 =	sor.u32 s28, s25;
	[tilespmem:s24+$0x0] =	vst v12;
	v11 =	vld.idx.msk [tilespmem:v1+s26+$0x0], $0xffff  }
0x20b: {  	s6 =	sor.u32 $0x6200, s29;
	s4 =	sor.u32 s17, s25;
	[tilespmem:s2+$0x0] =	vst v9  }
0x20c: {  	s7 =	sor.u32 s18, s6;
	[tilespmem:s4+$0x0] =	vst v10  }
0x20d: {  	s8 =	sor.u32 $0x6280, s15;
	s9 =	sor.u32 s22, s6;
	[tilespmem:s7+$0x0] =	vst v5  }
0x20e: {  	s10 =	sor.u32 s13, s8;
	v12 =	vld.idx.msk [tilespmem:v2+s26+$0x0], $0xffff;
	[tilespmem:s9+$0x0] =	vst v6  }
0x20f: {  	v9 =	vld.idx.msk [tilespmem:v4+s26+$0x0], $0xffff;
	[tilespmem:s10+$0x0] =	vst v11  }
0x210: {  	v10 =	vld.idx.msk [tilespmem:v3+s26+$0x0], $0xffff;
	s16 =	sld [smem:$0x7E3]  }
0x211: {  	v5 =	vld.idx.msk [tilespmem:v8+s26+$0x0], $0xffff  }
0x212: {  	s11 =	sor.u32 s14, s8;
	s12 =	sor.u32 $0x6280, s5;
	v6 =	vld.idx.msk [tilespmem:v7+s26+$0x0], $0xffff  }
0x213: {  	s19 =	sor.u32 s28, s12;
	[tilespmem:s11+$0x0] =	vst v12;
	v11 =	vld.idx.msk [tilespmem:v1+s16+$0x0], $0xffff  }
0x214: {  	s21 =	sor.u32 $0x6280, s29;
	s20 =	sor.u32 s17, s12;
	[tilespmem:s19+$0x0] =	vst v9  }
0x215: {  	s23 =	sor.u32 s18, s21;
	[tilespmem:s20+$0x0] =	vst v10  }
0x216: {  	s25 =	sor.u32 s22, s21;
	s24 =	sor.u32 $0x6300, s15;
	[tilespmem:s23+$0x0] =	vst v5  }
0x217: {  	s26 =	sor.u32 s13, s24;
	v12 =	vld.idx.msk [tilespmem:v2+s16+$0x0], $0xffff;
	[tilespmem:s25+$0x0] =	vst v6  }
0x218: {  	v9 =	vld.idx.msk [tilespmem:v4+s16+$0x0], $0xffff;
	[tilespmem:s26+$0x0] =	vst v11  }
0x219: {  	v10 =	vld.idx.msk [tilespmem:v3+s16+$0x0], $0xffff;
	s6 =	sld [smem:$0x7E4]  }
0x21a: {  	v5 =	vld.idx.msk [tilespmem:v8+s16+$0x0], $0xffff  }
0x21b: {  	s2 =	sor.u32 s14, s24;
	s4 =	sor.u32 $0x6300, s5;
	v6 =	vld.idx.msk [tilespmem:v7+s16+$0x0], $0xffff  }
0x21c: {  	s7 =	sor.u32 s28, s4;
	[tilespmem:s2+$0x0] =	vst v12;
	v11 =	vld.idx.msk [tilespmem:v1+s6+$0x0], $0xffff  }
0x21d: {  	s9 =	sor.u32 $0x6300, s29;
	s8 =	sor.u32 s17, s4;
	[tilespmem:s7+$0x0] =	vst v9  }
0x21e: {  	s10 =	sor.u32 s18, s9;
	[tilespmem:s8+$0x0] =	vst v10  }
0x21f: {  	s12 =	sor.u32 s22, s9;
	s11 =	sor.u32 $0x6380, s15;
	[tilespmem:s10+$0x0] =	vst v5  }
0x220: {  	s16 =	sor.u32 s13, s11;
	[tilespmem:s12+$0x0] =	vst v6;
	v12 =	vld.idx.msk [tilespmem:v2+s6+$0x0], $0xffff  }
0x221: {  	v9 =	vld.idx.msk [tilespmem:v4+s6+$0x0], $0xffff;
	[tilespmem:s16+$0x0] =	vst v11  }
0x222: {  	v10 =	vld.idx.msk [tilespmem:v3+s6+$0x0], $0xffff;
	s21 =	sld [smem:$0x7E7]  }
0x223: {  	v5 =	vld.idx.msk [tilespmem:v8+s6+$0x0], $0xffff  }
0x224: {  	s19 =	sor.u32 s14, s11;
	s20 =	sor.u32 $0x6380, s5;
	v6 =	vld.idx.msk [tilespmem:v7+s6+$0x0], $0xffff  }
0x225: {  	s23 =	sor.u32 s28, s20;
	[tilespmem:s19+$0x0] =	vst v12;
	v1 =	vld.idx.msk [tilespmem:v1+s21+$0x0], $0xffff  }
0x226: {  	s24 =	sor.u32 $0x6380, s29;
	s1 =	sor.u32 s17, s20;
	[tilespmem:s23+$0x0] =	vst v9;
	v2 =	vld.idx.msk [tilespmem:v2+s21+$0x0], $0xffff  }
0x227: {  	s25 =	sor.u32 s18, s24;
	[tilespmem:s1+$0x0] =	vst v10;
	v4 =	vld.idx.msk [tilespmem:v4+s21+$0x0], $0xffff  }
0x228: {  	s0 =	sor.u32 s22, s24;
	s26 =	sadd.s32 $0x6400, s15;
	[tilespmem:s25+$0x0] =	vst v5;
	v3 =	vld.idx.msk [tilespmem:v3+s21+$0x0], $0xffff  }
0x229: {  	s4 =	sor.u32 s13, s26;
	[tilespmem:s0+$0x0] =	vst v6  }
0x22a: {  	s7 =	sadd.s32 $0x6400, s5;
	s6 =	sor.u32 s14, s26;
	[tilespmem:s4+$0x0] =	vst v1  }
0x22b: {  	s8 =	sor.u32 s28, s7;
	v5 =	vld.idx.msk [tilespmem:v8+s21+$0x0], $0xffff;
	[tilespmem:s6+$0x0] =	vst v2  }
0x22c: {  	s1 =	sor.u32 s17, s7;
	v1 =	vld.idx.msk [tilespmem:v7+s21+$0x0], $0xffff;
	s9 =	sld [smem:$0x7E8];
	[tilespmem:s8+$0x0] =	vst v4  }
0x22d: {  	[tilespmem:s1+$0x0] =	vst v3  }
0x22e: {  	s10 =	sadd.s32 $0x6400, s29;
	s12 =	sld [smem:$0x7FA]  }
0x22f: {  	s11 =	sor.u32 s18, s10;
	s2 =	smul.u32 $0xC0000, s9  }
0x230: {  	s0 =	sor.u32 s22, s10;
	[tilespmem:s11+$0x0] =	vst v5  }
0x231: {  	s14 =	rddreg [dreg:$0x2];
	[tilespmem:s0+$0x0] =	vst v1;
	s3 =	sor.u32 s12, s2  }
0x232: {  	s16 =	simm.s32 $0x0;
	s18 =	sld [smem:$0x7F9];
	s13 =	sshrl.u32 s3, $0x3  }
0x233: {  	s17 =	simm.s32 $0x4080;
	s19 =	sld [smem:$0x7FC];
	s15 =	sadd.s32 s14, s13  }
0x234: {  	[hbm4b:s15+s16] =	stream.linear.scatter [tilespmem:s17], [sflag:$0x1], $0x1000, $0x38;
	[tilespmem:$0xA080] =	vst v63  }
0x235: {  	s0 =	sadd.s32 s18, s2  }
0x236: {  	s20 =	simm.s32 $0x5080;
	s1 =	sadd.s32 s13, s19;
	s0 =	sshrl.u32 s0, $0x3  }
0x237: {  	[hbm4b:s1+s16] =	stream.linear.scatter [tilespmem:s20], [sflag:$0x1], $0x1000, $0x38;
	[tilespmem:$0xA080] =	vst v63  }
0x238: {  	s21 =	simm.s32 $0x6080;
	s0 =	sadd.s32 s14, s0  }
0x239: {  	[hbm4b:s0+s16] =	stream.linear.scatter [tilespmem:s21], [sflag:$0x1], $0x1000, $0x38;
	[tilespmem:$0xA080] =	vst v63  }
0x23a: {  	s0 =	simm.s32 @!p0 $0x2  }
0x23b: {  	_ =	swait.ge @!p0 [sflag:s0], $0x1000  }
0x23c: {  	[sflag:s0] =	ssyncset.done @!p0 $0x0  }
0x23d: {  	[sflag:s0] =	ssyncadd.s32 @!p0 $0xFFFFF000  }
0x23e: {  	_ =	swait.ge @!p0 [sflag:s0], $0x1000  }
0x23f: {  	s22 =	sld [smem:$0x7E9];
	_ =	sdelay $0x2  }
0x240: {  	s23 =	sor.u32 $0x1, s22  }
0x241: {  	[sflag:s0] =	ssyncset.done @!p0 $0x0;
	s1 =	sshll.u32 s23, $0x9  }
0x242: {  	[sflag:s0] =	ssyncadd.s32 @!p0 $0xFFFFF000;
	s1 =	sand.u32 $0x3FFFFE00, s1  }
0x243: {  	s24 =	simm.s32 $0x0;
	_ =	swait.ge @!p0 [sflag:s0], $0x1000;
	[dreg:$0x5] =	wrdreg s1  }
0x244: {  	s25 =	sand.u32 $0x180, s24;
	s20 =	sand.u32 $0x60, s24;
	s1 =	rddreg [dreg:$0x5]  }
0x245: {  	s12 =	sor.u32 $0x10, s20;
	[sflag:s0] =	ssyncset.done @!p0 $0x0;
	s1 =	sadd.s32 s25, s1  }
0x246: {  	[sflag:s0] =	ssyncadd.s32 @!p0 $0xFFFFF000;
	s26 =	sadd.s32 s12, s1  }
0x247: {  	v7 =	vld [tilespmem:s26+$0x0];
	_ =	sdelay $0x1  }
0x248: {  	s3 =	sadd.s32 s20, s1;
	[smem:$0x7D4] =	sst s23  }
0x249: {  	v6 =	vld [tilespmem:s3+$0x0]  }
0x24a: {  	s5 =	smul.u32 $0xC00, s23;
	_ =	sdelay $0x1  }
0x24b: {  	s31 =	sshra.s32 s5, $0x2  }
0x24c: {  	s13 =	sadd.s32 $0x1C80, s31  }
0x24d: {  	v1 =	vld.idx.msk [tilespmem:v7+s13+$0x0], $0xffff;
	_ =	sdelay $0x1  }
0x24e: {  	s19 =	sand.u32 $0xC00, s24  }
0x24f: {  	s6 =	sor.u32 $0x7080, s19;
	v2 =	vld.idx.msk [tilespmem:v6+s13+$0x0], $0xffff  }
0x250: {  	s7 =	sor.u32 s12, s6  }
0x251: {  	s24 =	sadd.s32 $0x1CA0, s31;
	[tilespmem:s7+$0x0] =	vst v1  }
0x252: {  	v1 =	vld.idx.msk [tilespmem:v7+s24+$0x0], $0xffff  }
0x253: {  	s9 =	sor.u32 s20, s6  }
0x254: {  	[tilespmem:s9+$0x0] =	vst v2  }
0x255: {  	v2 =	vld.idx.msk [tilespmem:v6+s24+$0x0], $0xffff;
	_ =	sdelay $0x1  }
0x256: {  	s21 =	sadd.s32 $0x1CC0, s31;
	[tilespmem:s7+$0x80] =	vst v1  }
0x257: {  	v1 =	vld.idx.msk [tilespmem:v7+s21+$0x0], $0xffff;
	_ =	sdelay $0x1  }
0x258: {  	[tilespmem:s9+$0x80] =	vst v2  }
0x259: {  	v2 =	vld.idx.msk [tilespmem:v6+s21+$0x0], $0xffff;
	_ =	sdelay $0x1  }
0x25a: {  	s8 =	sadd.s32 $0x1CE0, s31;
	[tilespmem:s7+$0x100] =	vst v1  }
0x25b: {  	v1 =	vld.idx.msk [tilespmem:v7+s8+$0x0], $0xffff;
	_ =	sdelay $0x1  }
0x25c: {  	[tilespmem:s9+$0x100] =	vst v2  }
0x25d: {  	v2 =	vld.idx.msk [tilespmem:v6+s8+$0x0], $0xffff;
	_ =	sdelay $0x1  }
0x25e: {  	s5 =	sadd.s32 $0x1D00, s31;
	[tilespmem:s7+$0x180] =	vst v1  }
0x25f: {  	v1 =	vld.idx.msk [tilespmem:v7+s5+$0x0], $0xffff;
	_ =	sdelay $0x1  }
0x260: {  	[tilespmem:s9+$0x180] =	vst v2  }
0x261: {  	s17 =	simm.s32 $0x20;
	v2 =	vld.idx.msk [tilespmem:v6+s5+$0x0], $0xffff  }
0x262: {  	s18 =	sand.u32 $0x180, s17  }
0x263: {  	s14 =	sand.u32 $0x60, s17;
	s10 =	sadd.s32 $0x1D20, s31;
	s16 =	rddreg [dreg:$0x5];
	[tilespmem:s7+$0x200] =	vst v1  }
0x264: {  	s15 =	sor.u32 $0x10, s14;
	s0 =	sadd.s32 s18, s16;
	v3 =	vld.idx.msk [tilespmem:v7+s10+$0x0], $0xffff  }
0x265: {  	s22 =	sadd.s32 s15, s0  }
0x266: {  	v1 =	vld [tilespmem:s22+$0x0];
	[tilespmem:s9+$0x200] =	vst v2  }
0x267: {  	v4 =	vld.idx.msk [tilespmem:v6+s10+$0x0], $0xffff  }
0x268: {  	s0 =	sadd.s32 s14, s0  }
0x269: {  	s23 =	sadd.s32 $0x1D40, s31;
	v2 =	vld [tilespmem:s0+$0x0];
	[tilespmem:s7+$0x280] =	vst v3  }
0x26a: {  	v3 =	vld.idx.msk [tilespmem:v7+s23+$0x0], $0xffff;
	_ =	sdelay $0x1  }
0x26b: {  	[tilespmem:s9+$0x280] =	vst v4  }
0x26c: {  	v4 =	vld.idx.msk [tilespmem:v6+s23+$0x0], $0xffff;
	_ =	sdelay $0x1  }
0x26d: {  	s11 =	sadd.s32 $0x1D60, s31;
	v5 =	vld.idx.msk [tilespmem:v1+s13+$0x0], $0xffff;
	[tilespmem:s7+$0x300] =	vst v3  }
0x26e: {  	s25 =	simm.s32 $0x100;
	v3 =	vld.idx.msk [tilespmem:v7+s11+$0x0], $0xffff  }
0x26f: {  	s16 =	sand.u32 $0xC00, s25  }
0x270: {  	s0 =	sor.u32 $0x7080, s16;
	[tilespmem:s9+$0x300] =	vst v4;
	v4 =	vld.idx.msk [tilespmem:v2+s13+$0x0], $0xffff  }
0x271: {  	s1 =	sor.u32 s15, s0;
	v8 =	vld.idx.msk [tilespmem:v6+s11+$0x0], $0xffff  }
0x272: {  	[tilespmem:s1+$0x0] =	vst v5  }
0x273: {  	s25 =	sadd.s32 $0x1D80, s31;
	v5 =	vld.idx.msk [tilespmem:v1+s24+$0x0], $0xffff;
	[tilespmem:s7+$0x380] =	vst v3  }
0x274: {  	s0 =	sor.u32 s14, s0;
	v3 =	vld.idx.msk [tilespmem:v7+s25+$0x0], $0xffff  }
0x275: {  	[tilespmem:s0+$0x0] =	vst v4  }
0x276: {  	v4 =	vld.idx.msk [tilespmem:v2+s24+$0x0], $0xffff;
	[tilespmem:s9+$0x380] =	vst v8  }
0x277: {  	s26 =	sor.u32 $0x8080, s19;
	v8 =	vld.idx.msk [tilespmem:v6+s25+$0x0], $0xffff  }
0x278: {  	s4 =	sor.u32 s12, s26;
	[tilespmem:s1+$0x80] =	vst v5  }
0x279: {  	s7 =	sadd.s32 $0x1DA0, s31;
	v5 =	vld.idx.msk [tilespmem:v1+s21+$0x0], $0xffff;
	[tilespmem:s4+$0x0] =	vst v3  }
0x27a: {  	v3 =	vld.idx.msk [tilespmem:v7+s7+$0x0], $0xffff  }
0x27b: {  	s2 =	sor.u32 s20, s26;
	[tilespmem:s0+$0x80] =	vst v4  }
0x27c: {  	s17 =	sadd.s32 $0x1DC0, s31;
	[tilespmem:s2+$0x0] =	vst v8  }
0x27d: {  	s6 =	sor.u32 $0x8100, s19;
	v4 =	vld.idx.msk [tilespmem:v2+s21+$0x0], $0xffff;
	[smem:$0x7DC] =	sst s17  }
0x27e: {  	s9 =	sor.u32 s12, s6;
	v8 =	vld.idx.msk [tilespmem:v6+s7+$0x0], $0xffff;
	[tilespmem:s1+$0x100] =	vst v5  }
0x27f: {  	v5 =	vld.idx.msk [tilespmem:v1+s8+$0x0], $0xffff;
	[tilespmem:s9+$0x0] =	vst v3  }
0x280: {  	v3 =	vld.idx.msk [tilespmem:v7+s17+$0x0], $0xffff;
	_ =	sdelay $0x1  }
0x281: {  	s18 =	sor.u32 s20, s6;
	[tilespmem:s0+$0x100] =	vst v4  }
0x282: {  	s22 =	sor.u32 $0x8180, s19;
	[tilespmem:s18+$0x0] =	vst v8  }
0x283: {  	s26 =	sor.u32 s12, s22;
	v4 =	vld.idx.msk [tilespmem:v2+s8+$0x0], $0xffff;
	[tilespmem:s1+$0x180] =	vst v5  }
0x284: {  	s30 =	sadd.s32 $0x1DE0, s31;
	v8 =	vld.idx.msk [tilespmem:v6+s17+$0x0], $0xffff;
	[tilespmem:s26+$0x0] =	vst v3  }
0x285: {  	v3 =	vld.idx.msk [tilespmem:v7+s30+$0x0], $0xffff;
	[smem:$0x7DF] =	sst s5  }
0x286: {  	v5 =	vld.idx.msk [tilespmem:v1+s5+$0x0], $0xffff;
	_ =	sdelay $0x1  }
0x287: {  	s6 =	sor.u32 $0x8200, s19;
	s4 =	sor.u32 s20, s22;
	[tilespmem:s0+$0x180] =	vst v4  }
0x288: {  	s9 =	rddreg [dreg:$0x5];
	s18 =	simm.s32 $0x40;
	s17 =	sor.u32 s12, s6;
	[tilespmem:s4+$0x0] =	vst v8;
	v9 =	vld.idx.msk [tilespmem:v2+s5+$0x0], $0xffff  }
0x289: {  	s22 =	sand.u32 $0x180, s18;
	s26 =	sadd.s32 $0x1E00, s31;
	v8 =	vld.idx.msk [tilespmem:v6+s30+$0x0], $0xffff;
	[tilespmem:s17+$0x0] =	vst v3;
	s17 =	sand.u32 $0x60, s18  }
0x28a: {  	s2 =	sadd.s32 s22, s9;
	[tilespmem:s1+$0x200] =	vst v5;
	v5 =	vld.idx.msk [tilespmem:v7+s26+$0x0], $0xffff;
	s5 =	sor.u32 $0x10, s17  }
0x28b: {  	v10 =	vld.idx.msk [tilespmem:v1+s10+$0x0], $0xffff;
	s4 =	sadd.s32 s5, s2  }
0x28c: {  	s2 =	sadd.s32 s17, s2;
	v4 =	vld [tilespmem:s4+$0x0]  }
0x28d: {  	s9 =	sor.u32 $0x8280, s19;
	[tilespmem:s0+$0x200] =	vst v9;
	v3 =	vld [tilespmem:s2+$0x0];
	s4 =	sor.u32 s20, s6  }
0x28e: {  	s18 =	sor.u32 s12, s9;
	v9 =	vld.idx.msk [tilespmem:v2+s10+$0x0], $0xffff;
	[tilespmem:s4+$0x0] =	vst v8  }
0x28f: {  	s28 =	sadd.s32 $0x1E20, s31;
	s4 =	simm.s32 $0x60;
	v11 =	vld.idx.msk [tilespmem:v6+s26+$0x0], $0xffff;
	[tilespmem:s18+$0x0] =	vst v5  }
0x290: {  	s6 =	rddreg [dreg:$0x5];
	s22 =	sand.u32 $0x180, s4;
	s18 =	sand.u32 $0x60, s4;
	[tilespmem:s1+$0x280] =	vst v10;
	v10 =	vld.idx.msk [tilespmem:v7+s28+$0x0], $0xffff  }
0x291: {  	s2 =	sadd.s32 s22, s6;
	s22 =	sor.u32 $0x10, s18;
	v12 =	vld.idx.msk [tilespmem:v1+s23+$0x0], $0xffff  }
0x292: {  	s6 =	sadd.s32 s22, s2  }
0x293: {  	s3 =	sor.u32 s20, s9;
	s2 =	sadd.s32 s18, s2;
	[tilespmem:s0+$0x280] =	vst v9;
	v5 =	vld [tilespmem:s6+$0x0];
	s6 =	sor.u32 $0x8300, s19  }
0x294: {  	v8 =	vld [tilespmem:s2+$0x0];
	[tilespmem:s3+$0x0] =	vst v11;
	s9 =	sor.u32 s12, s6  }
0x295: {  	v9 =	vld.idx.msk [tilespmem:v2+s23+$0x0], $0xffff;
	[tilespmem:s9+$0x0] =	vst v10  }
0x296: {  	v10 =	vld.idx.msk [tilespmem:v6+s28+$0x0], $0xffff;
	s9 =	sadd.s32 $0x1E40, s31;
	[tilespmem:s1+$0x300] =	vst v12  }
0x297: {  	v11 =	vld.idx.msk [tilespmem:v7+s9+$0x0], $0xffff;
	[dreg:$0x1c] =	wrdreg s11  }
0x298: {  	v12 =	vld.idx.msk [tilespmem:v1+s11+$0x0], $0xffff  }
0x299: {  	v13 =	vld.idx.msk [tilespmem:v4+s13+$0x0], $0xffff  }
0x29a: {  	s2 =	sor.u32 s20, s6;
	s3 =	simm.s32 $0x200;
	s6 =	sor.u32 $0x8380, s19;
	[tilespmem:s0+$0x300] =	vst v9  }
0x29b: {  	s29 =	sand.u32 $0xC00, s3;
	s3 =	sor.u32 s12, s6;
	[tilespmem:s2+$0x0] =	vst v10  }
0x29c: {  	v9 =	vld.idx.msk [tilespmem:v3+s13+$0x0], $0xffff;
	s2 =	sor.u32 $0x7080, s29;
	[tilespmem:s3+$0x0] =	vst v11  }
0x29d: {  	v10 =	vld.idx.msk [tilespmem:v2+s11+$0x0], $0xffff;
	s3 =	sor.u32 s5, s2;
	[tilespmem:s1+$0x380] =	vst v12  }
0x29e: {  	s11 =	sadd.s32 $0x1E60, s31;
	v11 =	vld.idx.msk [tilespmem:v6+s9+$0x0], $0xffff;
	[tilespmem:s3+$0x0] =	vst v13  }
0x29f: {  	v12 =	vld.idx.msk [tilespmem:v7+s11+$0x0], $0xffff;
	[smem:$0x7D8] =	sst s25  }
0x2a0: {  	s2 =	sor.u32 s17, s2;
	v13 =	vld.idx.msk [tilespmem:v1+s25+$0x0], $0xffff  }
0x2a1: {  	[tilespmem:s2+$0x0] =	vst v9;
	v9 =	vld.idx.msk [tilespmem:v4+s24+$0x0], $0xffff  }
0x2a2: {  	s6 =	sor.u32 s20, s6;
	s1 =	sadd.s32 $0x8400, s19;
	[tilespmem:s0+$0x380] =	vst v10;
	v10 =	vld.idx.msk [tilespmem:v3+s24+$0x0], $0xffff  }
0x2a3: {  	s0 =	sor.u32 $0x8080, s16;
	[tilespmem:s6+$0x0] =	vst v11;
	v11 =	vld.idx.msk [tilespmem:v2+s25+$0x0], $0xffff;
	s25 =	sor.u32 s12, s1  }
0x2a4: {  	s6 =	sor.u32 s15, s0;
	[tilespmem:s25+$0x0] =	vst v12  }
0x2a5: {  	[tilespmem:s6+$0x0] =	vst v13  }
0x2a6: {  	v12 =	vld.idx.msk [tilespmem:v6+s11+$0x0], $0xffff;
	s25 =	sadd.s32 $0x1E80, s31;
	[tilespmem:s3+$0x80] =	vst v9  }
0x2a7: {  	v13 =	vld.idx.msk [tilespmem:v7+s25+$0x0], $0xffff;
	[smem:$0x7DA] =	sst s7  }
0x2a8: {  	[tilespmem:s2+$0x80] =	vst v10  }
0x2a9: {  	v9 =	vld.idx.msk [tilespmem:v1+s7+$0x0], $0xffff;
	[dreg:$0x15] =	wrdreg s21  }
0x2aa: {  	s0 =	sor.u32 s14, s0;
	v10 =	vld.idx.msk [tilespmem:v4+s21+$0x0], $0xffff  }
0x2ab: {  	s6 =	sor.u32 s20, s1;
	s1 =	sor.u32 $0x9080, s19;
	[tilespmem:s0+$0x0] =	vst v11;
	v11 =	vld.idx.msk [tilespmem:v3+s21+$0x0], $0xffff  }
0x2ac: {  	[tilespmem:s6+$0x0] =	vst v12;
	s21 =	sor.u32 s12, s1;
	v12 =	vld.idx.msk [tilespmem:v2+s7+$0x0], $0xffff;
	s7 =	sor.u32 $0x8100, s16  }
0x2ad: {  	[tilespmem:s21+$0x0] =	vst v13;
	s0 =	sor.u32 s15, s7  }
0x2ae: {  	[tilespmem:s0+$0x0] =	vst v9  }
0x2af: {  	[tilespmem:s3+$0x100] =	vst v10  }
0x2b0: {  	s0 =	sld [smem:$0x7DC]  }
0x2b1: {  	v13 =	vld.idx.msk [tilespmem:v6+s25+$0x0], $0xffff;
	s21 =	sadd.s32 $0x1EA0, s31  }
0x2b2: {  	v9 =	vld.idx.msk [tilespmem:v7+s21+$0x0], $0xffff;
	[tilespmem:s2+$0x100] =	vst v11  }
0x2b3: {  	v10 =	vld.idx.msk [tilespmem:v1+s0+$0x0], $0xffff;
	[dreg:$0x17] =	wrdreg s8  }
0x2b4: {  	s7 =	sor.u32 s14, s7;
	v11 =	vld.idx.msk [tilespmem:v4+s8+$0x0], $0xffff  }
0x2b5: {  	s1 =	sor.u32 s20, s1;
	s6 =	sor.u32 $0x9100, s19;
	[tilespmem:s7+$0x0] =	vst v12;
	v12 =	vld.idx.msk [tilespmem:v3+s8+$0x0], $0xffff  }
0x2b6: {  	[tilespmem:s1+$0x0] =	vst v13;
	s7 =	sor.u32 s12, s6;
	v13 =	vld.idx.msk [tilespmem:v2+s0+$0x0], $0xffff;
	s0 =	sor.u32 $0x8180, s16  }
0x2b7: {  	[tilespmem:s7+$0x0] =	vst v9;
	s8 =	sor.u32 s15, s0  }
0x2b8: {  	[tilespmem:s8+$0x0] =	vst v10  }
0x2b9: {  	s1 =	sadd.s32 $0x1EC0, s31;
	v9 =	vld.idx.msk [tilespmem:v6+s21+$0x0], $0xffff;
	[tilespmem:s3+$0x180] =	vst v11  }
0x2ba: {  	v10 =	vld.idx.msk [tilespmem:v7+s1+$0x0], $0xffff;
	[smem:$0x7DE] =	sst s30  }
0x2bb: {  	[tilespmem:s2+$0x180] =	vst v12  }
0x2bc: {  	s0 =	sor.u32 s14, s0;
	s7 =	sld [smem:$0x7DF]  }
0x2bd: {  	s8 =	sor.u32 s20, s6;
	v11 =	vld.idx.msk [tilespmem:v1+s30+$0x0], $0xffff;
	[tilespmem:s0+$0x0] =	vst v13  }
0x2be: {  	[tilespmem:s8+$0x0] =	vst v9;
	v9 =	vld.idx.msk [tilespmem:v2+s30+$0x0], $0xffff  }
0x2bf: {  	s6 =	sor.u32 $0x9180, s19;
	v12 =	vld.idx.msk [tilespmem:v4+s7+$0x0], $0xffff  }
0x2c0: {  	s8 =	sor.u32 s12, s6;
	v13 =	vld.idx.msk [tilespmem:v3+s7+$0x0], $0xffff;
	s7 =	sor.u32 $0x8200, s16  }
0x2c1: {  	[tilespmem:s8+$0x0] =	vst v10;
	s8 =	sor.u32 s15, s7  }
0x2c2: {  	v10 =	vld.idx.msk [tilespmem:v6+s1+$0x0], $0xffff;
	s7 =	sor.u32 s14, s7;
	[tilespmem:s8+$0x0] =	vst v11  }
0x2c3: {  	s0 =	sadd.s32 $0x1EE0, s31;
	[tilespmem:s7+$0x0] =	vst v9  }
0x2c4: {  	v11 =	vld.idx.msk [tilespmem:v7+s0+$0x0], $0xffff;
	[tilespmem:s3+$0x200] =	vst v12  }
0x2c5: {  	v12 =	vld.idx.msk [tilespmem:v1+s26+$0x0], $0xffff;
	[tilespmem:s2+$0x200] =	vst v13  }
0x2c6: {  	s6 =	sor.u32 s20, s6;
	v13 =	vld.idx.msk [tilespmem:v4+s10+$0x0], $0xffff;
	[dreg:$0x18] =	wrdreg s10  }
0x2c7: {  	[tilespmem:s6+$0x0] =	vst v10  }
0x2c8: {  	s7 =	sor.u32 $0x9200, s19;
	v9 =	vld.idx.msk [tilespmem:v3+s10+$0x0], $0xffff;
	[smem:$0x7D5] =	sst s26  }
0x2c9: {  	s6 =	sor.u32 $0x8280, s16;
	s10 =	sor.u32 s12, s7;
	v10 =	vld.idx.msk [tilespmem:v2+s26+$0x0], $0xffff  }
0x2ca: {  	[tilespmem:s10+$0x0] =	vst v11;
	s26 =	sor.u32 s15, s6  }
0x2cb: {  	v11 =	vld.idx.msk [tilespmem:v6+s0+$0x0], $0xffff;
	[tilespmem:s26+$0x0] =	vst v12  }
0x2cc: {  	s30 =	sadd.s32 $0x1F00, s31;
	[tilespmem:s3+$0x280] =	vst v13  }
0x2cd: {  	s6 =	sor.u32 s14, s6;
	v12 =	vld.idx.msk [tilespmem:v7+s30+$0x0], $0xffff;
	[tilespmem:s2+$0x280] =	vst v9  }
0x2ce: {  	v13 =	vld.idx.msk [tilespmem:v1+s28+$0x0], $0xffff;
	[tilespmem:s6+$0x0] =	vst v10  }
0x2cf: {  	s10 =	sor.u32 s20, s7;
	v9 =	vld.idx.msk [tilespmem:v4+s23+$0x0], $0xffff;
	[dreg:$0x1a] =	wrdreg s23  }
0x2d0: {  	[tilespmem:s10+$0x0] =	vst v11  }
0x2d1: {  	s7 =	sor.u32 $0x9280, s19;
	v10 =	vld.idx.msk [tilespmem:v3+s23+$0x0], $0xffff;
	[smem:$0x7D6] =	sst s28  }
0x2d2: {  	s26 =	sor.u32 s12, s7;
	s23 =	sor.u32 $0x8300, s16;
	v11 =	vld.idx.msk [tilespmem:v2+s28+$0x0], $0xffff  }
0x2d3: {  	s10 =	sor.u32 s15, s23;
	[tilespmem:s26+$0x0] =	vst v12  }
0x2d4: {  	v12 =	vld.idx.msk [tilespmem:v6+s30+$0x0], $0xffff;
	s26 =	sadd.s32 $0x1F20, s31;
	[tilespmem:s10+$0x0] =	vst v13  }
0x2d5: {  	[tilespmem:s3+$0x300] =	vst v9;
	v13 =	vld.idx.msk [tilespmem:v7+s26+$0x0], $0xffff  }
0x2d6: {  	s6 =	sor.u32 s14, s23;
	v9 =	vld.idx.msk [tilespmem:v1+s9+$0x0], $0xffff;
	s8 =	rddreg [dreg:$0x1c];
	[tilespmem:s2+$0x300] =	vst v10  }
0x2d7: {  	v14 =	vld.idx.msk [tilespmem:v4+s8+$0x0], $0xffff;
	[tilespmem:s6+$0x0] =	vst v11  }
0x2d8: {  	s7 =	sor.u32 s20, s7;
	v11 =	vld.idx.msk [tilespmem:v5+s13+$0x0], $0xffff;
	s6 =	sor.u32 $0x9300, s19;
	[dreg:$0x12] =	wrdreg s13  }
0x2d9: {  	s23 =	sor.u32 s12, s6;
	[tilespmem:s7+$0x0] =	vst v12  }
0x2da: {  	v10 =	vld.idx.msk [tilespmem:v8+s13+$0x0], $0xffff;
	s7 =	simm.s32 $0x300;
	[tilespmem:s23+$0x0] =	vst v13  }
0x2db: {  	s10 =	sor.u32 $0x8380, s16;
	v12 =	vld.idx.msk [tilespmem:v3+s8+$0x0], $0xffff;
	[smem:$0x7D7] =	sst s9;
	s13 =	sand.u32 $0xC00, s7  }
0x2dc: {  	v13 =	vld.idx.msk [tilespmem:v2+s9+$0x0], $0xffff;
	s9 =	sor.u32 s15, s10;
	s23 =	sor.u32 $0x7080, s13;
	[tilespmem:s3+$0x380] =	vst v14  }
0x2dd: {  	[tilespmem:s9+$0x0] =	vst v9;
	s8 =	sor.u32 s22, s23  }
0x2de: {  	s28 =	sadd.s32 $0x1F40, s31;
	[tilespmem:s8+$0x0] =	vst v11  }
0x2df: {  	v9 =	vld.idx.msk [tilespmem:v7+s28+$0x0], $0xffff;
	s9 =	sor.u32 s18, s23;
	s23 =	sld [smem:$0x7D8]  }
0x2e0: {  	v14 =	vld.idx.msk [tilespmem:v1+s11+$0x0], $0xffff;
	[tilespmem:s9+$0x0] =	vst v10  }
0x2e1: {  	v10 =	vld.idx.msk [tilespmem:v5+s24+$0x0], $0xffff;
	[tilespmem:s2+$0x380] =	vst v12  }
0x2e2: {  	s10 =	sor.u32 s14, s10;
	s2 =	sor.u32 $0x9380, s19;
	v11 =	vld.idx.msk [tilespmem:v4+s23+$0x0], $0xffff;
	[dreg:$0x14] =	wrdreg s24  }
0x2e3: {  	[tilespmem:s10+$0x0] =	vst v13;
	v13 =	vld.idx.msk [tilespmem:v3+s23+$0x0], $0xffff;
	s23 =	sor.u32 s12, s2  }
0x2e4: {  	s3 =	sadd.s32 $0x8400, s16;
	v12 =	vld.idx.msk [tilespmem:v8+s24+$0x0], $0xffff;
	[tilespmem:s23+$0x0] =	vst v9  }
0x2e5: {  	s24 =	sor.u32 s15, s3;
	[smem:$0x7D9] =	sst s11  }
0x2e6: {  	s10 =	sor.u32 $0x8080, s29;
	[tilespmem:s24+$0x0] =	vst v14  }
0x2e7: {  	s31 =	sadd.s32 $0x1F60, s31;
	s23 =	sor.u32 s5, s10;
	v9 =	vld.idx.msk [tilespmem:v2+s11+$0x0], $0xffff;
	[tilespmem:s8+$0x80] =	vst v10  }
0x2e8: {  	v7 =	vld.idx.msk [tilespmem:v7+s31+$0x0], $0xffff;
	[tilespmem:s23+$0x0] =	vst v11  }
0x2e9: {  	s24 =	sld [smem:$0x7DA];
	[tilespmem:s9+$0x80] =	vst v12  }
0x2ea: {  	s10 =	sor.u32 s17, s10;
	v11 =	vld.idx.msk [tilespmem:v1+s25+$0x0], $0xffff;
	s11 =	rddreg [dreg:$0x15]  }
0x2eb: {  	s3 =	sor.u32 s14, s3;
	[tilespmem:s10+$0x0] =	vst v13;
	s10 =	sadd.s32 $0x9400, s19;
	v12 =	vld.idx.msk [tilespmem:v5+s11+$0x0], $0xffff  }
0x2ec: {  	s12 =	sor.u32 s12, s10;
	v10 =	vld.idx.msk [tilespmem:v4+s24+$0x0], $0xffff;
	[tilespmem:s3+$0x0] =	vst v9  }
0x2ed: {  	v13 =	vld.idx.msk [tilespmem:v8+s11+$0x0], $0xffff;
	s11 =	sor.u32 $0x9080, s16;
	[tilespmem:s12+$0x0] =	vst v7  }
0x2ee: {  	v9 =	vld.idx.msk [tilespmem:v3+s24+$0x0], $0xffff;
	s23 =	sor.u32 s15, s11;
	[smem:$0x7DB] =	sst s25  }
0x2ef: {  	s19 =	sor.u32 $0x8100, s29;
	[tilespmem:s23+$0x0] =	vst v11  }
0x2f0: {  	s24 =	sor.u32 s5, s19;
	v7 =	vld.idx.msk [tilespmem:v2+s25+$0x0], $0xffff;
	[tilespmem:s8+$0x100] =	vst v12  }
0x2f1: {  	v11 =	vld.idx.msk [tilespmem:v6+s26+$0x0], $0xffff;
	[tilespmem:s24+$0x0] =	vst v10  }
0x2f2: {  	s25 =	sld [smem:$0x7DC];
	[tilespmem:s9+$0x100] =	vst v13  }
0x2f3: {  	s3 =	sor.u32 s17, s19;
	v10 =	vld.idx.msk [tilespmem:v1+s21+$0x0], $0xffff;
	s12 =	rddreg [dreg:$0x17]  }
0x2f4: {  	s11 =	sor.u32 s14, s11;
	[tilespmem:s3+$0x0] =	vst v9;
	v13 =	vld.idx.msk [tilespmem:v5+s12+$0x0], $0xffff  }
0x2f5: {  	[tilespmem:s11+$0x0] =	vst v7;
	v9 =	vld.idx.msk [tilespmem:v8+s12+$0x0], $0xffff;
	s12 =	sor.u32 s20, s6  }
0x2f6: {  	v12 =	vld.idx.msk [tilespmem:v4+s25+$0x0], $0xffff;
	[tilespmem:s12+$0x0] =	vst v11  }
0x2f7: {  	s19 =	sor.u32 $0x9100, s16;
	v7 =	vld.idx.msk [tilespmem:v3+s25+$0x0], $0xffff;
	[smem:$0x7DD] =	sst s21  }
0x2f8: {  	s23 =	sor.u32 s15, s19;
	v11 =	vld.idx.msk [tilespmem:v2+s21+$0x0], $0xffff  }
0x2f9: {  	s21 =	sor.u32 $0x8180, s29;
	[tilespmem:s23+$0x0] =	vst v10  }
0x2fa: {  	v10 =	vld.idx.msk [tilespmem:v6+s28+$0x0], $0xffff;
	s24 =	sor.u32 s5, s21;
	[tilespmem:s8+$0x180] =	vst v13  }
0x2fb: {  	[tilespmem:s24+$0x0] =	vst v12  }
0x2fc: {  	s6 =	sor.u32 s14, s19;
	s25 =	sld [smem:$0x7DE];
	[tilespmem:s9+$0x180] =	vst v9  }
0x2fd: {  	v14 =	vld.idx.msk [tilespmem:v1+s1+$0x0], $0xffff;
	s11 =	sld [smem:$0x7DF];
	[tilespmem:s6+$0x0] =	vst v11  }
0x2fe: {  	s2 =	sor.u32 s20, s2;
	v12 =	vld.idx.msk [tilespmem:v2+s1+$0x0], $0xffff  }
0x2ff: {  	[tilespmem:s2+$0x0] =	vst v10;
	v18 =	vld.idx.msk [tilespmem:v4+s25+$0x0], $0xffff  }
0x300: {  	v13 =	vld.idx.msk [tilespmem:v6+s31+$0x0], $0xffff  }
0x301: {  	s19 =	sor.u32 $0x9180, s16;
	s3 =	sor.u32 s17, s21;
	v16 =	vld.idx.msk [tilespmem:v8+s11+$0x0], $0xffff  }
0x302: {  	s23 =	sor.u32 s15, s19;
	s21 =	sor.u32 $0x8200, s29;
	[tilespmem:s3+$0x0] =	vst v7;
	v17 =	vld.idx.msk [tilespmem:v5+s11+$0x0], $0xffff  }
0x303: {  	s6 =	sor.u32 s20, s10;
	s2 =	sor.u32 s14, s19;
	[tilespmem:s23+$0x0] =	vst v14;
	v15 =	vld.idx.msk [tilespmem:v3+s25+$0x0], $0xffff;
	s25 =	sor.u32 s5, s21  }
0x304: {  	v9 =	vmovc v4;
	v7 =	vmov v5;
	v10 =	vmov v5;
	s10 =	simm.s32 $0x6;
	v6 =	vmov v8;
	v11 =	vld.idx.msk [tilespmem:v1+s0+$0x0], $0xffff;
	s24 =	smov.u32 s11;
	s11 =	sor.u32 s17, s21;
	[tilespmem:s25+$0x0] =	vst v18  }
.LBB2_11:
0x305: {  	s23 =	sld [smem:$0x7D5]  }
0x306: {  	[tilespmem:s9+$0x200] =	vst v16;
	s20 =	rddreg [dreg:$0x18]  }
0x307: {  	v8 =	vld.idx.msk [tilespmem:v8+s20+$0x0], $0xffff;
	[tilespmem:s8+$0x200] =	vst v17  }
0x308: {  	s4 =	sadd.s32 $0x20, s4;
	v17 =	vld.idx.msk [tilespmem:v4+s23+$0x0], $0xffff  }
0x309: {  	s12 =	rddreg [dreg:$0x5];
	s19 =	sand.u32 $0x180, s4;
	s3 =	sand.u32 $0x60, s4;
	[tilespmem:s11+$0x0] =	vst v15;
	v16 =	vld.idx.msk [tilespmem:v7+s20+$0x0], $0xffff  }
0x30a: {  	s21 =	sor.u32 $0x9200, s16;
	s12 =	sadd.s32 s19, s12;
	s11 =	sor.u32 $0x10, s3;
	v15 =	vld.idx.msk [tilespmem:v3+s23+$0x0], $0xffff;
	[tilespmem:s2+$0x0] =	vst v12  }
0x30b: {  	s25 =	sor.u32 s15, s21;
	s23 =	sadd.s32 s11, s12;
	v12 =	vld.idx.msk [tilespmem:v2+s0+$0x0], $0xffff;
	[tilespmem:s6+$0x0] =	vst v13  }
0x30c: {  	v14 =	vmov v5;
	s20 =	sor.u32 $0x8280, s29;
	s6 =	sadd.s32 s3, s12;
	v5 =	vld [tilespmem:s23+$0x0];
	[tilespmem:s25+$0x0] =	vst v11  }
0x30d: {  	s2 =	sor.u32 s17, s20;
	s20 =	sor.u32 s5, s20;
	s23 =	sld [smem:$0x7D6];
	[tilespmem:s9+$0x280] =	vst v8  }
0x30e: {  	v8 =	vld [tilespmem:s6+$0x0];
	[tilespmem:s20+$0x0] =	vst v17  }
0x30f: {  	v11 =	vld.idx.msk [tilespmem:v1+s30+$0x0], $0xffff;
	[tilespmem:s8+$0x280] =	vst v16  }
0x310: {  	s25 =	rddreg [dreg:$0x1a];
	v13 =	vld.idx.msk [tilespmem:v4+s23+$0x0], $0xffff  }
0x311: {  	v16 =	vld.idx.msk [tilespmem:v7+s25+$0x0], $0xffff  }
0x312: {  	s21 =	sor.u32 s14, s21;
	s19 =	sor.u32 $0x9280, s16;
	[tilespmem:s2+$0x0] =	vst v15  }
0x313: {  	s20 =	sor.u32 $0x8300, s29;
	s2 =	sor.u32 s15, s19;
	v15 =	vld.idx.msk [tilespmem:v6+s25+$0x0], $0xffff;
	[tilespmem:s21+$0x0] =	vst v12  }
0x314: {  	s21 =	sor.u32 s17, s20;
	s6 =	sor.u32 s5, s20;
	s20 =	sld [smem:$0x7D7];
	v12 =	vld.idx.msk [tilespmem:v3+s23+$0x0], $0xffff;
	[tilespmem:s2+$0x0] =	vst v11  }
0x315: {  	v17 =	vld.idx.msk [tilespmem:v2+s30+$0x0], $0xffff;
	[tilespmem:s6+$0x0] =	vst v13  }
0x316: {  	v11 =	vld.idx.msk [tilespmem:v1+s26+$0x0], $0xffff;
	[tilespmem:s8+$0x300] =	vst v16  }
0x317: {  	s23 =	rddreg [dreg:$0x1c];
	v13 =	vld.idx.msk [tilespmem:v4+s20+$0x0], $0xffff  }
0x318: {  	s25 =	rddreg [dreg:$0x12];
	[tilespmem:s9+$0x300] =	vst v15;
	v16 =	vld.idx.msk [tilespmem:v7+s23+$0x0], $0xffff  }
0x319: {  	s2 =	sor.u32 $0x9300, s16;
	v15 =	vld.idx.msk [tilespmem:v8+s25+$0x0], $0xffff;
	[tilespmem:s21+$0x0] =	vst v12  }
0x31a: {  	s7 =	sadd.s32 $0x100, s7;
	s21 =	sor.u32 $0x8380, s29;
	v12 =	vld.idx.msk [tilespmem:v6+s23+$0x0], $0xffff;
	s23 =	sor.u32 s15, s2  }
0x31b: {  	s12 =	sor.u32 s14, s19;
	s19 =	sand.u32 $0xC00, s7;
	s6 =	sor.u32 s5, s21;
	v18 =	vld.idx.msk [tilespmem:v5+s25+$0x0], $0xffff;
	[tilespmem:s23+$0x0] =	vst v11  }
0x31c: {  	s25 =	sor.u32 $0x7080, s19;
	[tilespmem:s6+$0x0] =	vst v13  }
0x31d: {  	s6 =	sor.u32 s3, s25;
	v11 =	vld.idx.msk [tilespmem:v1+s28+$0x0], $0xffff;
	[tilespmem:s8+$0x380] =	vst v16;
	s8 =	sor.u32 s11, s25;
	s25 =	sld [smem:$0x7D9]  }
0x31e: {  	[tilespmem:s12+$0x0] =	vst v17  }
0x31f: {  	v17 =	vld.idx.msk [tilespmem:v3+s20+$0x0], $0xffff;
	s23 =	sld [smem:$0x7D8]  }
0x320: {  	s20 =	sor.u32 s17, s21;
	s21 =	rddreg [dreg:$0x14];
	[tilespmem:s6+$0x0] =	vst v15;
	v13 =	vld.idx.msk [tilespmem:v4+s25+$0x0], $0xffff  }
0x321: {  	[tilespmem:s8+$0x0] =	vst v18;
	v18 =	vld.idx.msk [tilespmem:v8+s21+$0x0], $0xffff  }
0x322: {  	v16 =	vld.idx.msk [tilespmem:v7+s23+$0x0], $0xffff  }
0x323: {  	[tilespmem:s9+$0x380] =	vst v12;
	v15 =	vld.idx.msk [tilespmem:v5+s21+$0x0], $0xffff;
	s21 =	sor.u32 $0x9380, s16  }
0x324: {  	s9 =	smov.u32 s6;
	s6 =	sadd.s32 $0x8400, s29;
	v12 =	vld.idx.msk [tilespmem:v6+s23+$0x0], $0xffff;
	[tilespmem:s20+$0x0] =	vst v17;
	s20 =	sor.u32 s15, s21  }
0x325: {  	s23 =	sor.u32 s17, s6;
	s6 =	sor.u32 s5, s6;
	[tilespmem:s20+$0x0] =	vst v11  }
0x326: {  	s12 =	sor.u32 s14, s21;
	s21 =	sor.u32 $0x8080, s13;
	v17 =	vld.idx.msk [tilespmem:v3+s25+$0x0], $0xffff;
	s25 =	sld [smem:$0x7DB];
	[tilespmem:s6+$0x0] =	vst v13  }
0x327: {  	s20 =	sor.u32 s18, s21;
	s21 =	sor.u32 s22, s21;
	[tilespmem:s9+$0x80] =	vst v18;
	s6 =	rddreg [dreg:$0x15];
	v11 =	vld.idx.msk [tilespmem:v1+s31+$0x0], $0xffff  }
0x328: {  	[tilespmem:s21+$0x0] =	vst v16;
	s21 =	sld [smem:$0x7DA];
	v16 =	vld.idx.msk [tilespmem:v8+s6+$0x0], $0xffff  }
0x329: {  	v13 =	vld.idx.msk [tilespmem:v9+s25+$0x0], $0xffff;
	[tilespmem:s8+$0x80] =	vst v15  }
0x32a: {  	[tilespmem:s20+$0x0] =	vst v12;
	s20 =	sadd.s32 $0x9400, s16;
	s16 =	smov.u32 s29;
	v15 =	vld.idx.msk [tilespmem:v5+s6+$0x0], $0xffff  }
0x32b: {  	s29 =	smov.u32 s13;
	v9 =	vmov v14;
	s13 =	sor.u32 $0x9080, s16;
	v14 =	vld.idx.msk [tilespmem:v10+s21+$0x0], $0xffff  }
0x32c: {  	v1 =	vmov v4;
	s6 =	sor.u32 s14, s20;
	v12 =	vld.idx.msk [tilespmem:v6+s21+$0x0], $0xffff;
	[tilespmem:s23+$0x0] =	vst v17;
	s21 =	sor.u32 s15, s20;
	s23 =	sor.u32 $0x8100, s29  }
0x32d: {  	v4 =	vmov v7;
	s20 =	sor.u32 s17, s13;
	s13 =	sor.u32 s5, s13;
	v17 =	vld.idx.msk [tilespmem:v3+s25+$0x0], $0xffff;
	s25 =	sld [smem:$0x7DD];
	[tilespmem:s21+$0x0] =	vst v11  }
0x32e: {  	v7 =	vmov v5;
	s15 =	sor.u32 s22, s23;
	s21 =	sor.u32 s18, s23;
	v11 =	vld.idx.msk [tilespmem:v2+s26+$0x0], $0xffff;
	s23 =	sld [smem:$0x7DC];
	[tilespmem:s9+$0x100] =	vst v16  }
0x32f: {  	[tilespmem:s13+$0x0] =	vst v13;
	s13 =	smov.u32 s19;
	s19 =	rddreg [dreg:$0x17]  }
0x330: {  	v16 =	vld.idx.msk [tilespmem:v8+s19+$0x0], $0xffff;
	[tilespmem:s15+$0x0] =	vst v14  }
0x331: {  	v13 =	vld.idx.msk [tilespmem:v1+s25+$0x0], $0xffff;
	[tilespmem:s8+$0x100] =	vst v15  }
0x332: {  	s2 =	sor.u32 s14, s2;
	v14 =	vld.idx.msk [tilespmem:v4+s23+$0x0], $0xffff  }
0x333: {  	s14 =	smov.u32 s17;
	s17 =	smov.u32 s18;
	s18 =	smov.u32 s3;
	[tilespmem:s21+$0x0] =	vst v12;
	v15 =	vld.idx.msk [tilespmem:v7+s19+$0x0], $0xffff  }
0x334: {  	s15 =	smov.u32 s5;
	s5 =	smov.u32 s22;
	v12 =	vld.idx.msk [tilespmem:v6+s23+$0x0], $0xffff;
	[tilespmem:s20+$0x0] =	vst v17;
	s20 =	sor.u32 $0x9100, s16  }
0x335: {  	s22 =	smov.u32 s11;
	s21 =	sor.u32 $0x8180, s29;
	v18 =	vld.idx.msk [tilespmem:v3+s25+$0x0], $0xffff;
	s3 =	sor.u32 s15, s20;
	[tilespmem:s2+$0x0] =	vst v11  }
0x336: {  	s11 =	sor.u32 s5, s21;
	s23 =	sor.u32 s14, s20;
	s20 =	sld [smem:$0x7DE];
	[tilespmem:s3+$0x0] =	vst v13  }
0x337: {  	v11 =	vld.idx.msk [tilespmem:v2+s28+$0x0], $0xffff;
	[tilespmem:s11+$0x0] =	vst v14  }
0x338: {  	v13 =	vld.idx.msk [tilespmem:v1+s1+$0x0], $0xffff;
	[tilespmem:s8+$0x180] =	vst v15  }
0x339: {  	s10 =	sadd.s32 $0x2, s10;
	s25 =	sor.u32 s17, s21;
	[tilespmem:s9+$0x180] =	vst v16;
	v14 =	vld.idx.msk [tilespmem:v4+s20+$0x0], $0xffff  }
0x33a: {  	p0 =	slt.u32 s10, $0x1E;
	v16 =	vld.idx.msk [tilespmem:v8+s24+$0x0], $0xffff;
	[tilespmem:s25+$0x0] =	vst v12  }
.Ltmp4:
0x33b: {  	s21 =	sor.u32 $0x9180, s16;
	v15 =	vld.idx.msk [tilespmem:v6+s20+$0x0], $0xffff;
	[tilespmem:s23+$0x0] =	vst v18;
	(pc) =	sbr.rel @p0 .LBB2_11-.Ltmp4, $4  }
0x33c: {  	s3 =	sor.u32 s15, s21;
	s23 =	sor.u32 $0x8200, s29;
	v12 =	vld.idx.msk [tilespmem:v3+s1+$0x0], $0xffff;
	[tilespmem:s12+$0x0] =	vst v11  }
0x33d: {  	v17 =	vld.idx.msk [tilespmem:v7+s24+$0x0], $0xffff;
	s25 =	sor.u32 s5, s23;
	[tilespmem:s3+$0x0] =	vst v13  }
0x33e: {  	v13 =	vld.idx.msk [tilespmem:v2+s31+$0x0], $0xffff;
	[tilespmem:s25+$0x0] =	vst v14  }
0x33f: {  	v10 =	vmovc v5;
	s2 =	sor.u32 s14, s21;
	s11 =	sor.u32 s17, s23;
	v2 =	vmov v3;
	v3 =	vmov v6;
	v6 =	vmov v8;
	v11 =	vld.idx.msk [tilespmem:v1+s0+$0x0], $0xffff  }
0x340: {  	_ = 	snop  }
0x341: {  	[tilespmem:s9+$0x200] =	vst v16  }
0x342: {  	[tilespmem:s8+$0x200] =	vst v17  }
0x343: {  	s3 =	rddreg [dreg:$0x18]  }
0x344: {  	v14 =	vld.idx.msk [tilespmem:v7+s3+$0x0], $0xffff  }
0x345: {  	v8 =	vld.idx.msk [tilespmem:v8+s3+$0x0], $0xffff;
	_ =	sdelay $0x3  }
0x346: {  	[tilespmem:s8+$0x280] =	vst v14  }
0x347: {  	[tilespmem:s9+$0x280] =	vst v8  }
0x348: {  	s21 =	rddreg [dreg:$0x1a]  }
0x349: {  	v54 =	vld.idx.msk [tilespmem:v7+s21+$0x0], $0xffff;
	_ =	sdelay $0x1  }
0x34a: {  	v55 =	vld.idx.msk [tilespmem:v6+s21+$0x0], $0xffff;
	_ =	sdelay $0x2  }
0x34b: {  	[tilespmem:s8+$0x300] =	vst v54  }
0x34c: {  	s23 =	rddreg [dreg:$0x1c]  }
0x34d: {  	[tilespmem:s9+$0x300] =	vst v55;
	v8 =	vld.idx.msk [tilespmem:v7+s23+$0x0], $0xffff  }
0x34e: {  	v14 =	vld.idx.msk [tilespmem:v6+s23+$0x0], $0xffff;
	_ =	sdelay $0x3  }
0x34f: {  	[tilespmem:s8+$0x380] =	vst v8  }
0x350: {  	[tilespmem:s9+$0x380] =	vst v14  }
0x351: {  	s24 =	sld [smem:$0x7D8];
	_ =	sdelay $0x2  }
0x352: {  	v8 =	vld.idx.msk [tilespmem:v7+s24+$0x0], $0xffff  }
0x353: {  	v14 =	vld.idx.msk [tilespmem:v6+s24+$0x0], $0xffff;
	_ =	sdelay $0x1  }
0x354: {  	s25 =	sor.u32 $0x8080, s13  }
0x355: {  	s4 =	sor.u32 s22, s25  }
0x356: {  	s3 =	sor.u32 s18, s25;
	[tilespmem:s4+$0x0] =	vst v8  }
0x357: {  	[tilespmem:s3+$0x0] =	vst v14  }
0x358: {  	s3 =	sld [smem:$0x7DA];
	_ =	sdelay $0x2  }
0x359: {  	v8 =	vld.idx.msk [tilespmem:v10+s3+$0x0], $0xffff  }
0x35a: {  	v56 =	vld.idx.msk [tilespmem:v6+s3+$0x0], $0xffff;
	_ =	sdelay $0x1  }
0x35b: {  	s7 =	sor.u32 $0x8100, s13  }
0x35c: {  	s8 =	sor.u32 s22, s7  }
0x35d: {  	s3 =	sor.u32 s18, s7;
	[tilespmem:s8+$0x0] =	vst v8  }
0x35e: {  	[tilespmem:s3+$0x0] =	vst v56  }
0x35f: {  	s3 =	sld [smem:$0x7DC];
	_ =	sdelay $0x2  }
0x360: {  	v8 =	vld.idx.msk [tilespmem:v7+s3+$0x0], $0xffff  }
0x361: {  	v10 =	vld.idx.msk [tilespmem:v6+s3+$0x0], $0xffff;
	_ =	sdelay $0x1  }
0x362: {  	s9 =	sor.u32 $0x8180, s13  }
0x363: {  	s10 =	sor.u32 s22, s9  }
0x364: {  	s3 =	sor.u32 s18, s9;
	[tilespmem:s10+$0x0] =	vst v8  }
0x365: {  	[tilespmem:s3+$0x0] =	vst v10  }
0x366: {  	s3 =	sld [smem:$0x7DE];
	_ =	sdelay $0x1  }
0x367: {  	s7 =	sld [smem:$0x7D5]  }
0x368: {  	v8 =	vld.idx.msk [tilespmem:v7+s3+$0x0], $0xffff  }
0x369: {  	v10 =	vld.idx.msk [tilespmem:v6+s3+$0x0], $0xffff  }
0x36a: {  	v57 =	vld.idx.msk [tilespmem:v4+s7+$0x0], $0xffff  }
0x36b: {  	s12 =	sor.u32 $0x8200, s13  }
0x36c: {  	s19 =	sor.u32 s22, s12;
	[tilespmem:s11+$0x0] =	vst v15  }
0x36d: {  	s20 =	sor.u32 $0x8280, s29;
	s3 =	sor.u32 s18, s12;
	[tilespmem:s19+$0x0] =	vst v8  }
0x36e: {  	s21 =	sor.u32 s5, s20;
	[tilespmem:s3+$0x0] =	vst v10  }
0x36f: {  	[tilespmem:s21+$0x0] =	vst v57  }
0x370: {  	v58 =	vld.idx.msk [tilespmem:v3+s7+$0x0], $0xffff;
	s24 =	sld [smem:$0x7D6]  }
0x371: {  	v59 =	vld.idx.msk [tilespmem:v7+s7+$0x0], $0xffff  }
0x372: {  	v10 =	vld.idx.msk [tilespmem:v6+s7+$0x0], $0xffff  }
0x373: {  	v14 =	vld.idx.msk [tilespmem:v4+s24+$0x0], $0xffff  }
0x374: {  	s23 =	sor.u32 $0x8280, s13;
	s3 =	sor.u32 s17, s20  }
0x375: {  	s25 =	sor.u32 s22, s23;
	[tilespmem:s3+$0x0] =	vst v58  }
0x376: {  	s4 =	sor.u32 s18, s23;
	s8 =	sor.u32 $0x8300, s29;
	[tilespmem:s25+$0x0] =	vst v59  }
0x377: {  	s9 =	sor.u32 s5, s8;
	[tilespmem:s4+$0x0] =	vst v10  }
0x378: {  	[tilespmem:s9+$0x0] =	vst v14  }
0x379: {  	v8 =	vld.idx.msk [tilespmem:v3+s24+$0x0], $0xffff;
	s11 =	sld [smem:$0x7D7]  }
0x37a: {  	v15 =	vld.idx.msk [tilespmem:v7+s24+$0x0], $0xffff  }
0x37b: {  	v10 =	vld.idx.msk [tilespmem:v6+s24+$0x0], $0xffff  }
0x37c: {  	v14 =	vld.idx.msk [tilespmem:v4+s11+$0x0], $0xffff  }
0x37d: {  	s10 =	sor.u32 $0x8300, s13;
	s3 =	sor.u32 s17, s8  }
0x37e: {  	s12 =	sor.u32 s22, s10;
	[tilespmem:s3+$0x0] =	vst v8  }
0x37f: {  	s19 =	sor.u32 s18, s10;
	s20 =	sor.u32 $0x8380, s29;
	[tilespmem:s12+$0x0] =	vst v15  }
0x380: {  	s21 =	sor.u32 s5, s20;
	[tilespmem:s19+$0x0] =	vst v10  }
0x381: {  	[tilespmem:s21+$0x0] =	vst v14  }
0x382: {  	v8 =	vld.idx.msk [tilespmem:v3+s11+$0x0], $0xffff;
	s24 =	sld [smem:$0x7D9]  }
0x383: {  	v15 =	vld.idx.msk [tilespmem:v7+s11+$0x0], $0xffff  }
0x384: {  	v10 =	vld.idx.msk [tilespmem:v6+s11+$0x0], $0xffff  }
0x385: {  	v14 =	vld.idx.msk [tilespmem:v4+s24+$0x0], $0xffff  }
0x386: {  	s23 =	sor.u32 $0x8380, s13;
	s3 =	sor.u32 s17, s20  }
0x387: {  	s25 =	sor.u32 s22, s23;
	[tilespmem:s3+$0x0] =	vst v8  }
0x388: {  	s8 =	sor.u32 s18, s23;
	s9 =	sadd.s32 $0x8400, s29;
	[tilespmem:s25+$0x0] =	vst v15  }
0x389: {  	s10 =	sor.u32 s5, s9;
	[tilespmem:s8+$0x0] =	vst v10  }
0x38a: {  	[tilespmem:s10+$0x0] =	vst v14  }
0x38b: {  	v8 =	vld.idx.msk [tilespmem:v3+s24+$0x0], $0xffff;
	s12 =	sld [smem:$0x7DB]  }
0x38c: {  	v15 =	vld.idx.msk [tilespmem:v7+s24+$0x0], $0xffff  }
0x38d: {  	v10 =	vld.idx.msk [tilespmem:v6+s24+$0x0], $0xffff  }
0x38e: {  	v9 =	vld.idx.msk [tilespmem:v9+s12+$0x0], $0xffff  }
0x38f: {  	s11 =	sadd.s32 $0x8400, s13;
	s3 =	sor.u32 s17, s9  }
0x390: {  	s19 =	sor.u32 s22, s11;
	[tilespmem:s3+$0x0] =	vst v8  }
0x391: {  	s20 =	sor.u32 s18, s11;
	s21 =	sor.u32 $0x9080, s29;
	[tilespmem:s19+$0x0] =	vst v15  }
0x392: {  	s23 =	sor.u32 s5, s21;
	[tilespmem:s20+$0x0] =	vst v10;
	v8 =	vld.idx.msk [tilespmem:v3+s12+$0x0], $0xffff  }
0x393: {  	v5 =	vld.idx.msk [tilespmem:v5+s12+$0x0], $0xffff;
	[tilespmem:s23+$0x0] =	vst v9  }
0x394: {  	v10 =	vld.idx.msk [tilespmem:v6+s12+$0x0], $0xffff;
	s25 =	sld [smem:$0x7DD];
	_ =	sdelay $0x1  }
0x395: {  	s24 =	sor.u32 $0x9080, s13;
	s3 =	sor.u32 s17, s21  }
0x396: {  	s8 =	sor.u32 s22, s24;
	[tilespmem:s3+$0x0] =	vst v8;
	v9 =	vld.idx.msk [tilespmem:v4+s25+$0x0], $0xffff  }
0x397: {  	s9 =	sor.u32 s18, s24;
	[tilespmem:s8+$0x0] =	vst v5;
	v60 =	vld.idx.msk [tilespmem:v3+s25+$0x0], $0xffff  }
0x398: {  	[tilespmem:s9+$0x0] =	vst v10;
	v61 =	vld.idx.msk [tilespmem:v7+s25+$0x0], $0xffff  }
0x399: {  	s10 =	sor.u32 $0x9100, s29;
	v10 =	vld.idx.msk [tilespmem:v6+s25+$0x0], $0xffff  }
0x39a: {  	s11 =	sor.u32 s5, s10;
	[tilespmem:s2+$0x0] =	vst v12  }
0x39b: {  	s12 =	sor.u32 $0x9100, s13;
	s3 =	sor.u32 s17, s10;
	[tilespmem:s11+$0x0] =	vst v9  }
0x39c: {  	s19 =	sor.u32 s22, s12;
	[tilespmem:s3+$0x0] =	vst v60;
	v9 =	vld.idx.msk [tilespmem:v4+s1+$0x0], $0xffff  }
0x39d: {  	s20 =	sor.u32 s18, s12;
	[tilespmem:s19+$0x0] =	vst v61;
	v5 =	vld.idx.msk [tilespmem:v3+s1+$0x0], $0xffff  }
0x39e: {  	[tilespmem:s20+$0x0] =	vst v10;
	s3 =	sor.u32 $0x9200, s16;
	v8 =	vld.idx.msk [tilespmem:v7+s1+$0x0], $0xffff  }
0x39f: {  	s21 =	sor.u32 $0x9180, s29;
	[tilespmem:s6+$0x0] =	vst v13;
	v10 =	vld.idx.msk [tilespmem:v6+s1+$0x0], $0xffff;
	s4 =	sor.u32 s15, s3  }
0x3a0: {  	s23 =	sor.u32 s5, s21;
	v12 =	vld.idx.msk [tilespmem:v2+s0+$0x0], $0xffff;
	[tilespmem:s4+$0x0] =	vst v11  }
0x3a1: {  	s24 =	sor.u32 $0x9180, s13;
	s1 =	sor.u32 s17, s21;
	v11 =	vld.idx.msk [tilespmem:v1+s30+$0x0], $0xffff;
	[tilespmem:s23+$0x0] =	vst v9  }
0x3a2: {  	s25 =	sor.u32 s22, s24;
	[tilespmem:s1+$0x0] =	vst v5;
	v9 =	vld.idx.msk [tilespmem:v4+s0+$0x0], $0xffff  }
0x3a3: {  	s2 =	sor.u32 s18, s24;
	[tilespmem:s25+$0x0] =	vst v8;
	v5 =	vld.idx.msk [tilespmem:v3+s0+$0x0], $0xffff  }
0x3a4: {  	s10 =	sor.u32 $0x9280, s16;
	[tilespmem:s2+$0x0] =	vst v10;
	s1 =	sor.u32 s14, s3;
	v8 =	vld.idx.msk [tilespmem:v7+s0+$0x0], $0xffff  }
0x3a5: {  	s6 =	sor.u32 $0x9200, s29;
	s11 =	sor.u32 s15, s10;
	v10 =	vld.idx.msk [tilespmem:v6+s0+$0x0], $0xffff;
	[tilespmem:s1+$0x0] =	vst v12  }
0x3a6: {  	s7 =	sor.u32 s5, s6;
	v12 =	vld.idx.msk [tilespmem:v2+s30+$0x0], $0xffff;
	[tilespmem:s11+$0x0] =	vst v11  }
0x3a7: {  	s8 =	sor.u32 $0x9200, s13;
	s0 =	sor.u32 s17, s6;
	v11 =	vld.idx.msk [tilespmem:v1+s26+$0x0], $0xffff;
	[tilespmem:s7+$0x0] =	vst v9  }
0x3a8: {  	s9 =	sor.u32 s22, s8;
	[tilespmem:s0+$0x0] =	vst v5;
	v9 =	vld.idx.msk [tilespmem:v4+s30+$0x0], $0xffff  }
0x3a9: {  	s1 =	sor.u32 s18, s8;
	[tilespmem:s9+$0x0] =	vst v8;
	v5 =	vld.idx.msk [tilespmem:v3+s30+$0x0], $0xffff  }
0x3aa: {  	s23 =	sor.u32 $0x9300, s16;
	[tilespmem:s1+$0x0] =	vst v10;
	s0 =	sor.u32 s14, s10;
	v8 =	vld.idx.msk [tilespmem:v7+s30+$0x0], $0xffff  }
0x3ab: {  	s12 =	sor.u32 $0x9280, s29;
	s24 =	sor.u32 s15, s23;
	v10 =	vld.idx.msk [tilespmem:v6+s30+$0x0], $0xffff;
	[tilespmem:s0+$0x0] =	vst v12  }
0x3ac: {  	s19 =	sor.u32 s5, s12;
	v12 =	vld.idx.msk [tilespmem:v2+s26+$0x0], $0xffff;
	[tilespmem:s24+$0x0] =	vst v11  }
0x3ad: {  	s20 =	sor.u32 $0x9280, s13;
	s1 =	sor.u32 s17, s12;
	v11 =	vld.idx.msk [tilespmem:v1+s28+$0x0], $0xffff;
	[tilespmem:s19+$0x0] =	vst v9  }
0x3ae: {  	s21 =	sor.u32 s22, s20;
	[tilespmem:s1+$0x0] =	vst v5;
	v9 =	vld.idx.msk [tilespmem:v4+s26+$0x0], $0xffff  }
0x3af: {  	s0 =	sor.u32 s18, s20;
	[tilespmem:s21+$0x0] =	vst v8;
	v5 =	vld.idx.msk [tilespmem:v3+s26+$0x0], $0xffff  }
0x3b0: {  	[tilespmem:s0+$0x0] =	vst v10;
	v8 =	vld.idx.msk [tilespmem:v7+s26+$0x0], $0xffff  }
0x3b1: {  	s25 =	sor.u32 s14, s23;
	v10 =	vld.idx.msk [tilespmem:v6+s26+$0x0], $0xffff;
	s26 =	sor.u32 $0x9300, s29  }
0x3b2: {  	[tilespmem:s25+$0x0] =	vst v12;
	s30 =	sor.u32 s5, s26  }
0x3b3: {  	s6 =	sor.u32 $0x9380, s16;
	v12 =	vld.idx.msk [tilespmem:v2+s28+$0x0], $0xffff;
	s2 =	sor.u32 s17, s26;
	[tilespmem:s30+$0x0] =	vst v9  }
0x3b4: {  	s3 =	sor.u32 $0x9300, s13;
	s7 =	sor.u32 s15, s6;
	[tilespmem:s2+$0x0] =	vst v5;
	v9 =	vld.idx.msk [tilespmem:v4+s28+$0x0], $0xffff  }
0x3b5: {  	s4 =	sor.u32 s22, s3;
	[tilespmem:s7+$0x0] =	vst v11;
	v5 =	vld.idx.msk [tilespmem:v3+s28+$0x0], $0xffff  }
0x3b6: {  	s1 =	sor.u32 s18, s3;
	v1 =	vld.idx.msk [tilespmem:v1+s31+$0x0], $0xffff;
	[tilespmem:s4+$0x0] =	vst v8  }
0x3b7: {  	s8 =	sor.u32 $0x9380, s29;
	s0 =	sor.u32 s14, s6;
	[tilespmem:s1+$0x0] =	vst v10;
	v8 =	vld.idx.msk [tilespmem:v7+s28+$0x0], $0xffff  }
0x3b8: {  	s9 =	sor.u32 s5, s8;
	v10 =	vld.idx.msk [tilespmem:v6+s28+$0x0], $0xffff;
	[tilespmem:s0+$0x0] =	vst v12  }
0x3b9: {  	s12 =	sadd.s32 $0x9400, s16;
	s1 =	sor.u32 s17, s8;
	v2 =	vld.idx.msk [tilespmem:v2+s31+$0x0], $0xffff;
	[tilespmem:s9+$0x0] =	vst v9  }
0x3ba: {  	s10 =	sor.u32 $0x9380, s13;
	s15 =	sor.u32 s15, s12;
	[tilespmem:s1+$0x0] =	vst v5;
	v62 =	vld.idx.msk [tilespmem:v4+s31+$0x0], $0xffff  }
0x3bb: {  	s11 =	sor.u32 s22, s10;
	[tilespmem:s15+$0x0] =	vst v1;
	v3 =	vld.idx.msk [tilespmem:v3+s31+$0x0], $0xffff  }
0x3bc: {  	s0 =	sor.u32 s18, s10;
	[tilespmem:s11+$0x0] =	vst v8  }
0x3bd: {  	s16 =	sadd.s32 $0x9400, s29;
	[tilespmem:s0+$0x0] =	vst v10;
	s1 =	sor.u32 s14, s12  }
0x3be: {  	s19 =	sor.u32 s5, s16;
	v63 =	vld.idx.msk [tilespmem:v7+s31+$0x0], $0xffff;
	[tilespmem:s1+$0x0] =	vst v2  }
0x3bf: {  	s0 =	sor.u32 s17, s16;
	v1 =	vld.idx.msk [tilespmem:v6+s31+$0x0], $0xffff;
	s2 =	sld [smem:$0x7D4];
	[tilespmem:s19+$0x0] =	vst v62  }
0x3c0: {  	[tilespmem:s0+$0x0] =	vst v3  }
0x3c1: {  	s20 =	sadd.s32 $0x9400, s13;
	s3 =	sld [smem:$0x7FA]  }
0x3c2: {  	s21 =	sor.u32 s22, s20;
	s2 =	smul.u32 $0x60000, s2  }
0x3c3: {  	s1 =	sor.u32 s18, s20;
	[tilespmem:s21+$0x0] =	vst v63  }
0x3c4: {  	s23 =	rddreg [dreg:$0x2];
	[tilespmem:s1+$0x0] =	vst v1;
	s3 =	sor.u32 s3, s2  }
0x3c5: {  	s26 =	sld [smem:$0x7FB];
	s22 =	sshrl.u32 s3, $0x3  }
0x3c6: {  	s24 =	simm.s32 $0x0;
	s25 =	simm.s32 $0x7080;
	s0 =	sadd.s32 s23, s22  }
0x3c7: {  	[hbm4b:s0+s24] =	stream.linear.scatter [tilespmem:s25], [sflag:$0x2], $0x1000, $0x38;
	[tilespmem:$0xA080] =	vst v63  }
0x3c8: {  	s0 =	sadd.s32 s26, s2  }
0x3c9: {  	s29 =	sld [smem:$0x7F9];
	s0 =	sshrl.u32 s0, $0x3  }
0x3ca: {  	s28 =	simm.s32 $0x8080;
	s0 =	sadd.s32 s23, s0  }
0x3cb: {  	[hbm4b:s0+s24] =	stream.linear.scatter [tilespmem:s28], [sflag:$0x2], $0x1000, $0x38;
	[tilespmem:$0xA080] =	vst v63  }
0x3cc: {  	s0 =	sadd.s32 s29, s2  }
0x3cd: {  	s31 =	sld [smem:$0x7E8];
	s0 =	sshrl.u32 s0, $0x3  }
0x3ce: {  	s30 =	simm.s32 $0x9080;
	s0 =	sadd.s32 s23, s0  }
0x3cf: {  	[hbm4b:s0+s24] =	stream.linear.scatter [tilespmem:s30], [sflag:$0x2], $0x1000, $0x38;
	[tilespmem:$0xA080] =	vst v63  }
0x3d0: {  	s0 =	sadd.s32 $0x1, s31  }
0x3d1: {  	p0 =	sne.s32 s0, $0x6  }
.Ltmp5:
0x3d2: {  	_ = 	snop;
	(pc) =	sbr.rel @p0 .LBB2_8-.Ltmp5, $1  }
0x3d3: {  	_ =	sdelay $0x3  }
0x3d4: {  	s0 =	simm.s32 $0x1  }
0x3d5: {  	_ =	swait.ge [sflag:s0], $0x1000  }
0x3d6: {  	[sflag:s0] =	ssyncset.done $0x0  }
0x3d7: {  	[sflag:s0] =	ssyncadd.s32 $0xFFFFF000  }
0x3d8: {  	_ =	swait.ge [sflag:s0], $0x1000  }
0x3d9: {  	[sflag:s0] =	ssyncset.done $0x0  }
0x3da: {  	[sflag:s0] =	ssyncadd.s32 $0xFFFFF000  }
0x3db: {  	_ =	swait.ge [sflag:s0], $0x1000  }
0x3dc: {  	[sflag:s0] =	ssyncset.done $0x0  }
0x3dd: {  	s1 =	simm.s32 $0x2;
	[sflag:s0] =	ssyncadd.s32 $0xFFFFF000  }
0x3de: {  	_ =	swait.ge [sflag:s1], $0x1000  }
0x3df: {  	[sflag:s1] =	ssyncset.done $0x0  }
0x3e0: {  	[sflag:s1] =	ssyncadd.s32 $0xFFFFF000  }
0x3e1: {  	_ =	swait.ge [sflag:s1], $0x1000  }
0x3e2: {  	[sflag:s1] =	ssyncset.done $0x0  }
0x3e3: {  	[sflag:s1] =	ssyncadd.s32 $0xFFFFF000  }
0x3e4: {  	_ =	swait.ge [sflag:s1], $0x1000  }
0x3e5: {  	s17 =	sld [smem:$0x7EA]  }
0x3e6: {  	s31 =	sld [smem:$0x7FD];
	_ =	sdelay $0x1  }
0x3e7: {  	s17 =	sadd.s32 $0x1, s17  }
0x3e8: {  	p0 =	sne.s32 s17, s31  }
.Ltmp6:
0x3e9: {  	_ = 	snop;
	(pc) =	sbr.rel @p0 .LBB2_1-.Ltmp6, $4  }
.Ltmp7:
0x3ea: {  	_ = 	snop;
	(pc) =	sbr.rel @!p0 .LBB2_14-.Ltmp7, $4  }
0x3eb: {  	_ = 	snop  }
0x3ec: {  	s14 =	simm.s32 $0x1800;
	[sflag:s1] =	ssyncset.done $0x0  }
0x3ed: {  	s15 =	simm.s32 $0x1B00;
	s16 =	simm.s32 $0x3;
	[sflag:s1] =	ssyncadd.s32 $0xFFFFF000  }
0x3ee: {  	_ = 	snop  }
.LBB2_2:
.Ltmp8:
0x3ef: {  	(pc) =	sbr.rel .LBB2_7-.Ltmp8, $2  }
0x3f0: {  	_ =	sdelay $0x2  }
0x3f1: {  	s2 =	simm.s32 $0x1CC0;
	s3 =	simm.s32 $0x60  }
.LBB2_4:
.Ltmp9:
0x3f2: {  	(pc) =	sbr.rel .LBB2_7-.Ltmp9, $2  }
0x3f3: {  	_ =	sdelay $0x2  }
0x3f4: {  	v21 =	vmovc v2;
	v20 =	vmovc v1;
	s2 =	simm.s32 $0x1CC0;
	s3 =	simm.s32 $0x60;
	v1 =	vmov v17;
	v8 =	vmov v15;
	v2 =	vmov v16  }
.LBB2_14:
0x3f5: {  	_ =	sfence.sel $0x180000  }
0x3f6: {  	[bflag:$0x0] =	sbarrier.arrive $0xFFFF  }
0x3f7: {  	_ =	strace $0x90000047  }
0x3f8: {  	s0 =	stileid.u32;
	[bflag:$0x2] =	sbarrier.arrive $0xFFFF  }
0x3f9: {  	p0 =	sne.s32 s0, $0x0;
	s0 =	rddreg [dreg:$0x3]  }
0x3fa: {  	s0 =	sadd.s32 @!p0 $0x100000, s0  }
0x3fb: {  	[sflag:s0] =	ssyncadd.tile.s32 @!p0 $0x1;
	_ =	shalt  }
.Lfunc_end2:
_tile_overlayer_lowered:
.L_overlay_start_2:
0x3fc: {  	(tag) =	ssettag $0x2  }
0x3fd: {  	s0 =	rddreg [dreg:$0x0];
	s2 =	stileid.u32  }
0x3fe: {  	s1 =	rddreg [dreg:$0x1];
	p0 =	sne.s32 s2, $0x0  }
0x3ff: {  	s3 =	rddreg [dreg:$0x2];
	[bflag:$0x3] =	sbarrier.arrive $0xFFFF;
	s2 =	simm.s32 @!p0 $0x1C04  }
0x400: {  	[timem:s3], [sflag:s2] =	dma.local @!p0 [hbm:s0], s1  }
0x401: {  	s0 =	simm.s32 @!p0 $0x4  }
0x402: {  	_ =	swait.ge @!p0 [sflag:s0], s1  }
0x403: {  	s1 =	ssub.s32 @!p0 $0x0, s1;
	[sflag:s0] =	ssyncset.done @!p0 $0x0  }
0x404: {  	[sflag:s0] =	ssyncadd.s32 @!p0 s1  }
0x405: {  	[bflag:$0x3] =	sbarrier.arrive $0xFFFF  }
0x406: {  	_ =	shalt  }

</sc_bundles>
